<compile_context>
chip_gen: v7x
topology: tpu7x:2x2x1
jax: 0.10.2.dev20260603
libtpu: 0.0.44.dev20260713+nightly
codegen_flags: <defaults>
</compile_context>

<pallas_src>
import functools

import jax
import jax.numpy as jnp
from jax import lax
from jax.experimental import pallas as pl
from jax.experimental.pallas import tpu as pltpu
from jax.experimental.pallas import tpu_sc as plsc

NBUF = 16


@functools.lru_cache(maxsize=None)
def _make_gather(batch, dim):
    info = plsc.get_sparse_core_info()
    nw = info.num_cores * info.num_subcores
    b_per_w = batch // nw
    n_grp = b_per_w // NBUF
    mesh = plsc.VectorSubcoreMesh(core_axis_name="c", subcore_axis_name="s")

    @functools.partial(
        pl.kernel,
        mesh=mesh,
        compiler_params=pltpu.CompilerParams(use_tc_tiling_on_sc=True, needs_layout_passes=False),
        out_type=jax.ShapeDtypeStruct((dim, batch), jnp.float32),
        scratch_types=[
            pltpu.VMEM((b_per_w,), jnp.int32),
            pltpu.VMEM((2, NBUF, dim, 128), jnp.float32),
            pltpu.VMEM((dim, b_per_w), jnp.float32),
            pltpu.SemaphoreType.DMA,
        ],
    )
    def gather_kernel(idx_hbm, table_t_hbm, out_t_hbm, idx_v, ring_v, stage_v, sem):
        wid = lax.axis_index("s") * info.num_cores + lax.axis_index("c")
        base = wid * b_per_w
        pltpu.sync_copy(idx_hbm.at[pl.ds(base, b_per_w)], idx_v)
        lanes = lax.iota(jnp.int32, 16) % dim

        def fire(vec, buf):
            for u in range(NBUF):
                t = pl.multiple_of(vec[u] & -128, 128)
                pltpu.async_copy(
                    table_t_hbm.at[:, pl.ds(t, 128)], ring_v.at[buf, u], sem
                )

        def drain(g, vec, buf):
            i0 = g * NBUF
            for u in range(NBUF):
                pltpu.make_async_copy(
                    table_t_hbm.at[:, pl.ds(0, 128)], ring_v.at[buf, u], sem
                ).wait()
                col = plsc.load_gather(
                    ring_v.at[buf, u],
                    [lanes, jnp.full((16,), vec[u] & 127, jnp.int32)],
                )
                plsc.store_scatter(
                    stage_v, [lanes, jnp.full((16,), i0 + u, jnp.int32)], col
                )

        vec0 = idx_v[pl.ds(0, NBUF)]
        fire(vec0, 0)

        def group(g, vec_cur):
            vec_next = idx_v[pl.ds((g + 1) * NBUF, NBUF)]
            fire(vec_next, lax.rem(g + 1, 2))
            drain(g, vec_cur, lax.rem(g, 2))
            return vec_next

        vec_last = lax.fori_loop(0, n_grp - 1, group, vec0, unroll=False)
        drain(n_grp - 1, vec_last, lax.rem(n_grp - 1, 2))
        pltpu.sync_copy(stage_v, out_t_hbm.at[:, pl.ds(base, b_per_w)])

    return gather_kernel


def kernel(element, table):
    batch = element.shape[0]
    dim = table.shape[1]
    idx = element.astype(jnp.int32)
    out_t = _make_gather(batch, dim)(idx, table.T)
    return out_t.T

# --- scband reference (transcript-rebuilt; emitter-appended) ---
"""Pipeline reference for scband-category-encoder-515396075865 (READ-ONLY COPY).

The authoritative reference and input builder live on the scoring server;
editing this copy changes nothing except your own understanding.
"""

import jax, jax.numpy as jnp
import numpy as np

NUM_EMBEDDINGS = 1000000
EMBED_DIM = 16
BATCH = 16384

def setup_inputs(seed: int = 0) -> dict:
    key = jax.random.key(seed)
    k_idx, k_tab = jax.random.split(key)
    element = jax.random.randint(k_idx, (BATCH,), 0, NUM_EMBEDDINGS, dtype=jnp.int64 if jax.config.jax_enable_x64 else jnp.int32)
    table = jax.random.normal(k_tab, (NUM_EMBEDDINGS, EMBED_DIM), dtype=jnp.float32)
    return {"element": element, "table": table}

def reference(element, table):
    # CategoryEncoder.forward: category_vector = self.embedding(element)
    category_vector = jnp.take(table, element, axis=0)
    return category_vector

if __name__ == "__main__":
    import jax
    _d = setup_inputs()
    print(jax.jit(kernel)(*tuple(_d.values())))

</pallas_src>

<mosaic_0001>
#map = affine_map<(d0, d1) -> (0)>
#map1 = affine_map<(d0, d1) -> (0, 0)>
module attributes {stable_mosaic.version = 14 : i64} {
  func.func @gather_kernel(%arg0: i32, %arg1: i32, %arg2: memref<16384xi32, #tpu.memory_space<hbm>>, %arg3: memref<16x1000000xf32, #tpu.memory_space<hbm>>, %arg4: memref<16x16384xf32, #tpu.memory_space<hbm>>, %arg5: memref<512xi32, #tpu.memory_space<vmem>>, %arg6: memref<2x16x16x128xf32, #tpu.memory_space<vmem>>, %arg7: memref<16x512xf32, #tpu.memory_space<vmem>>, %arg8: memref<!tpu.dma_semaphore, #tpu.memory_space<semaphore_mem>>) attributes {dimension_semantics = [#tpu.dimension_semantics<core_parallel>, #tpu.dimension_semantics<subcore_parallel>], iteration_bounds = array<i64: 2, 16>, scalar_prefetch = 0 : i64, scratch_operands = 4 : i64, tpu.core_type = #tpu.core_type<sc_vector_subcore>, window_params = [{transform_indices = #map}, {transform_indices = #map1}, {transform_indices = #map1}]} {
    %mul3A = arith.constant 2 : i32
    %mul3A_0 = arith.muli %arg1, %mul3A : i32
    %add3A = arith.addi %mul3A_0, %arg0 : i32
    %mul3A_1 = arith.constant 512 : i32
    %mul3A_2 = arith.muli %add3A, %mul3A_1 : i32
    "tpu.region"() ({
      %run_scoped3A = tpu.sem_alloc : memref<!tpu.dma_semaphore, #tpu.memory_space<semaphore_mem>>
      %dma_start3A_772 = tpu.memref_slice %arg2[%mul3A_2] : memref<16384xi32, #tpu.memory_space<hbm>> -> memref<512xi32, #tpu.memory_space<hbm>>
      %dma_start3A_773 = tpu.memref_slice %arg2[%mul3A_2] : memref<16384xi32, #tpu.memory_space<hbm>> -> memref<512xi32, #tpu.memory_space<hbm>>
      tpu.enqueue_dma source(%dma_start3A_773 : memref<512xi32, #tpu.memory_space<hbm>>) target(%arg5 : memref<512xi32, #tpu.memory_space<vmem>>) target_semaphore(%run_scoped3A : memref<!tpu.dma_semaphore, #tpu.memory_space<semaphore_mem>>)
      %dma_wait3A_774 = tpu.memref_slice %arg2[%mul3A_2] : memref<16384xi32, #tpu.memory_space<hbm>> -> memref<512xi32, #tpu.memory_space<hbm>>
      %dma_wait3A_775 = tpu.memref_slice %arg2[%mul3A_2] : memref<16384xi32, #tpu.memory_space<hbm>> -> memref<512xi32, #tpu.memory_space<hbm>>
      tpu.wait_dma2 semaphore(%run_scoped3A : memref<!tpu.dma_semaphore, #tpu.memory_space<semaphore_mem>>) src(%dma_wait3A_775 : memref<512xi32, #tpu.memory_space<hbm>>) dst(%arg5 : memref<512xi32, #tpu.memory_space<vmem>>)
      tpu.yield
    }) : () -> ()
    %iota3A = tpu.iota {dimensions = array<i32: 0>} : vector<16xi32>
    %jit3A = arith.constant 16 : i32
    %eq3A = arith.constant 0 : i32
    %eq3A_3 = arith.cmpi eq, %jit3A, %eq3A : i32
    %jit3A_4 = arith.constant 1 : i32
    %select_n3A = arith.select %eq3A_3, %jit3A_4, %jit3A : i32
    %rem3A = vector.broadcast %select_n3A : i32 to vector<16xi32>
    %rem3A_5 = arith.remsi %iota3A, %rem3A : vector<16xi32>
    %ne3A = arith.constant 0 : i32
    %ne3A_6 = vector.broadcast %ne3A : i32 to vector<16xi32>
    %ne3A_7 = arith.cmpi ne, %rem3A_5, %ne3A_6 : vector<16xi32>
    %lt3A = arith.constant 0 : i32
    %lt3A_8 = vector.broadcast %lt3A : i32 to vector<16xi32>
    %lt3A_9 = arith.cmpi slt, %rem3A_5, %lt3A_8 : vector<16xi32>
    %lt3A_10 = arith.constant 0 : i32
    %lt3A_11 = arith.cmpi slt, %select_n3A, %lt3A_10 : i32
    %ne3A_12 = vector.broadcast %lt3A_11 : i1 to vector<16xi1>
    %ne3A_13 = vector.broadcast %ne3A_12 : vector<16xi1> to vector<16xi1>
    %ne3A_14 = arith.xori %lt3A_9, %ne3A_13 : vector<16xi1>
    %and3A = arith.andi %ne3A_14, %ne3A_7 : vector<16xi1>
    %add3A_15 = vector.broadcast %select_n3A : i32 to vector<16xi32>
    %add3A_16 = arith.addi %rem3A_5, %add3A_15 : vector<16xi32>
    %select_n3A_17 = arith.select %and3A, %add3A_16, %rem3A_5 : vector<16xi1>, vector<16xi32>
    %get3A = arith.constant 0 : index
    %get3A_18 = tpu.vector_load %arg5[%get3A] {strides = array<i32>} : memref<512xi32, #tpu.memory_space<vmem>>, vector<16xi32>,
    %slice3A = vector.extract_strided_slice %get3A_18 {offsets = [0], sizes = [1], strides = [1]} : vector<16xi32> to vector<1xi32>
    %squeeze3A = vector.extract %slice3A[0] : i32 from vector<1xi32>
    %and3A_19 = arith.constant -128 : i32
    %and3A_20 = arith.andi %squeeze3A, %and3A_19 : i32
    %multiple_of3A = tpu.assume_multiple %and3A_20, 128 : i32
    %dma_start3A = arith.constant 0 : i32
    %dma_start3A_21 = arith.constant 0 : i32
    %dma_start3A_22 = arith.constant 0 : i32
    %dma_start3A_23 = arith.constant 0 : i32
    %dma_start3A_24 = tpu.memref_slice %arg6[%dma_start3A, %dma_start3A_21, %dma_start3A_22, %dma_start3A_23] : memref<2x16x16x128xf32, #tpu.memory_space<vmem>> -> memref<1x1x16x128xf32, #tpu.memory_space<vmem>>
    %dma_start3A_25 = tpu.memref_squeeze %dma_start3A_24 : memref<1x1x16x128xf32, #tpu.memory_space<vmem>> -> memref<16x128xf32, #tpu.memory_space<vmem>>
    %dma_start3A_26 = arith.constant 0 : i32
    %dma_start3A_27 = tpu.memref_slice %arg3[%dma_start3A_26, %multiple_of3A] : memref<16x1000000xf32, #tpu.memory_space<hbm>> -> memref<16x128xf32, #tpu.memory_space<hbm>>
    %dma_start3A_28 = arith.constant 0 : i32
    %dma_start3A_29 = arith.constant 0 : i32
    %dma_start3A_30 = tpu.memref_slice %arg6[%dma_start3A, %dma_start3A_21, %dma_start3A_28, %dma_start3A_29] : memref<2x16x16x128xf32, #tpu.memory_space<vmem>> -> memref<1x1x16x128xf32, #tpu.memory_space<vmem>>
    %dma_start3A_31 = tpu.memref_squeeze %dma_start3A_30 : memref<1x1x16x128xf32, #tpu.memory_space<vmem>> -> memref<16x128xf32, #tpu.memory_space<vmem>>
    %dma_start3A_32 = arith.constant 0 : i32
    %dma_start3A_33 = tpu.memref_slice %arg3[%dma_start3A_32, %multiple_of3A] : memref<16x1000000xf32, #tpu.memory_space<hbm>> -> memref<16x128xf32, #tpu.memory_space<hbm>>
    tpu.enqueue_dma source(%dma_start3A_33 : memref<16x128xf32, #tpu.memory_space<hbm>>) target(%dma_start3A_31 : memref<16x128xf32, #tpu.memory_space<vmem>>) target_semaphore(%arg8 : memref<!tpu.dma_semaphore, #tpu.memory_space<semaphore_mem>>)
    %slice3A_34 = vector.extract_strided_slice %get3A_18 {offsets = [1], sizes = [1], strides = [1]} : vector<16xi32> to vector<1xi32>
    %squeeze3A_35 = vector.extract %slice3A_34[0] : i32 from vector<1xi32>
    %and3A_36 = arith.constant -128 : i32
    %and3A_37 = arith.andi %squeeze3A_35, %and3A_36 : i32
    %multiple_of3A_38 = tpu.assume_multiple %and3A_37, 128 : i32
    %dma_start3A_39 = arith.constant 0 : i32
    %dma_start3A_40 = arith.constant 1 : i32
    %dma_start3A_41 = arith.constant 0 : i32
    %dma_start3A_42 = arith.constant 0 : i32
    %dma_start3A_43 = tpu.memref_slice %arg6[%dma_start3A_39, %dma_start3A_40, %dma_start3A_41, %dma_start3A_42] : memref<2x16x16x128xf32, #tpu.memory_space<vmem>> -> memref<1x1x16x128xf32, #tpu.memory_space<vmem>>
    %dma_start3A_44 = tpu.memref_squeeze %dma_start3A_43 : memref<1x1x16x128xf32, #tpu.memory_space<vmem>> -> memref<16x128xf32, #tpu.memory_space<vmem>>
    %dma_start3A_45 = arith.constant 0 : i32
    %dma_start3A_46 = tpu.memref_slice %arg3[%dma_start3A_45, %multiple_of3A_38] : memref<16x1000000xf32, #tpu.memory_space<hbm>> -> memref<16x128xf32, #tpu.memory_space<hbm>>
    %dma_start3A_47 = arith.constant 0 : i32
    %dma_start3A_48 = arith.constant 0 : i32
    %dma_start3A_49 = tpu.memref_slice %arg6[%dma_start3A_39, %dma_start3A_40, %dma_start3A_47, %dma_start3A_48] : memref<2x16x16x128xf32, #tpu.memory_space<vmem>> -> memref<1x1x16x128xf32, #tpu.memory_space<vmem>>
    %dma_start3A_50 = tpu.memref_squeeze %dma_start3A_49 : memref<1x1x16x128xf32, #tpu.memory_space<vmem>> -> memref<16x128xf32, #tpu.memory_space<vmem>>
    %dma_start3A_51 = arith.constant 0 : i32
    %dma_start3A_52 = tpu.memref_slice %arg3[%dma_start3A_51, %multiple_of3A_38] : memref<16x1000000xf32, #tpu.memory_space<hbm>> -> memref<16x128xf32, #tpu.memory_space<hbm>>
    tpu.enqueue_dma source(%dma_start3A_52 : memref<16x128xf32, #tpu.memory_space<hbm>>) target(%dma_start3A_50 : memref<16x128xf32, #tpu.memory_space<vmem>>) target_semaphore(%arg8 : memref<!tpu.dma_semaphore, #tpu.memory_space<semaphore_mem>>)
    %slice3A_53 = vector.extract_strided_slice %get3A_18 {offsets = [2], sizes = [1], strides = [1]} : vector<16xi32> to vector<1xi32>
    %squeeze3A_54 = vector.extract %slice3A_53[0] : i32 from vector<1xi32>
    %and3A_55 = arith.constant -128 : i32
    %and3A_56 = arith.andi %squeeze3A_54, %and3A_55 : i32
    %multiple_of3A_57 = tpu.assume_multiple %and3A_56, 128 : i32
    %dma_start3A_58 = arith.constant 0 : i32
    %dma_start3A_59 = arith.constant 2 : i32
    %dma_start3A_60 = arith.constant 0 : i32
    %dma_start3A_61 = arith.constant 0 : i32
    %dma_start3A_62 = tpu.memref_slice %arg6[%dma_start3A_58, %dma_start3A_59, %dma_start3A_60, %dma_start3A_61] : memref<2x16x16x128xf32, #tpu.memory_space<vmem>> -> memref<1x1x16x128xf32, #tpu.memory_space<vmem>>
    %dma_start3A_63 = tpu.memref_squeeze %dma_start3A_62 : memref<1x1x16x128xf32, #tpu.memory_space<vmem>> -> memref<16x128xf32, #tpu.memory_space<vmem>>
    %dma_start3A_64 = arith.constant 0 : i32
    %dma_start3A_65 = tpu.memref_slice %arg3[%dma_start3A_64, %multiple_of3A_57] : memref<16x1000000xf32, #tpu.memory_space<hbm>> -> memref<16x128xf32, #tpu.memory_space<hbm>>
    %dma_start3A_66 = arith.constant 0 : i32
    %dma_start3A_67 = arith.constant 0 : i32
    %dma_start3A_68 = tpu.memref_slice %arg6[%dma_start3A_58, %dma_start3A_59, %dma_start3A_66, %dma_start3A_67] : memref<2x16x16x128xf32, #tpu.memory_space<vmem>> -> memref<1x1x16x128xf32, #tpu.memory_space<vmem>>
    %dma_start3A_69 = tpu.memref_squeeze %dma_start3A_68 : memref<1x1x16x128xf32, #tpu.memory_space<vmem>> -> memref<16x128xf32, #tpu.memory_space<vmem>>
    %dma_start3A_70 = arith.constant 0 : i32
    %dma_start3A_71 = tpu.memref_slice %arg3[%dma_start3A_70, %multiple_of3A_57] : memref<16x1000000xf32, #tpu.memory_space<hbm>> -> memref<16x128xf32, #tpu.memory_space<hbm>>
    tpu.enqueue_dma source(%dma_start3A_71 : memref<16x128xf32, #tpu.memory_space<hbm>>) target(%dma_start3A_69 : memref<16x128xf32, #tpu.memory_space<vmem>>) target_semaphore(%arg8 : memref<!tpu.dma_semaphore, #tpu.memory_space<semaphore_mem>>)
    %slice3A_72 = vector.extract_strided_slice %get3A_18 {offsets = [3], sizes = [1], strides = [1]} : vector<16xi32> to vector<1xi32>
    %squeeze3A_73 = vector.extract %slice3A_72[0] : i32 from vector<1xi32>
    %and3A_74 = arith.constant -128 : i32
    %and3A_75 = arith.andi %squeeze3A_73, %and3A_74 : i32
    %multiple_of3A_76 = tpu.assume_multiple %and3A_75, 128 : i32
    %dma_start3A_77 = arith.constant 0 : i32
    %dma_start3A_78 = arith.constant 3 : i32
    %dma_start3A_79 = arith.constant 0 : i32
    %dma_start3A_80 = arith.constant 0 : i32
    %dma_start3A_81 = tpu.memref_slice %arg6[%dma_start3A_77, %dma_start3A_78, %dma_start3A_79, %dma_start3A_80] : memref<2x16x16x128xf32, #tpu.memory_space<vmem>> -> memref<1x1x16x128xf32, #tpu.memory_space<vmem>>
    %dma_start3A_82 = tpu.memref_squeeze %dma_start3A_81 : memref<1x1x16x128xf32, #tpu.memory_space<vmem>> -> memref<16x128xf32, #tpu.memory_space<vmem>>
    %dma_start3A_83 = arith.constant 0 : i32
    %dma_start3A_84 = tpu.memref_slice %arg3[%dma_start3A_83, %multiple_of3A_76] : memref<16x1000000xf32, #tpu.memory_space<hbm>> -> memref<16x128xf32, #tpu.memory_space<hbm>>
    %dma_start3A_85 = arith.constant 0 : i32
    %dma_start3A_86 = arith.constant 0 : i32
    %dma_start3A_87 = tpu.memref_slice %arg6[%dma_start3A_77, %dma_start3A_78, %dma_start3A_85, %dma_start3A_86] : memref<2x16x16x128xf32, #tpu.memory_space<vmem>> -> memref<1x1x16x128xf32, #tpu.memory_space<vmem>>
    %dma_start3A_88 = tpu.memref_squeeze %dma_start3A_87 : memref<1x1x16x128xf32, #tpu.memory_space<vmem>> -> memref<16x128xf32, #tpu.memory_space<vmem>>
    %dma_start3A_89 = arith.constant 0 : i32
    %dma_start3A_90 = tpu.memref_slice %arg3[%dma_start3A_89, %multiple_of3A_76] : memref<16x1000000xf32, #tpu.memory_space<hbm>> -> memref<16x128xf32, #tpu.memory_space<hbm>>
    tpu.enqueue_dma source(%dma_start3A_90 : memref<16x128xf32, #tpu.memory_space<hbm>>) target(%dma_start3A_88 : memref<16x128xf32, #tpu.memory_space<vmem>>) target_semaphore(%arg8 : memref<!tpu.dma_semaphore, #tpu.memory_space<semaphore_mem>>)
    %slice3A_91 = vector.extract_strided_slice %get3A_18 {offsets = [4], sizes = [1], strides = [1]} : vector<16xi32> to vector<1xi32>
    %squeeze3A_92 = vector.extract %slice3A_91[0] : i32 from vector<1xi32>
    %and3A_93 = arith.constant -128 : i32
    %and3A_94 = arith.andi %squeeze3A_92, %and3A_93 : i32
    %multiple_of3A_95 = tpu.assume_multiple %and3A_94, 128 : i32
    %dma_start3A_96 = arith.constant 0 : i32
    %dma_start3A_97 = arith.constant 4 : i32
    %dma_start3A_98 = arith.constant 0 : i32
    %dma_start3A_99 = arith.constant 0 : i32
    %dma_start3A_100 = tpu.memref_slice %arg6[%dma_start3A_96, %dma_start3A_97, %dma_start3A_98, %dma_start3A_99] : memref<2x16x16x128xf32, #tpu.memory_space<vmem>> -> memref<1x1x16x128xf32, #tpu.memory_space<vmem>>
    %dma_start3A_101 = tpu.memref_squeeze %dma_start3A_100 : memref<1x1x16x128xf32, #tpu.memory_space<vmem>> -> memref<16x128xf32, #tpu.memory_space<vmem>>
    %dma_start3A_102 = arith.constant 0 : i32
    %dma_start3A_103 = tpu.memref_slice %arg3[%dma_start3A_102, %multiple_of3A_95] : memref<16x1000000xf32, #tpu.memory_space<hbm>> -> memref<16x128xf32, #tpu.memory_space<hbm>>
    %dma_start3A_104 = arith.constant 0 : i32
    %dma_start3A_105 = arith.constant 0 : i32
    %dma_start3A_106 = tpu.memref_slice %arg6[%dma_start3A_96, %dma_start3A_97, %dma_start3A_104, %dma_start3A_105] : memref<2x16x16x128xf32, #tpu.memory_space<vmem>> -> memref<1x1x16x128xf32, #tpu.memory_space<vmem>>
    %dma_start3A_107 = tpu.memref_squeeze %dma_start3A_106 : memref<1x1x16x128xf32, #tpu.memory_space<vmem>> -> memref<16x128xf32, #tpu.memory_space<vmem>>
    %dma_start3A_108 = arith.constant 0 : i32
    %dma_start3A_109 = tpu.memref_slice %arg3[%dma_start3A_108, %multiple_of3A_95] : memref<16x1000000xf32, #tpu.memory_space<hbm>> -> memref<16x128xf32, #tpu.memory_space<hbm>>
    tpu.enqueue_dma source(%dma_start3A_109 : memref<16x128xf32, #tpu.memory_space<hbm>>) target(%dma_start3A_107 : memref<16x128xf32, #tpu.memory_space<vmem>>) target_semaphore(%arg8 : memref<!tpu.dma_semaphore, #tpu.memory_space<semaphore_mem>>)
    %slice3A_110 = vector.extract_strided_slice %get3A_18 {offsets = [5], sizes = [1], strides = [1]} : vector<16xi32> to vector<1xi32>
    %squeeze3A_111 = vector.extract %slice3A_110[0] : i32 from vector<1xi32>
    %and3A_112 = arith.constant -128 : i32
    %and3A_113 = arith.andi %squeeze3A_111, %and3A_112 : i32
    %multiple_of3A_114 = tpu.assume_multiple %and3A_113, 128 : i32
    %dma_start3A_115 = arith.constant 0 : i32
    %dma_start3A_116 = arith.constant 5 : i32
    %dma_start3A_117 = arith.constant 0 : i32
    %dma_start3A_118 = arith.constant 0 : i32
    %dma_start3A_119 = tpu.memref_slice %arg6[%dma_start3A_115, %dma_start3A_116, %dma_start3A_117, %dma_start3A_118] : memref<2x16x16x128xf32, #tpu.memory_space<vmem>> -> memref<1x1x16x128xf32, #tpu.memory_space<vmem>>
    %dma_start3A_120 = tpu.memref_squeeze %dma_start3A_119 : memref<1x1x16x128xf32, #tpu.memory_space<vmem>> -> memref<16x128xf32, #tpu.memory_space<vmem>>
    %dma_start3A_121 = arith.constant 0 : i32
    %dma_start3A_122 = tpu.memref_slice %arg3[%dma_start3A_121, %multiple_of3A_114] : memref<16x1000000xf32, #tpu.memory_space<hbm>> -> memref<16x128xf32, #tpu.memory_space<hbm>>
    %dma_start3A_123 = arith.constant 0 : i32
    %dma_start3A_124 = arith.constant 0 : i32
    %dma_start3A_125 = tpu.memref_slice %arg6[%dma_start3A_115, %dma_start3A_116, %dma_start3A_123, %dma_start3A_124] : memref<2x16x16x128xf32, #tpu.memory_space<vmem>> -> memref<1x1x16x128xf32, #tpu.memory_space<vmem>>
    %dma_start3A_126 = tpu.memref_squeeze %dma_start3A_125 : memref<1x1x16x128xf32, #tpu.memory_space<vmem>> -> memref<16x128xf32, #tpu.memory_space<vmem>>
    %dma_start3A_127 = arith.constant 0 : i32
    %dma_start3A_128 = tpu.memref_slice %arg3[%dma_start3A_127, %multiple_of3A_114] : memref<16x1000000xf32, #tpu.memory_space<hbm>> -> memref<16x128xf32, #tpu.memory_space<hbm>>
    tpu.enqueue_dma source(%dma_start3A_128 : memref<16x128xf32, #tpu.memory_space<hbm>>) target(%dma_start3A_126 : memref<16x128xf32, #tpu.memory_space<vmem>>) target_semaphore(%arg8 : memref<!tpu.dma_semaphore, #tpu.memory_space<semaphore_mem>>)
    %slice3A_129 = vector.extract_strided_slice %get3A_18 {offsets = [6], sizes = [1], strides = [1]} : vector<16xi32> to vector<1xi32>
    %squeeze3A_130 = vector.extract %slice3A_129[0] : i32 from vector<1xi32>
    %and3A_131 = arith.constant -128 : i32
    %and3A_132 = arith.andi %squeeze3A_130, %and3A_131 : i32
    %multiple_of3A_133 = tpu.assume_multiple %and3A_132, 128 : i32
    %dma_start3A_134 = arith.constant 0 : i32
    %dma_start3A_135 = arith.constant 6 : i32
    %dma_start3A_136 = arith.constant 0 : i32
    %dma_start3A_137 = arith.constant 0 : i32
    %dma_start3A_138 = tpu.memref_slice %arg6[%dma_start3A_134, %dma_start3A_135, %dma_start3A_136, %dma_start3A_137] : memref<2x16x16x128xf32, #tpu.memory_space<vmem>> -> memref<1x1x16x128xf32, #tpu.memory_space<vmem>>
    %dma_start3A_139 = tpu.memref_squeeze %dma_start3A_138 : memref<1x1x16x128xf32, #tpu.memory_space<vmem>> -> memref<16x128xf32, #tpu.memory_space<vmem>>
    %dma_start3A_140 = arith.constant 0 : i32
    %dma_start3A_141 = tpu.memref_slice %arg3[%dma_start3A_140, %multiple_of3A_133] : memref<16x1000000xf32, #tpu.memory_space<hbm>> -> memref<16x128xf32, #tpu.memory_space<hbm>>
    %dma_start3A_142 = arith.constant 0 : i32
    %dma_start3A_143 = arith.constant 0 : i32
    %dma_start3A_144 = tpu.memref_slice %arg6[%dma_start3A_134, %dma_start3A_135, %dma_start3A_142, %dma_start3A_143] : memref<2x16x16x128xf32, #tpu.memory_space<vmem>> -> memref<1x1x16x128xf32, #tpu.memory_space<vmem>>
    %dma_start3A_145 = tpu.memref_squeeze %dma_start3A_144 : memref<1x1x16x128xf32, #tpu.memory_space<vmem>> -> memref<16x128xf32, #tpu.memory_space<vmem>>
    %dma_start3A_146 = arith.constant 0 : i32
    %dma_start3A_147 = tpu.memref_slice %arg3[%dma_start3A_146, %multiple_of3A_133] : memref<16x1000000xf32, #tpu.memory_space<hbm>> -> memref<16x128xf32, #tpu.memory_space<hbm>>
    tpu.enqueue_dma source(%dma_start3A_147 : memref<16x128xf32, #tpu.memory_space<hbm>>) target(%dma_start3A_145 : memref<16x128xf32, #tpu.memory_space<vmem>>) target_semaphore(%arg8 : memref<!tpu.dma_semaphore, #tpu.memory_space<semaphore_mem>>)
    %slice3A_148 = vector.extract_strided_slice %get3A_18 {offsets = [7], sizes = [1], strides = [1]} : vector<16xi32> to vector<1xi32>
    %squeeze3A_149 = vector.extract %slice3A_148[0] : i32 from vector<1xi32>
    %and3A_150 = arith.constant -128 : i32
    %and3A_151 = arith.andi %squeeze3A_149, %and3A_150 : i32
    %multiple_of3A_152 = tpu.assume_multiple %and3A_151, 128 : i32
    %dma_start3A_153 = arith.constant 0 : i32
    %dma_start3A_154 = arith.constant 7 : i32
    %dma_start3A_155 = arith.constant 0 : i32
    %dma_start3A_156 = arith.constant 0 : i32
    %dma_start3A_157 = tpu.memref_slice %arg6[%dma_start3A_153, %dma_start3A_154, %dma_start3A_155, %dma_start3A_156] : memref<2x16x16x128xf32, #tpu.memory_space<vmem>> -> memref<1x1x16x128xf32, #tpu.memory_space<vmem>>
    %dma_start3A_158 = tpu.memref_squeeze %dma_start3A_157 : memref<1x1x16x128xf32, #tpu.memory_space<vmem>> -> memref<16x128xf32, #tpu.memory_space<vmem>>
    %dma_start3A_159 = arith.constant 0 : i32
    %dma_start3A_160 = tpu.memref_slice %arg3[%dma_start3A_159, %multiple_of3A_152] : memref<16x1000000xf32, #tpu.memory_space<hbm>> -> memref<16x128xf32, #tpu.memory_space<hbm>>
    %dma_start3A_161 = arith.constant 0 : i32
    %dma_start3A_162 = arith.constant 0 : i32
    %dma_start3A_163 = tpu.memref_slice %arg6[%dma_start3A_153, %dma_start3A_154, %dma_start3A_161, %dma_start3A_162] : memref<2x16x16x128xf32, #tpu.memory_space<vmem>> -> memref<1x1x16x128xf32, #tpu.memory_space<vmem>>
    %dma_start3A_164 = tpu.memref_squeeze %dma_start3A_163 : memref<1x1x16x128xf32, #tpu.memory_space<vmem>> -> memref<16x128xf32, #tpu.memory_space<vmem>>
    %dma_start3A_165 = arith.constant 0 : i32
    %dma_start3A_166 = tpu.memref_slice %arg3[%dma_start3A_165, %multiple_of3A_152] : memref<16x1000000xf32, #tpu.memory_space<hbm>> -> memref<16x128xf32, #tpu.memory_space<hbm>>
    tpu.enqueue_dma source(%dma_start3A_166 : memref<16x128xf32, #tpu.memory_space<hbm>>) target(%dma_start3A_164 : memref<16x128xf32, #tpu.memory_space<vmem>>) target_semaphore(%arg8 : memref<!tpu.dma_semaphore, #tpu.memory_space<semaphore_mem>>)
    %slice3A_167 = vector.extract_strided_slice %get3A_18 {offsets = [8], sizes = [1], strides = [1]} : vector<16xi32> to vector<1xi32>
    %squeeze3A_168 = vector.extract %slice3A_167[0] : i32 from vector<1xi32>
    %and3A_169 = arith.constant -128 : i32
    %and3A_170 = arith.andi %squeeze3A_168, %and3A_169 : i32
    %multiple_of3A_171 = tpu.assume_multiple %and3A_170, 128 : i32
    %dma_start3A_172 = arith.constant 0 : i32
    %dma_start3A_173 = arith.constant 8 : i32
    %dma_start3A_174 = arith.constant 0 : i32
    %dma_start3A_175 = arith.constant 0 : i32
    %dma_start3A_176 = tpu.memref_slice %arg6[%dma_start3A_172, %dma_start3A_173, %dma_start3A_174, %dma_start3A_175] : memref<2x16x16x128xf32, #tpu.memory_space<vmem>> -> memref<1x1x16x128xf32, #tpu.memory_space<vmem>>
    %dma_start3A_177 = tpu.memref_squeeze %dma_start3A_176 : memref<1x1x16x128xf32, #tpu.memory_space<vmem>> -> memref<16x128xf32, #tpu.memory_space<vmem>>
    %dma_start3A_178 = arith.constant 0 : i32
    %dma_start3A_179 = tpu.memref_slice %arg3[%dma_start3A_178, %multiple_of3A_171] : memref<16x1000000xf32, #tpu.memory_space<hbm>> -> memref<16x128xf32, #tpu.memory_space<hbm>>
    %dma_start3A_180 = arith.constant 0 : i32
    %dma_start3A_181 = arith.constant 0 : i32
    %dma_start3A_182 = tpu.memref_slice %arg6[%dma_start3A_172, %dma_start3A_173, %dma_start3A_180, %dma_start3A_181] : memref<2x16x16x128xf32, #tpu.memory_space<vmem>> -> memref<1x1x16x128xf32, #tpu.memory_space<vmem>>
    %dma_start3A_183 = tpu.memref_squeeze %dma_start3A_182 : memref<1x1x16x128xf32, #tpu.memory_space<vmem>> -> memref<16x128xf32, #tpu.memory_space<vmem>>
    %dma_start3A_184 = arith.constant 0 : i32
    %dma_start3A_185 = tpu.memref_slice %arg3[%dma_start3A_184, %multiple_of3A_171] : memref<16x1000000xf32, #tpu.memory_space<hbm>> -> memref<16x128xf32, #tpu.memory_space<hbm>>
    tpu.enqueue_dma source(%dma_start3A_185 : memref<16x128xf32, #tpu.memory_space<hbm>>) target(%dma_start3A_183 : memref<16x128xf32, #tpu.memory_space<vmem>>) target_semaphore(%arg8 : memref<!tpu.dma_semaphore, #tpu.memory_space<semaphore_mem>>)
    %slice3A_186 = vector.extract_strided_slice %get3A_18 {offsets = [9], sizes = [1], strides = [1]} : vector<16xi32> to vector<1xi32>
    %squeeze3A_187 = vector.extract %slice3A_186[0] : i32 from vector<1xi32>
    %and3A_188 = arith.constant -128 : i32
    %and3A_189 = arith.andi %squeeze3A_187, %and3A_188 : i32
    %multiple_of3A_190 = tpu.assume_multiple %and3A_189, 128 : i32
    %dma_start3A_191 = arith.constant 0 : i32
    %dma_start3A_192 = arith.constant 9 : i32
    %dma_start3A_193 = arith.constant 0 : i32
    %dma_start3A_194 = arith.constant 0 : i32
    %dma_start3A_195 = tpu.memref_slice %arg6[%dma_start3A_191, %dma_start3A_192, %dma_start3A_193, %dma_start3A_194] : memref<2x16x16x128xf32, #tpu.memory_space<vmem>> -> memref<1x1x16x128xf32, #tpu.memory_space<vmem>>
    %dma_start3A_196 = tpu.memref_squeeze %dma_start3A_195 : memref<1x1x16x128xf32, #tpu.memory_space<vmem>> -> memref<16x128xf32, #tpu.memory_space<vmem>>
    %dma_start3A_197 = arith.constant 0 : i32
    %dma_start3A_198 = tpu.memref_slice %arg3[%dma_start3A_197, %multiple_of3A_190] : memref<16x1000000xf32, #tpu.memory_space<hbm>> -> memref<16x128xf32, #tpu.memory_space<hbm>>
    %dma_start3A_199 = arith.constant 0 : i32
    %dma_start3A_200 = arith.constant 0 : i32
    %dma_start3A_201 = tpu.memref_slice %arg6[%dma_start3A_191, %dma_start3A_192, %dma_start3A_199, %dma_start3A_200] : memref<2x16x16x128xf32, #tpu.memory_space<vmem>> -> memref<1x1x16x128xf32, #tpu.memory_space<vmem>>
    %dma_start3A_202 = tpu.memref_squeeze %dma_start3A_201 : memref<1x1x16x128xf32, #tpu.memory_space<vmem>> -> memref<16x128xf32, #tpu.memory_space<vmem>>
    %dma_start3A_203 = arith.constant 0 : i32
    %dma_start3A_204 = tpu.memref_slice %arg3[%dma_start3A_203, %multiple_of3A_190] : memref<16x1000000xf32, #tpu.memory_space<hbm>> -> memref<16x128xf32, #tpu.memory_space<hbm>>
    tpu.enqueue_dma source(%dma_start3A_204 : memref<16x128xf32, #tpu.memory_space<hbm>>) target(%dma_start3A_202 : memref<16x128xf32, #tpu.memory_space<vmem>>) target_semaphore(%arg8 : memref<!tpu.dma_semaphore, #tpu.memory_space<semaphore_mem>>)
    %slice3A_205 = vector.extract_strided_slice %get3A_18 {offsets = [10], sizes = [1], strides = [1]} : vector<16xi32> to vector<1xi32>
    %squeeze3A_206 = vector.extract %slice3A_205[0] : i32 from vector<1xi32>
    %and3A_207 = arith.constant -128 : i32
    %and3A_208 = arith.andi %squeeze3A_206, %and3A_207 : i32
    %multiple_of3A_209 = tpu.assume_multiple %and3A_208, 128 : i32
    %dma_start3A_210 = arith.constant 0 : i32
    %dma_start3A_211 = arith.constant 10 : i32
    %dma_start3A_212 = arith.constant 0 : i32
    %dma_start3A_213 = arith.constant 0 : i32
    %dma_start3A_214 = tpu.memref_slice %arg6[%dma_start3A_210, %dma_start3A_211, %dma_start3A_212, %dma_start3A_213] : memref<2x16x16x128xf32, #tpu.memory_space<vmem>> -> memref<1x1x16x128xf32, #tpu.memory_space<vmem>>
    %dma_start3A_215 = tpu.memref_squeeze %dma_start3A_214 : memref<1x1x16x128xf32, #tpu.memory_space<vmem>> -> memref<16x128xf32, #tpu.memory_space<vmem>>
    %dma_start3A_216 = arith.constant 0 : i32
    %dma_start3A_217 = tpu.memref_slice %arg3[%dma_start3A_216, %multiple_of3A_209] : memref<16x1000000xf32, #tpu.memory_space<hbm>> -> memref<16x128xf32, #tpu.memory_space<hbm>>
    %dma_start3A_218 = arith.constant 0 : i32
    %dma_start3A_219 = arith.constant 0 : i32
    %dma_start3A_220 = tpu.memref_slice %arg6[%dma_start3A_210, %dma_start3A_211, %dma_start3A_218, %dma_start3A_219] : memref<2x16x16x128xf32, #tpu.memory_space<vmem>> -> memref<1x1x16x128xf32, #tpu.memory_space<vmem>>
    %dma_start3A_221 = tpu.memref_squeeze %dma_start3A_220 : memref<1x1x16x128xf32, #tpu.memory_space<vmem>> -> memref<16x128xf32, #tpu.memory_space<vmem>>
    %dma_start3A_222 = arith.constant 0 : i32
    %dma_start3A_223 = tpu.memref_slice %arg3[%dma_start3A_222, %multiple_of3A_209] : memref<16x1000000xf32, #tpu.memory_space<hbm>> -> memref<16x128xf32, #tpu.memory_space<hbm>>
    tpu.enqueue_dma source(%dma_start3A_223 : memref<16x128xf32, #tpu.memory_space<hbm>>) target(%dma_start3A_221 : memref<16x128xf32, #tpu.memory_space<vmem>>) target_semaphore(%arg8 : memref<!tpu.dma_semaphore, #tpu.memory_space<semaphore_mem>>)
    %slice3A_224 = vector.extract_strided_slice %get3A_18 {offsets = [11], sizes = [1], strides = [1]} : vector<16xi32> to vector<1xi32>
    %squeeze3A_225 = vector.extract %slice3A_224[0] : i32 from vector<1xi32>
    %and3A_226 = arith.constant -128 : i32
    %and3A_227 = arith.andi %squeeze3A_225, %and3A_226 : i32
    %multiple_of3A_228 = tpu.assume_multiple %and3A_227, 128 : i32
    %dma_start3A_229 = arith.constant 0 : i32
    %dma_start3A_230 = arith.constant 11 : i32
    %dma_start3A_231 = arith.constant 0 : i32
    %dma_start3A_232 = arith.constant 0 : i32
    %dma_start3A_233 = tpu.memref_slice %arg6[%dma_start3A_229, %dma_start3A_230, %dma_start3A_231, %dma_start3A_232] : memref<2x16x16x128xf32, #tpu.memory_space<vmem>> -> memref<1x1x16x128xf32, #tpu.memory_space<vmem>>
    %dma_start3A_234 = tpu.memref_squeeze %dma_start3A_233 : memref<1x1x16x128xf32, #tpu.memory_space<vmem>> -> memref<16x128xf32, #tpu.memory_space<vmem>>
    %dma_start3A_235 = arith.constant 0 : i32
    %dma_start3A_236 = tpu.memref_slice %arg3[%dma_start3A_235, %multiple_of3A_228] : memref<16x1000000xf32, #tpu.memory_space<hbm>> -> memref<16x128xf32, #tpu.memory_space<hbm>>
    %dma_start3A_237 = arith.constant 0 : i32
    %dma_start3A_238 = arith.constant 0 : i32
    %dma_start3A_239 = tpu.memref_slice %arg6[%dma_start3A_229, %dma_start3A_230, %dma_start3A_237, %dma_start3A_238] : memref<2x16x16x128xf32, #tpu.memory_space<vmem>> -> memref<1x1x16x128xf32, #tpu.memory_space<vmem>>
    %dma_start3A_240 = tpu.memref_squeeze %dma_start3A_239 : memref<1x1x16x128xf32, #tpu.memory_space<vmem>> -> memref<16x128xf32, #tpu.memory_space<vmem>>
    %dma_start3A_241 = arith.constant 0 : i32
    %dma_start3A_242 = tpu.memref_slice %arg3[%dma_start3A_241, %multiple_of3A_228] : memref<16x1000000xf32, #tpu.memory_space<hbm>> -> memref<16x128xf32, #tpu.memory_space<hbm>>
    tpu.enqueue_dma source(%dma_start3A_242 : memref<16x128xf32, #tpu.memory_space<hbm>>) target(%dma_start3A_240 : memref<16x128xf32, #tpu.memory_space<vmem>>) target_semaphore(%arg8 : memref<!tpu.dma_semaphore, #tpu.memory_space<semaphore_mem>>)
    %slice3A_243 = vector.extract_strided_slice %get3A_18 {offsets = [12], sizes = [1], strides = [1]} : vector<16xi32> to vector<1xi32>
    %squeeze3A_244 = vector.extract %slice3A_243[0] : i32 from vector<1xi32>
    %and3A_245 = arith.constant -128 : i32
    %and3A_246 = arith.andi %squeeze3A_244, %and3A_245 : i32
    %multiple_of3A_247 = tpu.assume_multiple %and3A_246, 128 : i32
    %dma_start3A_248 = arith.constant 0 : i32
    %dma_start3A_249 = arith.constant 12 : i32
    %dma_start3A_250 = arith.constant 0 : i32
    %dma_start3A_251 = arith.constant 0 : i32
    %dma_start3A_252 = tpu.memref_slice %arg6[%dma_start3A_248, %dma_start3A_249, %dma_start3A_250, %dma_start3A_251] : memref<2x16x16x128xf32, #tpu.memory_space<vmem>> -> memref<1x1x16x128xf32, #tpu.memory_space<vmem>>
    %dma_start3A_253 = tpu.memref_squeeze %dma_start3A_252 : memref<1x1x16x128xf32, #tpu.memory_space<vmem>> -> memref<16x128xf32, #tpu.memory_space<vmem>>
    %dma_start3A_254 = arith.constant 0 : i32
    %dma_start3A_255 = tpu.memref_slice %arg3[%dma_start3A_254, %multiple_of3A_247] : memref<16x1000000xf32, #tpu.memory_space<hbm>> -> memref<16x128xf32, #tpu.memory_space<hbm>>
    %dma_start3A_256 = arith.constant 0 : i32
    %dma_start3A_257 = arith.constant 0 : i32
    %dma_start3A_258 = tpu.memref_slice %arg6[%dma_start3A_248, %dma_start3A_249, %dma_start3A_256, %dma_start3A_257] : memref<2x16x16x128xf32, #tpu.memory_space<vmem>> -> memref<1x1x16x128xf32, #tpu.memory_space<vmem>>
    %dma_start3A_259 = tpu.memref_squeeze %dma_start3A_258 : memref<1x1x16x128xf32, #tpu.memory_space<vmem>> -> memref<16x128xf32, #tpu.memory_space<vmem>>
    %dma_start3A_260 = arith.constant 0 : i32
    %dma_start3A_261 = tpu.memref_slice %arg3[%dma_start3A_260, %multiple_of3A_247] : memref<16x1000000xf32, #tpu.memory_space<hbm>> -> memref<16x128xf32, #tpu.memory_space<hbm>>
    tpu.enqueue_dma source(%dma_start3A_261 : memref<16x128xf32, #tpu.memory_space<hbm>>) target(%dma_start3A_259 : memref<16x128xf32, #tpu.memory_space<vmem>>) target_semaphore(%arg8 : memref<!tpu.dma_semaphore, #tpu.memory_space<semaphore_mem>>)
    %slice3A_262 = vector.extract_strided_slice %get3A_18 {offsets = [13], sizes = [1], strides = [1]} : vector<16xi32> to vector<1xi32>
    %squeeze3A_263 = vector.extract %slice3A_262[0] : i32 from vector<1xi32>
    %and3A_264 = arith.constant -128 : i32
    %and3A_265 = arith.andi %squeeze3A_263, %and3A_264 : i32
    %multiple_of3A_266 = tpu.assume_multiple %and3A_265, 128 : i32
    %dma_start3A_267 = arith.constant 0 : i32
    %dma_start3A_268 = arith.constant 13 : i32
    %dma_start3A_269 = arith.constant 0 : i32
    %dma_start3A_270 = arith.constant 0 : i32
    %dma_start3A_271 = tpu.memref_slice %arg6[%dma_start3A_267, %dma_start3A_268, %dma_start3A_269, %dma_start3A_270] : memref<2x16x16x128xf32, #tpu.memory_space<vmem>> -> memref<1x1x16x128xf32, #tpu.memory_space<vmem>>
    %dma_start3A_272 = tpu.memref_squeeze %dma_start3A_271 : memref<1x1x16x128xf32, #tpu.memory_space<vmem>> -> memref<16x128xf32, #tpu.memory_space<vmem>>
    %dma_start3A_273 = arith.constant 0 : i32
    %dma_start3A_274 = tpu.memref_slice %arg3[%dma_start3A_273, %multiple_of3A_266] : memref<16x1000000xf32, #tpu.memory_space<hbm>> -> memref<16x128xf32, #tpu.memory_space<hbm>>
    %dma_start3A_275 = arith.constant 0 : i32
    %dma_start3A_276 = arith.constant 0 : i32
    %dma_start3A_277 = tpu.memref_slice %arg6[%dma_start3A_267, %dma_start3A_268, %dma_start3A_275, %dma_start3A_276] : memref<2x16x16x128xf32, #tpu.memory_space<vmem>> -> memref<1x1x16x128xf32, #tpu.memory_space<vmem>>
    %dma_start3A_278 = tpu.memref_squeeze %dma_start3A_277 : memref<1x1x16x128xf32, #tpu.memory_space<vmem>> -> memref<16x128xf32, #tpu.memory_space<vmem>>
    %dma_start3A_279 = arith.constant 0 : i32
    %dma_start3A_280 = tpu.memref_slice %arg3[%dma_start3A_279, %multiple_of3A_266] : memref<16x1000000xf32, #tpu.memory_space<hbm>> -> memref<16x128xf32, #tpu.memory_space<hbm>>
    tpu.enqueue_dma source(%dma_start3A_280 : memref<16x128xf32, #tpu.memory_space<hbm>>) target(%dma_start3A_278 : memref<16x128xf32, #tpu.memory_space<vmem>>) target_semaphore(%arg8 : memref<!tpu.dma_semaphore, #tpu.memory_space<semaphore_mem>>)
    %slice3A_281 = vector.extract_strided_slice %get3A_18 {offsets = [14], sizes = [1], strides = [1]} : vector<16xi32> to vector<1xi32>
    %squeeze3A_282 = vector.extract %slice3A_281[0] : i32 from vector<1xi32>
    %and3A_283 = arith.constant -128 : i32
    %and3A_284 = arith.andi %squeeze3A_282, %and3A_283 : i32
    %multiple_of3A_285 = tpu.assume_multiple %and3A_284, 128 : i32
    %dma_start3A_286 = arith.constant 0 : i32
    %dma_start3A_287 = arith.constant 14 : i32
    %dma_start3A_288 = arith.constant 0 : i32
    %dma_start3A_289 = arith.constant 0 : i32
    %dma_start3A_290 = tpu.memref_slice %arg6[%dma_start3A_286, %dma_start3A_287, %dma_start3A_288, %dma_start3A_289] : memref<2x16x16x128xf32, #tpu.memory_space<vmem>> -> memref<1x1x16x128xf32, #tpu.memory_space<vmem>>
    %dma_start3A_291 = tpu.memref_squeeze %dma_start3A_290 : memref<1x1x16x128xf32, #tpu.memory_space<vmem>> -> memref<16x128xf32, #tpu.memory_space<vmem>>
    %dma_start3A_292 = arith.constant 0 : i32
    %dma_start3A_293 = tpu.memref_slice %arg3[%dma_start3A_292, %multiple_of3A_285] : memref<16x1000000xf32, #tpu.memory_space<hbm>> -> memref<16x128xf32, #tpu.memory_space<hbm>>
    %dma_start3A_294 = arith.constant 0 : i32
    %dma_start3A_295 = arith.constant 0 : i32
    %dma_start3A_296 = tpu.memref_slice %arg6[%dma_start3A_286, %dma_start3A_287, %dma_start3A_294, %dma_start3A_295] : memref<2x16x16x128xf32, #tpu.memory_space<vmem>> -> memref<1x1x16x128xf32, #tpu.memory_space<vmem>>
    %dma_start3A_297 = tpu.memref_squeeze %dma_start3A_296 : memref<1x1x16x128xf32, #tpu.memory_space<vmem>> -> memref<16x128xf32, #tpu.memory_space<vmem>>
    %dma_start3A_298 = arith.constant 0 : i32
    %dma_start3A_299 = tpu.memref_slice %arg3[%dma_start3A_298, %multiple_of3A_285] : memref<16x1000000xf32, #tpu.memory_space<hbm>> -> memref<16x128xf32, #tpu.memory_space<hbm>>
    tpu.enqueue_dma source(%dma_start3A_299 : memref<16x128xf32, #tpu.memory_space<hbm>>) target(%dma_start3A_297 : memref<16x128xf32, #tpu.memory_space<vmem>>) target_semaphore(%arg8 : memref<!tpu.dma_semaphore, #tpu.memory_space<semaphore_mem>>)
    %slice3A_300 = vector.extract_strided_slice %get3A_18 {offsets = [15], sizes = [1], strides = [1]} : vector<16xi32> to vector<1xi32>
    %squeeze3A_301 = vector.extract %slice3A_300[0] : i32 from vector<1xi32>
    %and3A_302 = arith.constant -128 : i32
    %and3A_303 = arith.andi %squeeze3A_301, %and3A_302 : i32
    %multiple_of3A_304 = tpu.assume_multiple %and3A_303, 128 : i32
    %dma_start3A_305 = arith.constant 0 : i32
    %dma_start3A_306 = arith.constant 15 : i32
    %dma_start3A_307 = arith.constant 0 : i32
    %dma_start3A_308 = arith.constant 0 : i32
    %dma_start3A_309 = tpu.memref_slice %arg6[%dma_start3A_305, %dma_start3A_306, %dma_start3A_307, %dma_start3A_308] : memref<2x16x16x128xf32, #tpu.memory_space<vmem>> -> memref<1x1x16x128xf32, #tpu.memory_space<vmem>>
    %dma_start3A_310 = tpu.memref_squeeze %dma_start3A_309 : memref<1x1x16x128xf32, #tpu.memory_space<vmem>> -> memref<16x128xf32, #tpu.memory_space<vmem>>
    %dma_start3A_311 = arith.constant 0 : i32
    %dma_start3A_312 = tpu.memref_slice %arg3[%dma_start3A_311, %multiple_of3A_304] : memref<16x1000000xf32, #tpu.memory_space<hbm>> -> memref<16x128xf32, #tpu.memory_space<hbm>>
    %dma_start3A_313 = arith.constant 0 : i32
    %dma_start3A_314 = arith.constant 0 : i32
    %dma_start3A_315 = tpu.memref_slice %arg6[%dma_start3A_305, %dma_start3A_306, %dma_start3A_313, %dma_start3A_314] : memref<2x16x16x128xf32, #tpu.memory_space<vmem>> -> memref<1x1x16x128xf32, #tpu.memory_space<vmem>>
    %dma_start3A_316 = tpu.memref_squeeze %dma_start3A_315 : memref<1x1x16x128xf32, #tpu.memory_space<vmem>> -> memref<16x128xf32, #tpu.memory_space<vmem>>
    %dma_start3A_317 = arith.constant 0 : i32
    %dma_start3A_318 = tpu.memref_slice %arg3[%dma_start3A_317, %multiple_of3A_304] : memref<16x1000000xf32, #tpu.memory_space<hbm>> -> memref<16x128xf32, #tpu.memory_space<hbm>>
    tpu.enqueue_dma source(%dma_start3A_318 : memref<16x128xf32, #tpu.memory_space<hbm>>) target(%dma_start3A_316 : memref<16x128xf32, #tpu.memory_space<vmem>>) target_semaphore(%arg8 : memref<!tpu.dma_semaphore, #tpu.memory_space<semaphore_mem>>)
    %scan3A = arith.constant 0 : i32
    %scan3A_319 = arith.constant 31 : i32
    %scan3A_320 = arith.addi %scan3A, %scan3A_319 : i32
    %scan3A_321 = arith.constant 1 : i32
    %scan3A_322 = scf.for %scan3A_772 = %scan3A to %scan3A_320 step %scan3A_321 iter_args(%scan3A_773 = %get3A_18) -> (vector<16xi32>)  : i32 {
      %add3A_774 = arith.constant 1 : i32
      %add3A_775 = arith.addi %scan3A_772, %add3A_774 : i32
      %mul3A_776 = arith.constant 16 : i32
      %mul3A_777 = arith.muli %add3A_775, %mul3A_776 : i32
      %get3A_778 = arith.index_cast %mul3A_777 : i32 to index
      %get3A_779 = tpu.vector_load %arg5[%get3A_778] {strides = array<i32>} : memref<512xi32, #tpu.memory_space<vmem>>, vector<16xi32>,
      %add3A_780 = arith.constant 1 : i32
      %add3A_781 = arith.addi %scan3A_772, %add3A_780 : i32
      %rem3A_782 = arith.constant 2 : i32
      %rem3A_783 = arith.remsi %add3A_781, %rem3A_782 : i32
      %slice3A_784 = vector.extract_strided_slice %get3A_779 {offsets = [0], sizes = [1], strides = [1]} : vector<16xi32> to vector<1xi32>
      %squeeze3A_785 = vector.extract %slice3A_784[0] : i32 from vector<1xi32>
      %and3A_786 = arith.constant -128 : i32
      %and3A_787 = arith.andi %squeeze3A_785, %and3A_786 : i32
      %multiple_of3A_788 = tpu.assume_multiple %and3A_787, 128 : i32
      %dma_start3A_789 = arith.constant 0 : i32
      %dma_start3A_790 = arith.constant 0 : i32
      %dma_start3A_791 = arith.constant 0 : i32
      %dma_start3A_792 = tpu.memref_slice %arg6[%rem3A_783, %dma_start3A_789, %dma_start3A_790, %dma_start3A_791] : memref<2x16x16x128xf32, #tpu.memory_space<vmem>> -> memref<1x1x16x128xf32, #tpu.memory_space<vmem>>
      %dma_start3A_793 = tpu.memref_squeeze %dma_start3A_792 : memref<1x1x16x128xf32, #tpu.memory_space<vmem>> -> memref<16x128xf32, #tpu.memory_space<vmem>>
      %dma_start3A_794 = arith.constant 0 : i32
      %dma_start3A_795 = tpu.memref_slice %arg3[%dma_start3A_794, %multiple_of3A_788] : memref<16x1000000xf32, #tpu.memory_space<hbm>> -> memref<16x128xf32, #tpu.memory_space<hbm>>
      %dma_start3A_796 = arith.constant 0 : i32
      %dma_start3A_797 = arith.constant 0 : i32
      %dma_start3A_798 = tpu.memref_slice %arg6[%rem3A_783, %dma_start3A_789, %dma_start3A_796, %dma_start3A_797] : memref<2x16x16x128xf32, #tpu.memory_space<vmem>> -> memref<1x1x16x128xf32, #tpu.memory_space<vmem>>
      %dma_start3A_799 = tpu.memref_squeeze %dma_start3A_798 : memref<1x1x16x128xf32, #tpu.memory_space<vmem>> -> memref<16x128xf32, #tpu.memory_space<vmem>>
      %dma_start3A_800 = arith.constant 0 : i32
      %dma_start3A_801 = tpu.memref_slice %arg3[%dma_start3A_800, %multiple_of3A_788] : memref<16x1000000xf32, #tpu.memory_space<hbm>> -> memref<16x128xf32, #tpu.memory_space<hbm>>
      tpu.enqueue_dma source(%dma_start3A_801 : memref<16x128xf32, #tpu.memory_space<hbm>>) target(%dma_start3A_799 : memref<16x128xf32, #tpu.memory_space<vmem>>) target_semaphore(%arg8 : memref<!tpu.dma_semaphore, #tpu.memory_space<semaphore_mem>>)
      %slice3A_802 = vector.extract_strided_slice %get3A_779 {offsets = [1], sizes = [1], strides = [1]} : vector<16xi32> to vector<1xi32>
      %squeeze3A_803 = vector.extract %slice3A_802[0] : i32 from vector<1xi32>
      %and3A_804 = arith.constant -128 : i32
      %and3A_805 = arith.andi %squeeze3A_803, %and3A_804 : i32
      %multiple_of3A_806 = tpu.assume_multiple %and3A_805, 128 : i32
      %dma_start3A_807 = arith.constant 1 : i32
      %dma_start3A_808 = arith.constant 0 : i32
      %dma_start3A_809 = arith.constant 0 : i32
      %dma_start3A_810 = tpu.memref_slice %arg6[%rem3A_783, %dma_start3A_807, %dma_start3A_808, %dma_start3A_809] : memref<2x16x16x128xf32, #tpu.memory_space<vmem>> -> memref<1x1x16x128xf32, #tpu.memory_space<vmem>>
      %dma_start3A_811 = tpu.memref_squeeze %dma_start3A_810 : memref<1x1x16x128xf32, #tpu.memory_space<vmem>> -> memref<16x128xf32, #tpu.memory_space<vmem>>
      %dma_start3A_812 = arith.constant 0 : i32
      %dma_start3A_813 = tpu.memref_slice %arg3[%dma_start3A_812, %multiple_of3A_806] : memref<16x1000000xf32, #tpu.memory_space<hbm>> -> memref<16x128xf32, #tpu.memory_space<hbm>>
      %dma_start3A_814 = arith.constant 0 : i32
      %dma_start3A_815 = arith.constant 0 : i32
      %dma_start3A_816 = tpu.memref_slice %arg6[%rem3A_783, %dma_start3A_807, %dma_start3A_814, %dma_start3A_815] : memref<2x16x16x128xf32, #tpu.memory_space<vmem>> -> memref<1x1x16x128xf32, #tpu.memory_space<vmem>>
      %dma_start3A_817 = tpu.memref_squeeze %dma_start3A_816 : memref<1x1x16x128xf32, #tpu.memory_space<vmem>> -> memref<16x128xf32, #tpu.memory_space<vmem>>
      %dma_start3A_818 = arith.constant 0 : i32
      %dma_start3A_819 = tpu.memref_slice %arg3[%dma_start3A_818, %multiple_of3A_806] : memref<16x1000000xf32, #tpu.memory_space<hbm>> -> memref<16x128xf32, #tpu.memory_space<hbm>>
      tpu.enqueue_dma source(%dma_start3A_819 : memref<16x128xf32, #tpu.memory_space<hbm>>) target(%dma_start3A_817 : memref<16x128xf32, #tpu.memory_space<vmem>>) target_semaphore(%arg8 : memref<!tpu.dma_semaphore, #tpu.memory_space<semaphore_mem>>)
      %slice3A_820 = vector.extract_strided_slice %get3A_779 {offsets = [2], sizes = [1], strides = [1]} : vector<16xi32> to vector<1xi32>
      %squeeze3A_821 = vector.extract %slice3A_820[0] : i32 from vector<1xi32>
      %and3A_822 = arith.constant -128 : i32
      %and3A_823 = arith.andi %squeeze3A_821, %and3A_822 : i32
      %multiple_of3A_824 = tpu.assume_multiple %and3A_823, 128 : i32
      %dma_start3A_825 = arith.constant 2 : i32
      %dma_start3A_826 = arith.constant 0 : i32
      %dma_start3A_827 = arith.constant 0 : i32
      %dma_start3A_828 = tpu.memref_slice %arg6[%rem3A_783, %dma_start3A_825, %dma_start3A_826, %dma_start3A_827] : memref<2x16x16x128xf32, #tpu.memory_space<vmem>> -> memref<1x1x16x128xf32, #tpu.memory_space<vmem>>
      %dma_start3A_829 = tpu.memref_squeeze %dma_start3A_828 : memref<1x1x16x128xf32, #tpu.memory_space<vmem>> -> memref<16x128xf32, #tpu.memory_space<vmem>>
      %dma_start3A_830 = arith.constant 0 : i32
      %dma_start3A_831 = tpu.memref_slice %arg3[%dma_start3A_830, %multiple_of3A_824] : memref<16x1000000xf32, #tpu.memory_space<hbm>> -> memref<16x128xf32, #tpu.memory_space<hbm>>
      %dma_start3A_832 = arith.constant 0 : i32
      %dma_start3A_833 = arith.constant 0 : i32
      %dma_start3A_834 = tpu.memref_slice %arg6[%rem3A_783, %dma_start3A_825, %dma_start3A_832, %dma_start3A_833] : memref<2x16x16x128xf32, #tpu.memory_space<vmem>> -> memref<1x1x16x128xf32, #tpu.memory_space<vmem>>
      %dma_start3A_835 = tpu.memref_squeeze %dma_start3A_834 : memref<1x1x16x128xf32, #tpu.memory_space<vmem>> -> memref<16x128xf32, #tpu.memory_space<vmem>>
      %dma_start3A_836 = arith.constant 0 : i32
      %dma_start3A_837 = tpu.memref_slice %arg3[%dma_start3A_836, %multiple_of3A_824] : memref<16x1000000xf32, #tpu.memory_space<hbm>> -> memref<16x128xf32, #tpu.memory_space<hbm>>
      tpu.enqueue_dma source(%dma_start3A_837 : memref<16x128xf32, #tpu.memory_space<hbm>>) target(%dma_start3A_835 : memref<16x128xf32, #tpu.memory_space<vmem>>) target_semaphore(%arg8 : memref<!tpu.dma_semaphore, #tpu.memory_space<semaphore_mem>>)
      %slice3A_838 = vector.extract_strided_slice %get3A_779 {offsets = [3], sizes = [1], strides = [1]} : vector<16xi32> to vector<1xi32>
      %squeeze3A_839 = vector.extract %slice3A_838[0] : i32 from vector<1xi32>
      %and3A_840 = arith.constant -128 : i32
      %and3A_841 = arith.andi %squeeze3A_839, %and3A_840 : i32
      %multiple_of3A_842 = tpu.assume_multiple %and3A_841, 128 : i32
      %dma_start3A_843 = arith.constant 3 : i32
      %dma_start3A_844 = arith.constant 0 : i32
      %dma_start3A_845 = arith.constant 0 : i32
      %dma_start3A_846 = tpu.memref_slice %arg6[%rem3A_783, %dma_start3A_843, %dma_start3A_844, %dma_start3A_845] : memref<2x16x16x128xf32, #tpu.memory_space<vmem>> -> memref<1x1x16x128xf32, #tpu.memory_space<vmem>>
      %dma_start3A_847 = tpu.memref_squeeze %dma_start3A_846 : memref<1x1x16x128xf32, #tpu.memory_space<vmem>> -> memref<16x128xf32, #tpu.memory_space<vmem>>
      %dma_start3A_848 = arith.constant 0 : i32
      %dma_start3A_849 = tpu.memref_slice %arg3[%dma_start3A_848, %multiple_of3A_842] : memref<16x1000000xf32, #tpu.memory_space<hbm>> -> memref<16x128xf32, #tpu.memory_space<hbm>>
      %dma_start3A_850 = arith.constant 0 : i32
      %dma_start3A_851 = arith.constant 0 : i32
      %dma_start3A_852 = tpu.memref_slice %arg6[%rem3A_783, %dma_start3A_843, %dma_start3A_850, %dma_start3A_851] : memref<2x16x16x128xf32, #tpu.memory_space<vmem>> -> memref<1x1x16x128xf32, #tpu.memory_space<vmem>>
      %dma_start3A_853 = tpu.memref_squeeze %dma_start3A_852 : memref<1x1x16x128xf32, #tpu.memory_space<vmem>> -> memref<16x128xf32, #tpu.memory_space<vmem>>
      %dma_start3A_854 = arith.constant 0 : i32
      %dma_start3A_855 = tpu.memref_slice %arg3[%dma_start3A_854, %multiple_of3A_842] : memref<16x1000000xf32, #tpu.memory_space<hbm>> -> memref<16x128xf32, #tpu.memory_space<hbm>>
      tpu.enqueue_dma source(%dma_start3A_855 : memref<16x128xf32, #tpu.memory_space<hbm>>) target(%dma_start3A_853 : memref<16x128xf32, #tpu.memory_space<vmem>>) target_semaphore(%arg8 : memref<!tpu.dma_semaphore, #tpu.memory_space<semaphore_mem>>)
      %slice3A_856 = vector.extract_strided_slice %get3A_779 {offsets = [4], sizes = [1], strides = [1]} : vector<16xi32> to vector<1xi32>
      %squeeze3A_857 = vector.extract %slice3A_856[0] : i32 from vector<1xi32>
      %and3A_858 = arith.constant -128 : i32
      %and3A_859 = arith.andi %squeeze3A_857, %and3A_858 : i32
      %multiple_of3A_860 = tpu.assume_multiple %and3A_859, 128 : i32
      %dma_start3A_861 = arith.constant 4 : i32
      %dma_start3A_862 = arith.constant 0 : i32
      %dma_start3A_863 = arith.constant 0 : i32
      %dma_start3A_864 = tpu.memref_slice %arg6[%rem3A_783, %dma_start3A_861, %dma_start3A_862, %dma_start3A_863] : memref<2x16x16x128xf32, #tpu.memory_space<vmem>> -> memref<1x1x16x128xf32, #tpu.memory_space<vmem>>
      %dma_start3A_865 = tpu.memref_squeeze %dma_start3A_864 : memref<1x1x16x128xf32, #tpu.memory_space<vmem>> -> memref<16x128xf32, #tpu.memory_space<vmem>>
      %dma_start3A_866 = arith.constant 0 : i32
      %dma_start3A_867 = tpu.memref_slice %arg3[%dma_start3A_866, %multiple_of3A_860] : memref<16x1000000xf32, #tpu.memory_space<hbm>> -> memref<16x128xf32, #tpu.memory_space<hbm>>
      %dma_start3A_868 = arith.constant 0 : i32
      %dma_start3A_869 = arith.constant 0 : i32
      %dma_start3A_870 = tpu.memref_slice %arg6[%rem3A_783, %dma_start3A_861, %dma_start3A_868, %dma_start3A_869] : memref<2x16x16x128xf32, #tpu.memory_space<vmem>> -> memref<1x1x16x128xf32, #tpu.memory_space<vmem>>
      %dma_start3A_871 = tpu.memref_squeeze %dma_start3A_870 : memref<1x1x16x128xf32, #tpu.memory_space<vmem>> -> memref<16x128xf32, #tpu.memory_space<vmem>>
      %dma_start3A_872 = arith.constant 0 : i32
      %dma_start3A_873 = tpu.memref_slice %arg3[%dma_start3A_872, %multiple_of3A_860] : memref<16x1000000xf32, #tpu.memory_space<hbm>> -> memref<16x128xf32, #tpu.memory_space<hbm>>
      tpu.enqueue_dma source(%dma_start3A_873 : memref<16x128xf32, #tpu.memory_space<hbm>>) target(%dma_start3A_871 : memref<16x128xf32, #tpu.memory_space<vmem>>) target_semaphore(%arg8 : memref<!tpu.dma_semaphore, #tpu.memory_space<semaphore_mem>>)
      %slice3A_874 = vector.extract_strided_slice %get3A_779 {offsets = [5], sizes = [1], strides = [1]} : vector<16xi32> to vector<1xi32>
      %squeeze3A_875 = vector.extract %slice3A_874[0] : i32 from vector<1xi32>
      %and3A_876 = arith.constant -128 : i32
      %and3A_877 = arith.andi %squeeze3A_875, %and3A_876 : i32
      %multiple_of3A_878 = tpu.assume_multiple %and3A_877, 128 : i32
      %dma_start3A_879 = arith.constant 5 : i32
      %dma_start3A_880 = arith.constant 0 : i32
      %dma_start3A_881 = arith.constant 0 : i32
      %dma_start3A_882 = tpu.memref_slice %arg6[%rem3A_783, %dma_start3A_879, %dma_start3A_880, %dma_start3A_881] : memref<2x16x16x128xf32, #tpu.memory_space<vmem>> -> memref<1x1x16x128xf32, #tpu.memory_space<vmem>>
      %dma_start3A_883 = tpu.memref_squeeze %dma_start3A_882 : memref<1x1x16x128xf32, #tpu.memory_space<vmem>> -> memref<16x128xf32, #tpu.memory_space<vmem>>
      %dma_start3A_884 = arith.constant 0 : i32
      %dma_start3A_885 = tpu.memref_slice %arg3[%dma_start3A_884, %multiple_of3A_878] : memref<16x1000000xf32, #tpu.memory_space<hbm>> -> memref<16x128xf32, #tpu.memory_space<hbm>>
      %dma_start3A_886 = arith.constant 0 : i32
      %dma_start3A_887 = arith.constant 0 : i32
      %dma_start3A_888 = tpu.memref_slice %arg6[%rem3A_783, %dma_start3A_879, %dma_start3A_886, %dma_start3A_887] : memref<2x16x16x128xf32, #tpu.memory_space<vmem>> -> memref<1x1x16x128xf32, #tpu.memory_space<vmem>>
      %dma_start3A_889 = tpu.memref_squeeze %dma_start3A_888 : memref<1x1x16x128xf32, #tpu.memory_space<vmem>> -> memref<16x128xf32, #tpu.memory_space<vmem>>
      %dma_start3A_890 = arith.constant 0 : i32
      %dma_start3A_891 = tpu.memref_slice %arg3[%dma_start3A_890, %multiple_of3A_878] : memref<16x1000000xf32, #tpu.memory_space<hbm>> -> memref<16x128xf32, #tpu.memory_space<hbm>>
      tpu.enqueue_dma source(%dma_start3A_891 : memref<16x128xf32, #tpu.memory_space<hbm>>) target(%dma_start3A_889 : memref<16x128xf32, #tpu.memory_space<vmem>>) target_semaphore(%arg8 : memref<!tpu.dma_semaphore, #tpu.memory_space<semaphore_mem>>)
      %slice3A_892 = vector.extract_strided_slice %get3A_779 {offsets = [6], sizes = [1], strides = [1]} : vector<16xi32> to vector<1xi32>
      %squeeze3A_893 = vector.extract %slice3A_892[0] : i32 from vector<1xi32>
      %and3A_894 = arith.constant -128 : i32
      %and3A_895 = arith.andi %squeeze3A_893, %and3A_894 : i32
      %multiple_of3A_896 = tpu.assume_multiple %and3A_895, 128 : i32
      %dma_start3A_897 = arith.constant 6 : i32
      %dma_start3A_898 = arith.constant 0 : i32
      %dma_start3A_899 = arith.constant 0 : i32
      %dma_start3A_900 = tpu.memref_slice %arg6[%rem3A_783, %dma_start3A_897, %dma_start3A_898, %dma_start3A_899] : memref<2x16x16x128xf32, #tpu.memory_space<vmem>> -> memref<1x1x16x128xf32, #tpu.memory_space<vmem>>
      %dma_start3A_901 = tpu.memref_squeeze %dma_start3A_900 : memref<1x1x16x128xf32, #tpu.memory_space<vmem>> -> memref<16x128xf32, #tpu.memory_space<vmem>>
      %dma_start3A_902 = arith.constant 0 : i32
      %dma_start3A_903 = tpu.memref_slice %arg3[%dma_start3A_902, %multiple_of3A_896] : memref<16x1000000xf32, #tpu.memory_space<hbm>> -> memref<16x128xf32, #tpu.memory_space<hbm>>
      %dma_start3A_904 = arith.constant 0 : i32
      %dma_start3A_905 = arith.constant 0 : i32
      %dma_start3A_906 = tpu.memref_slice %arg6[%rem3A_783, %dma_start3A_897, %dma_start3A_904, %dma_start3A_905] : memref<2x16x16x128xf32, #tpu.memory_space<vmem>> -> memref<1x1x16x128xf32, #tpu.memory_space<vmem>>
      %dma_start3A_907 = tpu.memref_squeeze %dma_start3A_906 : memref<1x1x16x128xf32, #tpu.memory_space<vmem>> -> memref<16x128xf32, #tpu.memory_space<vmem>>
      %dma_start3A_908 = arith.constant 0 : i32
      %dma_start3A_909 = tpu.memref_slice %arg3[%dma_start3A_908, %multiple_of3A_896] : memref<16x1000000xf32, #tpu.memory_space<hbm>> -> memref<16x128xf32, #tpu.memory_space<hbm>>
      tpu.enqueue_dma source(%dma_start3A_909 : memref<16x128xf32, #tpu.memory_space<hbm>>) target(%dma_start3A_907 : memref<16x128xf32, #tpu.memory_space<vmem>>) target_semaphore(%arg8 : memref<!tpu.dma_semaphore, #tpu.memory_space<semaphore_mem>>)
      %slice3A_910 = vector.extract_strided_slice %get3A_779 {offsets = [7], sizes = [1], strides = [1]} : vector<16xi32> to vector<1xi32>
      %squeeze3A_911 = vector.extract %slice3A_910[0] : i32 from vector<1xi32>
      %and3A_912 = arith.constant -128 : i32
      %and3A_913 = arith.andi %squeeze3A_911, %and3A_912 : i32
      %multiple_of3A_914 = tpu.assume_multiple %and3A_913, 128 : i32
      %dma_start3A_915 = arith.constant 7 : i32
      %dma_start3A_916 = arith.constant 0 : i32
      %dma_start3A_917 = arith.constant 0 : i32
      %dma_start3A_918 = tpu.memref_slice %arg6[%rem3A_783, %dma_start3A_915, %dma_start3A_916, %dma_start3A_917] : memref<2x16x16x128xf32, #tpu.memory_space<vmem>> -> memref<1x1x16x128xf32, #tpu.memory_space<vmem>>
      %dma_start3A_919 = tpu.memref_squeeze %dma_start3A_918 : memref<1x1x16x128xf32, #tpu.memory_space<vmem>> -> memref<16x128xf32, #tpu.memory_space<vmem>>
      %dma_start3A_920 = arith.constant 0 : i32
      %dma_start3A_921 = tpu.memref_slice %arg3[%dma_start3A_920, %multiple_of3A_914] : memref<16x1000000xf32, #tpu.memory_space<hbm>> -> memref<16x128xf32, #tpu.memory_space<hbm>>
      %dma_start3A_922 = arith.constant 0 : i32
      %dma_start3A_923 = arith.constant 0 : i32
      %dma_start3A_924 = tpu.memref_slice %arg6[%rem3A_783, %dma_start3A_915, %dma_start3A_922, %dma_start3A_923] : memref<2x16x16x128xf32, #tpu.memory_space<vmem>> -> memref<1x1x16x128xf32, #tpu.memory_space<vmem>>
      %dma_start3A_925 = tpu.memref_squeeze %dma_start3A_924 : memref<1x1x16x128xf32, #tpu.memory_space<vmem>> -> memref<16x128xf32, #tpu.memory_space<vmem>>
      %dma_start3A_926 = arith.constant 0 : i32
      %dma_start3A_927 = tpu.memref_slice %arg3[%dma_start3A_926, %multiple_of3A_914] : memref<16x1000000xf32, #tpu.memory_space<hbm>> -> memref<16x128xf32, #tpu.memory_space<hbm>>
      tpu.enqueue_dma source(%dma_start3A_927 : memref<16x128xf32, #tpu.memory_space<hbm>>) target(%dma_start3A_925 : memref<16x128xf32, #tpu.memory_space<vmem>>) target_semaphore(%arg8 : memref<!tpu.dma_semaphore, #tpu.memory_space<semaphore_mem>>)
      %slice3A_928 = vector.extract_strided_slice %get3A_779 {offsets = [8], sizes = [1], strides = [1]} : vector<16xi32> to vector<1xi32>
      %squeeze3A_929 = vector.extract %slice3A_928[0] : i32 from vector<1xi32>
      %and3A_930 = arith.constant -128 : i32
      %and3A_931 = arith.andi %squeeze3A_929, %and3A_930 : i32
      %multiple_of3A_932 = tpu.assume_multiple %and3A_931, 128 : i32
      %dma_start3A_933 = arith.constant 8 : i32
      %dma_start3A_934 = arith.constant 0 : i32
      %dma_start3A_935 = arith.constant 0 : i32
      %dma_start3A_936 = tpu.memref_slice %arg6[%rem3A_783, %dma_start3A_933, %dma_start3A_934, %dma_start3A_935] : memref<2x16x16x128xf32, #tpu.memory_space<vmem>> -> memref<1x1x16x128xf32, #tpu.memory_space<vmem>>
      %dma_start3A_937 = tpu.memref_squeeze %dma_start3A_936 : memref<1x1x16x128xf32, #tpu.memory_space<vmem>> -> memref<16x128xf32, #tpu.memory_space<vmem>>
      %dma_start3A_938 = arith.constant 0 : i32
      %dma_start3A_939 = tpu.memref_slice %arg3[%dma_start3A_938, %multiple_of3A_932] : memref<16x1000000xf32, #tpu.memory_space<hbm>> -> memref<16x128xf32, #tpu.memory_space<hbm>>
      %dma_start3A_940 = arith.constant 0 : i32
      %dma_start3A_941 = arith.constant 0 : i32
      %dma_start3A_942 = tpu.memref_slice %arg6[%rem3A_783, %dma_start3A_933, %dma_start3A_940, %dma_start3A_941] : memref<2x16x16x128xf32, #tpu.memory_space<vmem>> -> memref<1x1x16x128xf32, #tpu.memory_space<vmem>>
      %dma_start3A_943 = tpu.memref_squeeze %dma_start3A_942 : memref<1x1x16x128xf32, #tpu.memory_space<vmem>> -> memref<16x128xf32, #tpu.memory_space<vmem>>
      %dma_start3A_944 = arith.constant 0 : i32
      %dma_start3A_945 = tpu.memref_slice %arg3[%dma_start3A_944, %multiple_of3A_932] : memref<16x1000000xf32, #tpu.memory_space<hbm>> -> memref<16x128xf32, #tpu.memory_space<hbm>>
      tpu.enqueue_dma source(%dma_start3A_945 : memref<16x128xf32, #tpu.memory_space<hbm>>) target(%dma_start3A_943 : memref<16x128xf32, #tpu.memory_space<vmem>>) target_semaphore(%arg8 : memref<!tpu.dma_semaphore, #tpu.memory_space<semaphore_mem>>)
      %slice3A_946 = vector.extract_strided_slice %get3A_779 {offsets = [9], sizes = [1], strides = [1]} : vector<16xi32> to vector<1xi32>
      %squeeze3A_947 = vector.extract %slice3A_946[0] : i32 from vector<1xi32>
      %and3A_948 = arith.constant -128 : i32
      %and3A_949 = arith.andi %squeeze3A_947, %and3A_948 : i32
      %multiple_of3A_950 = tpu.assume_multiple %and3A_949, 128 : i32
      %dma_start3A_951 = arith.constant 9 : i32
      %dma_start3A_952 = arith.constant 0 : i32
      %dma_start3A_953 = arith.constant 0 : i32
      %dma_start3A_954 = tpu.memref_slice %arg6[%rem3A_783, %dma_start3A_951, %dma_start3A_952, %dma_start3A_953] : memref<2x16x16x128xf32, #tpu.memory_space<vmem>> -> memref<1x1x16x128xf32, #tpu.memory_space<vmem>>
      %dma_start3A_955 = tpu.memref_squeeze %dma_start3A_954 : memref<1x1x16x128xf32, #tpu.memory_space<vmem>> -> memref<16x128xf32, #tpu.memory_space<vmem>>
      %dma_start3A_956 = arith.constant 0 : i32
      %dma_start3A_957 = tpu.memref_slice %arg3[%dma_start3A_956, %multiple_of3A_950] : memref<16x1000000xf32, #tpu.memory_space<hbm>> -> memref<16x128xf32, #tpu.memory_space<hbm>>
      %dma_start3A_958 = arith.constant 0 : i32
      %dma_start3A_959 = arith.constant 0 : i32
      %dma_start3A_960 = tpu.memref_slice %arg6[%rem3A_783, %dma_start3A_951, %dma_start3A_958, %dma_start3A_959] : memref<2x16x16x128xf32, #tpu.memory_space<vmem>> -> memref<1x1x16x128xf32, #tpu.memory_space<vmem>>
      %dma_start3A_961 = tpu.memref_squeeze %dma_start3A_960 : memref<1x1x16x128xf32, #tpu.memory_space<vmem>> -> memref<16x128xf32, #tpu.memory_space<vmem>>
      %dma_start3A_962 = arith.constant 0 : i32
      %dma_start3A_963 = tpu.memref_slice %arg3[%dma_start3A_962, %multiple_of3A_950] : memref<16x1000000xf32, #tpu.memory_space<hbm>> -> memref<16x128xf32, #tpu.memory_space<hbm>>
      tpu.enqueue_dma source(%dma_start3A_963 : memref<16x128xf32, #tpu.memory_space<hbm>>) target(%dma_start3A_961 : memref<16x128xf32, #tpu.memory_space<vmem>>) target_semaphore(%arg8 : memref<!tpu.dma_semaphore, #tpu.memory_space<semaphore_mem>>)
      %slice3A_964 = vector.extract_strided_slice %get3A_779 {offsets = [10], sizes = [1], strides = [1]} : vector<16xi32> to vector<1xi32>
      %squeeze3A_965 = vector.extract %slice3A_964[0] : i32 from vector<1xi32>
      %and3A_966 = arith.constant -128 : i32
      %and3A_967 = arith.andi %squeeze3A_965, %and3A_966 : i32
      %multiple_of3A_968 = tpu.assume_multiple %and3A_967, 128 : i32
      %dma_start3A_969 = arith.constant 10 : i32
      %dma_start3A_970 = arith.constant 0 : i32
      %dma_start3A_971 = arith.constant 0 : i32
      %dma_start3A_972 = tpu.memref_slice %arg6[%rem3A_783, %dma_start3A_969, %dma_start3A_970, %dma_start3A_971] : memref<2x16x16x128xf32, #tpu.memory_space<vmem>> -> memref<1x1x16x128xf32, #tpu.memory_space<vmem>>
      %dma_start3A_973 = tpu.memref_squeeze %dma_start3A_972 : memref<1x1x16x128xf32, #tpu.memory_space<vmem>> -> memref<16x128xf32, #tpu.memory_space<vmem>>
      %dma_start3A_974 = arith.constant 0 : i32
      %dma_start3A_975 = tpu.memref_slice %arg3[%dma_start3A_974, %multiple_of3A_968] : memref<16x1000000xf32, #tpu.memory_space<hbm>> -> memref<16x128xf32, #tpu.memory_space<hbm>>
      %dma_start3A_976 = arith.constant 0 : i32
      %dma_start3A_977 = arith.constant 0 : i32
      %dma_start3A_978 = tpu.memref_slice %arg6[%rem3A_783, %dma_start3A_969, %dma_start3A_976, %dma_start3A_977] : memref<2x16x16x128xf32, #tpu.memory_space<vmem>> -> memref<1x1x16x128xf32, #tpu.memory_space<vmem>>
      %dma_start3A_979 = tpu.memref_squeeze %dma_start3A_978 : memref<1x1x16x128xf32, #tpu.memory_space<vmem>> -> memref<16x128xf32, #tpu.memory_space<vmem>>
      %dma_start3A_980 = arith.constant 0 : i32
      %dma_start3A_981 = tpu.memref_slice %arg3[%dma_start3A_980, %multiple_of3A_968] : memref<16x1000000xf32, #tpu.memory_space<hbm>> -> memref<16x128xf32, #tpu.memory_space<hbm>>
      tpu.enqueue_dma source(%dma_start3A_981 : memref<16x128xf32, #tpu.memory_space<hbm>>) target(%dma_start3A_979 : memref<16x128xf32, #tpu.memory_space<vmem>>) target_semaphore(%arg8 : memref<!tpu.dma_semaphore, #tpu.memory_space<semaphore_mem>>)
      %slice3A_982 = vector.extract_strided_slice %get3A_779 {offsets = [11], sizes = [1], strides = [1]} : vector<16xi32> to vector<1xi32>
      %squeeze3A_983 = vector.extract %slice3A_982[0] : i32 from vector<1xi32>
      %and3A_984 = arith.constant -128 : i32
      %and3A_985 = arith.andi %squeeze3A_983, %and3A_984 : i32
      %multiple_of3A_986 = tpu.assume_multiple %and3A_985, 128 : i32
      %dma_start3A_987 = arith.constant 11 : i32
      %dma_start3A_988 = arith.constant 0 : i32
      %dma_start3A_989 = arith.constant 0 : i32
      %dma_start3A_990 = tpu.memref_slice %arg6[%rem3A_783, %dma_start3A_987, %dma_start3A_988, %dma_start3A_989] : memref<2x16x16x128xf32, #tpu.memory_space<vmem>> -> memref<1x1x16x128xf32, #tpu.memory_space<vmem>>
      %dma_start3A_991 = tpu.memref_squeeze %dma_start3A_990 : memref<1x1x16x128xf32, #tpu.memory_space<vmem>> -> memref<16x128xf32, #tpu.memory_space<vmem>>
      %dma_start3A_992 = arith.constant 0 : i32
      %dma_start3A_993 = tpu.memref_slice %arg3[%dma_start3A_992, %multiple_of3A_986] : memref<16x1000000xf32, #tpu.memory_space<hbm>> -> memref<16x128xf32, #tpu.memory_space<hbm>>
      %dma_start3A_994 = arith.constant 0 : i32
      %dma_start3A_995 = arith.constant 0 : i32
      %dma_start3A_996 = tpu.memref_slice %arg6[%rem3A_783, %dma_start3A_987, %dma_start3A_994, %dma_start3A_995] : memref<2x16x16x128xf32, #tpu.memory_space<vmem>> -> memref<1x1x16x128xf32, #tpu.memory_space<vmem>>
      %dma_start3A_997 = tpu.memref_squeeze %dma_start3A_996 : memref<1x1x16x128xf32, #tpu.memory_space<vmem>> -> memref<16x128xf32, #tpu.memory_space<vmem>>
      %dma_start3A_998 = arith.constant 0 : i32
      %dma_start3A_999 = tpu.memref_slice %arg3[%dma_start3A_998, %multiple_of3A_986] : memref<16x1000000xf32, #tpu.memory_space<hbm>> -> memref<16x128xf32, #tpu.memory_space<hbm>>
      tpu.enqueue_dma source(%dma_start3A_999 : memref<16x128xf32, #tpu.memory_space<hbm>>) target(%dma_start3A_997 : memref<16x128xf32, #tpu.memory_space<vmem>>) target_semaphore(%arg8 : memref<!tpu.dma_semaphore, #tpu.memory_space<semaphore_mem>>)
      %slice3A_1000 = vector.extract_strided_slice %get3A_779 {offsets = [12], sizes = [1], strides = [1]} : vector<16xi32> to vector<1xi32>
      %squeeze3A_1001 = vector.extract %slice3A_1000[0] : i32 from vector<1xi32>
      %and3A_1002 = arith.constant -128 : i32
      %and3A_1003 = arith.andi %squeeze3A_1001, %and3A_1002 : i32
      %multiple_of3A_1004 = tpu.assume_multiple %and3A_1003, 128 : i32
      %dma_start3A_1005 = arith.constant 12 : i32
      %dma_start3A_1006 = arith.constant 0 : i32
      %dma_start3A_1007 = arith.constant 0 : i32
      %dma_start3A_1008 = tpu.memref_slice %arg6[%rem3A_783, %dma_start3A_1005, %dma_start3A_1006, %dma_start3A_1007] : memref<2x16x16x128xf32, #tpu.memory_space<vmem>> -> memref<1x1x16x128xf32, #tpu.memory_space<vmem>>
      %dma_start3A_1009 = tpu.memref_squeeze %dma_start3A_1008 : memref<1x1x16x128xf32, #tpu.memory_space<vmem>> -> memref<16x128xf32, #tpu.memory_space<vmem>>
      %dma_start3A_1010 = arith.constant 0 : i32
      %dma_start3A_1011 = tpu.memref_slice %arg3[%dma_start3A_1010, %multiple_of3A_1004] : memref<16x1000000xf32, #tpu.memory_space<hbm>> -> memref<16x128xf32, #tpu.memory_space<hbm>>
      %dma_start3A_1012 = arith.constant 0 : i32
      %dma_start3A_1013 = arith.constant 0 : i32
      %dma_start3A_1014 = tpu.memref_slice %arg6[%rem3A_783, %dma_start3A_1005, %dma_start3A_1012, %dma_start3A_1013] : memref<2x16x16x128xf32, #tpu.memory_space<vmem>> -> memref<1x1x16x128xf32, #tpu.memory_space<vmem>>
      %dma_start3A_1015 = tpu.memref_squeeze %dma_start3A_1014 : memref<1x1x16x128xf32, #tpu.memory_space<vmem>> -> memref<16x128xf32, #tpu.memory_space<vmem>>
      %dma_start3A_1016 = arith.constant 0 : i32
      %dma_start3A_1017 = tpu.memref_slice %arg3[%dma_start3A_1016, %multiple_of3A_1004] : memref<16x1000000xf32, #tpu.memory_space<hbm>> -> memref<16x128xf32, #tpu.memory_space<hbm>>
      tpu.enqueue_dma source(%dma_start3A_1017 : memref<16x128xf32, #tpu.memory_space<hbm>>) target(%dma_start3A_1015 : memref<16x128xf32, #tpu.memory_space<vmem>>) target_semaphore(%arg8 : memref<!tpu.dma_semaphore, #tpu.memory_space<semaphore_mem>>)
      %slice3A_1018 = vector.extract_strided_slice %get3A_779 {offsets = [13], sizes = [1], strides = [1]} : vector<16xi32> to vector<1xi32>
      %squeeze3A_1019 = vector.extract %slice3A_1018[0] : i32 from vector<1xi32>
      %and3A_1020 = arith.constant -128 : i32
      %and3A_1021 = arith.andi %squeeze3A_1019, %and3A_1020 : i32
      %multiple_of3A_1022 = tpu.assume_multiple %and3A_1021, 128 : i32
      %dma_start3A_1023 = arith.constant 13 : i32
      %dma_start3A_1024 = arith.constant 0 : i32
      %dma_start3A_1025 = arith.constant 0 : i32
      %dma_start3A_1026 = tpu.memref_slice %arg6[%rem3A_783, %dma_start3A_1023, %dma_start3A_1024, %dma_start3A_1025] : memref<2x16x16x128xf32, #tpu.memory_space<vmem>> -> memref<1x1x16x128xf32, #tpu.memory_space<vmem>>
      %dma_start3A_1027 = tpu.memref_squeeze %dma_start3A_1026 : memref<1x1x16x128xf32, #tpu.memory_space<vmem>> -> memref<16x128xf32, #tpu.memory_space<vmem>>
      %dma_start3A_1028 = arith.constant 0 : i32
      %dma_start3A_1029 = tpu.memref_slice %arg3[%dma_start3A_1028, %multiple_of3A_1022] : memref<16x1000000xf32, #tpu.memory_space<hbm>> -> memref<16x128xf32, #tpu.memory_space<hbm>>
      %dma_start3A_1030 = arith.constant 0 : i32
      %dma_start3A_1031 = arith.constant 0 : i32
      %dma_start3A_1032 = tpu.memref_slice %arg6[%rem3A_783, %dma_start3A_1023, %dma_start3A_1030, %dma_start3A_1031] : memref<2x16x16x128xf32, #tpu.memory_space<vmem>> -> memref<1x1x16x128xf32, #tpu.memory_space<vmem>>
      %dma_start3A_1033 = tpu.memref_squeeze %dma_start3A_1032 : memref<1x1x16x128xf32, #tpu.memory_space<vmem>> -> memref<16x128xf32, #tpu.memory_space<vmem>>
      %dma_start3A_1034 = arith.constant 0 : i32
      %dma_start3A_1035 = tpu.memref_slice %arg3[%dma_start3A_1034, %multiple_of3A_1022] : memref<16x1000000xf32, #tpu.memory_space<hbm>> -> memref<16x128xf32, #tpu.memory_space<hbm>>
      tpu.enqueue_dma source(%dma_start3A_1035 : memref<16x128xf32, #tpu.memory_space<hbm>>) target(%dma_start3A_1033 : memref<16x128xf32, #tpu.memory_space<vmem>>) target_semaphore(%arg8 : memref<!tpu.dma_semaphore, #tpu.memory_space<semaphore_mem>>)
      %slice3A_1036 = vector.extract_strided_slice %get3A_779 {offsets = [14], sizes = [1], strides = [1]} : vector<16xi32> to vector<1xi32>
      %squeeze3A_1037 = vector.extract %slice3A_1036[0] : i32 from vector<1xi32>
      %and3A_1038 = arith.constant -128 : i32
      %and3A_1039 = arith.andi %squeeze3A_1037, %and3A_1038 : i32
      %multiple_of3A_1040 = tpu.assume_multiple %and3A_1039, 128 : i32
      %dma_start3A_1041 = arith.constant 14 : i32
      %dma_start3A_1042 = arith.constant 0 : i32
      %dma_start3A_1043 = arith.constant 0 : i32
      %dma_start3A_1044 = tpu.memref_slice %arg6[%rem3A_783, %dma_start3A_1041, %dma_start3A_1042, %dma_start3A_1043] : memref<2x16x16x128xf32, #tpu.memory_space<vmem>> -> memref<1x1x16x128xf32, #tpu.memory_space<vmem>>
      %dma_start3A_1045 = tpu.memref_squeeze %dma_start3A_1044 : memref<1x1x16x128xf32, #tpu.memory_space<vmem>> -> memref<16x128xf32, #tpu.memory_space<vmem>>
      %dma_start3A_1046 = arith.constant 0 : i32
      %dma_start3A_1047 = tpu.memref_slice %arg3[%dma_start3A_1046, %multiple_of3A_1040] : memref<16x1000000xf32, #tpu.memory_space<hbm>> -> memref<16x128xf32, #tpu.memory_space<hbm>>
      %dma_start3A_1048 = arith.constant 0 : i32
      %dma_start3A_1049 = arith.constant 0 : i32
      %dma_start3A_1050 = tpu.memref_slice %arg6[%rem3A_783, %dma_start3A_1041, %dma_start3A_1048, %dma_start3A_1049] : memref<2x16x16x128xf32, #tpu.memory_space<vmem>> -> memref<1x1x16x128xf32, #tpu.memory_space<vmem>>
      %dma_start3A_1051 = tpu.memref_squeeze %dma_start3A_1050 : memref<1x1x16x128xf32, #tpu.memory_space<vmem>> -> memref<16x128xf32, #tpu.memory_space<vmem>>
      %dma_start3A_1052 = arith.constant 0 : i32
      %dma_start3A_1053 = tpu.memref_slice %arg3[%dma_start3A_1052, %multiple_of3A_1040] : memref<16x1000000xf32, #tpu.memory_space<hbm>> -> memref<16x128xf32, #tpu.memory_space<hbm>>
      tpu.enqueue_dma source(%dma_start3A_1053 : memref<16x128xf32, #tpu.memory_space<hbm>>) target(%dma_start3A_1051 : memref<16x128xf32, #tpu.memory_space<vmem>>) target_semaphore(%arg8 : memref<!tpu.dma_semaphore, #tpu.memory_space<semaphore_mem>>)
      %slice3A_1054 = vector.extract_strided_slice %get3A_779 {offsets = [15], sizes = [1], strides = [1]} : vector<16xi32> to vector<1xi32>
      %squeeze3A_1055 = vector.extract %slice3A_1054[0] : i32 from vector<1xi32>
      %and3A_1056 = arith.constant -128 : i32
      %and3A_1057 = arith.andi %squeeze3A_1055, %and3A_1056 : i32
      %multiple_of3A_1058 = tpu.assume_multiple %and3A_1057, 128 : i32
      %dma_start3A_1059 = arith.constant 15 : i32
      %dma_start3A_1060 = arith.constant 0 : i32
      %dma_start3A_1061 = arith.constant 0 : i32
      %dma_start3A_1062 = tpu.memref_slice %arg6[%rem3A_783, %dma_start3A_1059, %dma_start3A_1060, %dma_start3A_1061] : memref<2x16x16x128xf32, #tpu.memory_space<vmem>> -> memref<1x1x16x128xf32, #tpu.memory_space<vmem>>
      %dma_start3A_1063 = tpu.memref_squeeze %dma_start3A_1062 : memref<1x1x16x128xf32, #tpu.memory_space<vmem>> -> memref<16x128xf32, #tpu.memory_space<vmem>>
      %dma_start3A_1064 = arith.constant 0 : i32
      %dma_start3A_1065 = tpu.memref_slice %arg3[%dma_start3A_1064, %multiple_of3A_1058] : memref<16x1000000xf32, #tpu.memory_space<hbm>> -> memref<16x128xf32, #tpu.memory_space<hbm>>
      %dma_start3A_1066 = arith.constant 0 : i32
      %dma_start3A_1067 = arith.constant 0 : i32
      %dma_start3A_1068 = tpu.memref_slice %arg6[%rem3A_783, %dma_start3A_1059, %dma_start3A_1066, %dma_start3A_1067] : memref<2x16x16x128xf32, #tpu.memory_space<vmem>> -> memref<1x1x16x128xf32, #tpu.memory_space<vmem>>
      %dma_start3A_1069 = tpu.memref_squeeze %dma_start3A_1068 : memref<1x1x16x128xf32, #tpu.memory_space<vmem>> -> memref<16x128xf32, #tpu.memory_space<vmem>>
      %dma_start3A_1070 = arith.constant 0 : i32
      %dma_start3A_1071 = tpu.memref_slice %arg3[%dma_start3A_1070, %multiple_of3A_1058] : memref<16x1000000xf32, #tpu.memory_space<hbm>> -> memref<16x128xf32, #tpu.memory_space<hbm>>
      tpu.enqueue_dma source(%dma_start3A_1071 : memref<16x128xf32, #tpu.memory_space<hbm>>) target(%dma_start3A_1069 : memref<16x128xf32, #tpu.memory_space<vmem>>) target_semaphore(%arg8 : memref<!tpu.dma_semaphore, #tpu.memory_space<semaphore_mem>>)
      %rem3A_1072 = arith.constant 2 : i32
      %rem3A_1073 = arith.remsi %scan3A_772, %rem3A_1072 : i32
      %mul3A_1074 = arith.constant 16 : i32
      %mul3A_1075 = arith.muli %scan3A_772, %mul3A_1074 : i32
      %dma_wait3A_1076 = arith.constant 0 : i32
      %dma_wait3A_1077 = arith.constant 0 : i32
      %dma_wait3A_1078 = arith.constant 0 : i32
      %dma_wait3A_1079 = tpu.memref_slice %arg6[%rem3A_1073, %dma_wait3A_1076, %dma_wait3A_1077, %dma_wait3A_1078] : memref<2x16x16x128xf32, #tpu.memory_space<vmem>> -> memref<1x1x16x128xf32, #tpu.memory_space<vmem>>
      %dma_wait3A_1080 = tpu.memref_squeeze %dma_wait3A_1079 : memref<1x1x16x128xf32, #tpu.memory_space<vmem>> -> memref<16x128xf32, #tpu.memory_space<vmem>>
      %dma_wait3A_1081 = arith.constant 0 : i32
      %dma_wait3A_1082 = arith.constant 0 : i32
      %dma_wait3A_1083 = tpu.memref_slice %arg3[%dma_wait3A_1081, %dma_wait3A_1082] : memref<16x1000000xf32, #tpu.memory_space<hbm>> -> memref<16x128xf32, #tpu.memory_space<hbm>>
      %dma_wait3A_1084 = arith.constant 0 : i32
      %dma_wait3A_1085 = arith.constant 0 : i32
      %dma_wait3A_1086 = tpu.memref_slice %arg6[%rem3A_1073, %dma_wait3A_1076, %dma_wait3A_1084, %dma_wait3A_1085] : memref<2x16x16x128xf32, #tpu.memory_space<vmem>> -> memref<1x1x16x128xf32, #tpu.memory_space<vmem>>
      %dma_wait3A_1087 = tpu.memref_squeeze %dma_wait3A_1086 : memref<1x1x16x128xf32, #tpu.memory_space<vmem>> -> memref<16x128xf32, #tpu.memory_space<vmem>>
      %dma_wait3A_1088 = arith.constant 0 : i32
      %dma_wait3A_1089 = arith.constant 0 : i32
      %dma_wait3A_1090 = tpu.memref_slice %arg3[%dma_wait3A_1088, %dma_wait3A_1089] : memref<16x1000000xf32, #tpu.memory_space<hbm>> -> memref<16x128xf32, #tpu.memory_space<hbm>>
      tpu.wait_dma2 semaphore(%arg8 : memref<!tpu.dma_semaphore, #tpu.memory_space<semaphore_mem>>) src(%dma_wait3A_1090 : memref<16x128xf32, #tpu.memory_space<hbm>>) dst(%dma_wait3A_1087 : memref<16x128xf32, #tpu.memory_space<vmem>>)
      %slice3A_1091 = vector.extract_strided_slice %scan3A_773 {offsets = [0], sizes = [1], strides = [1]} : vector<16xi32> to vector<1xi32>
      %squeeze3A_1092 = vector.extract %slice3A_1091[0] : i32 from vector<1xi32>
      %and3A_1093 = arith.constant 127 : i32
      %and3A_1094 = arith.andi %squeeze3A_1092, %and3A_1093 : i32
      %broadcast_in_dim3A_1095 = vector.broadcast %and3A_1094 : i32 to vector<16xi32>
      %gather3A_1096 = arith.constant 0 : i32
      %gather3A_1097 = arith.constant 0 : i32
      %gather3A_1098 = arith.constant 0 : i32
      %gather3A_1099 = tpu.memref_slice %arg6[%rem3A_1073, %gather3A_1096, %gather3A_1097, %gather3A_1098] : memref<2x16x16x128xf32, #tpu.memory_space<vmem>> -> memref<1x1x16x128xf32, #tpu.memory_space<vmem>>
      %gather3A_1100 = tpu.memref_squeeze %gather3A_1099 : memref<1x1x16x128xf32, #tpu.memory_space<vmem>> -> memref<16x128xf32, #tpu.memory_space<vmem>>
      %gather3A_1101 = tpu.vector_load_idx %gather3A_1100[%select_n3A_17, %broadcast_in_dim3A_1095] : memref<16x128xf32, #tpu.memory_space<vmem>>[vector<16xi32>, vector<16xi32>], vector<16xf32>,
      %add3A_1102 = arith.constant 0 : i32
      %add3A_1103 = arith.addi %mul3A_1075, %add3A_1102 : i32
      %broadcast_in_dim3A_1104 = vector.broadcast %add3A_1103 : i32 to vector<16xi32>
      tpu.vector_store_idx %arg7[%select_n3A_17, %broadcast_in_dim3A_1104], %gather3A_1101 : memref<16x512xf32, #tpu.memory_space<vmem>>[vector<16xi32>, vector<16xi32>], vector<16xf32>,
      %dma_wait3A_1105 = arith.constant 1 : i32
      %dma_wait3A_1106 = arith.constant 0 : i32
      %dma_wait3A_1107 = arith.constant 0 : i32
      %dma_wait3A_1108 = tpu.memref_slice %arg6[%rem3A_1073, %dma_wait3A_1105, %dma_wait3A_1106, %dma_wait3A_1107] : memref<2x16x16x128xf32, #tpu.memory_space<vmem>> -> memref<1x1x16x128xf32, #tpu.memory_space<vmem>>
      %dma_wait3A_1109 = tpu.memref_squeeze %dma_wait3A_1108 : memref<1x1x16x128xf32, #tpu.memory_space<vmem>> -> memref<16x128xf32, #tpu.memory_space<vmem>>
      %dma_wait3A_1110 = arith.constant 0 : i32
      %dma_wait3A_1111 = arith.constant 0 : i32
      %dma_wait3A_1112 = tpu.memref_slice %arg3[%dma_wait3A_1110, %dma_wait3A_1111] : memref<16x1000000xf32, #tpu.memory_space<hbm>> -> memref<16x128xf32, #tpu.memory_space<hbm>>
      %dma_wait3A_1113 = arith.constant 0 : i32
      %dma_wait3A_1114 = arith.constant 0 : i32
      %dma_wait3A_1115 = tpu.memref_slice %arg6[%rem3A_1073, %dma_wait3A_1105, %dma_wait3A_1113, %dma_wait3A_1114] : memref<2x16x16x128xf32, #tpu.memory_space<vmem>> -> memref<1x1x16x128xf32, #tpu.memory_space<vmem>>
      %dma_wait3A_1116 = tpu.memref_squeeze %dma_wait3A_1115 : memref<1x1x16x128xf32, #tpu.memory_space<vmem>> -> memref<16x128xf32, #tpu.memory_space<vmem>>
      %dma_wait3A_1117 = arith.constant 0 : i32
      %dma_wait3A_1118 = arith.constant 0 : i32
      %dma_wait3A_1119 = tpu.memref_slice %arg3[%dma_wait3A_1117, %dma_wait3A_1118] : memref<16x1000000xf32, #tpu.memory_space<hbm>> -> memref<16x128xf32, #tpu.memory_space<hbm>>
      tpu.wait_dma2 semaphore(%arg8 : memref<!tpu.dma_semaphore, #tpu.memory_space<semaphore_mem>>) src(%dma_wait3A_1119 : memref<16x128xf32, #tpu.memory_space<hbm>>) dst(%dma_wait3A_1116 : memref<16x128xf32, #tpu.memory_space<vmem>>)
      %slice3A_1120 = vector.extract_strided_slice %scan3A_773 {offsets = [1], sizes = [1], strides = [1]} : vector<16xi32> to vector<1xi32>
      %squeeze3A_1121 = vector.extract %slice3A_1120[0] : i32 from vector<1xi32>
      %and3A_1122 = arith.constant 127 : i32
      %and3A_1123 = arith.andi %squeeze3A_1121, %and3A_1122 : i32
      %broadcast_in_dim3A_1124 = vector.broadcast %and3A_1123 : i32 to vector<16xi32>
      %gather3A_1125 = arith.constant 1 : i32
      %gather3A_1126 = arith.constant 0 : i32
      %gather3A_1127 = arith.constant 0 : i32
      %gather3A_1128 = tpu.memref_slice %arg6[%rem3A_1073, %gather3A_1125, %gather3A_1126, %gather3A_1127] : memref<2x16x16x128xf32, #tpu.memory_space<vmem>> -> memref<1x1x16x128xf32, #tpu.memory_space<vmem>>
      %gather3A_1129 = tpu.memref_squeeze %gather3A_1128 : memref<1x1x16x128xf32, #tpu.memory_space<vmem>> -> memref<16x128xf32, #tpu.memory_space<vmem>>
      %gather3A_1130 = tpu.vector_load_idx %gather3A_1129[%select_n3A_17, %broadcast_in_dim3A_1124] : memref<16x128xf32, #tpu.memory_space<vmem>>[vector<16xi32>, vector<16xi32>], vector<16xf32>,
      %add3A_1131 = arith.constant 1 : i32
      %add3A_1132 = arith.addi %mul3A_1075, %add3A_1131 : i32
      %broadcast_in_dim3A_1133 = vector.broadcast %add3A_1132 : i32 to vector<16xi32>
      tpu.vector_store_idx %arg7[%select_n3A_17, %broadcast_in_dim3A_1133], %gather3A_1130 : memref<16x512xf32, #tpu.memory_space<vmem>>[vector<16xi32>, vector<16xi32>], vector<16xf32>,
      %dma_wait3A_1134 = arith.constant 2 : i32
      %dma_wait3A_1135 = arith.constant 0 : i32
      %dma_wait3A_1136 = arith.constant 0 : i32
      %dma_wait3A_1137 = tpu.memref_slice %arg6[%rem3A_1073, %dma_wait3A_1134, %dma_wait3A_1135, %dma_wait3A_1136] : memref<2x16x16x128xf32, #tpu.memory_space<vmem>> -> memref<1x1x16x128xf32, #tpu.memory_space<vmem>>
      %dma_wait3A_1138 = tpu.memref_squeeze %dma_wait3A_1137 : memref<1x1x16x128xf32, #tpu.memory_space<vmem>> -> memref<16x128xf32, #tpu.memory_space<vmem>>
      %dma_wait3A_1139 = arith.constant 0 : i32
      %dma_wait3A_1140 = arith.constant 0 : i32
      %dma_wait3A_1141 = tpu.memref_slice %arg3[%dma_wait3A_1139, %dma_wait3A_1140] : memref<16x1000000xf32, #tpu.memory_space<hbm>> -> memref<16x128xf32, #tpu.memory_space<hbm>>
      %dma_wait3A_1142 = arith.constant 0 : i32
      %dma_wait3A_1143 = arith.constant 0 : i32
      %dma_wait3A_1144 = tpu.memref_slice %arg6[%rem3A_1073, %dma_wait3A_1134, %dma_wait3A_1142, %dma_wait3A_1143] : memref<2x16x16x128xf32, #tpu.memory_space<vmem>> -> memref<1x1x16x128xf32, #tpu.memory_space<vmem>>
      %dma_wait3A_1145 = tpu.memref_squeeze %dma_wait3A_1144 : memref<1x1x16x128xf32, #tpu.memory_space<vmem>> -> memref<16x128xf32, #tpu.memory_space<vmem>>
      %dma_wait3A_1146 = arith.constant 0 : i32
      %dma_wait3A_1147 = arith.constant 0 : i32
      %dma_wait3A_1148 = tpu.memref_slice %arg3[%dma_wait3A_1146, %dma_wait3A_1147] : memref<16x1000000xf32, #tpu.memory_space<hbm>> -> memref<16x128xf32, #tpu.memory_space<hbm>>
      tpu.wait_dma2 semaphore(%arg8 : memref<!tpu.dma_semaphore, #tpu.memory_space<semaphore_mem>>) src(%dma_wait3A_1148 : memref<16x128xf32, #tpu.memory_space<hbm>>) dst(%dma_wait3A_1145 : memref<16x128xf32, #tpu.memory_space<vmem>>)
      %slice3A_1149 = vector.extract_strided_slice %scan3A_773 {offsets = [2], sizes = [1], strides = [1]} : vector<16xi32> to vector<1xi32>
      %squeeze3A_1150 = vector.extract %slice3A_1149[0] : i32 from vector<1xi32>
      %and3A_1151 = arith.constant 127 : i32
      %and3A_1152 = arith.andi %squeeze3A_1150, %and3A_1151 : i32
      %broadcast_in_dim3A_1153 = vector.broadcast %and3A_1152 : i32 to vector<16xi32>
      %gather3A_1154 = arith.constant 2 : i32
      %gather3A_1155 = arith.constant 0 : i32
      %gather3A_1156 = arith.constant 0 : i32
      %gather3A_1157 = tpu.memref_slice %arg6[%rem3A_1073, %gather3A_1154, %gather3A_1155, %gather3A_1156] : memref<2x16x16x128xf32, #tpu.memory_space<vmem>> -> memref<1x1x16x128xf32, #tpu.memory_space<vmem>>
      %gather3A_1158 = tpu.memref_squeeze %gather3A_1157 : memref<1x1x16x128xf32, #tpu.memory_space<vmem>> -> memref<16x128xf32, #tpu.memory_space<vmem>>
      %gather3A_1159 = tpu.vector_load_idx %gather3A_1158[%select_n3A_17, %broadcast_in_dim3A_1153] : memref<16x128xf32, #tpu.memory_space<vmem>>[vector<16xi32>, vector<16xi32>], vector<16xf32>,
      %add3A_1160 = arith.constant 2 : i32
      %add3A_1161 = arith.addi %mul3A_1075, %add3A_1160 : i32
      %broadcast_in_dim3A_1162 = vector.broadcast %add3A_1161 : i32 to vector<16xi32>
      tpu.vector_store_idx %arg7[%select_n3A_17, %broadcast_in_dim3A_1162], %gather3A_1159 : memref<16x512xf32, #tpu.memory_space<vmem>>[vector<16xi32>, vector<16xi32>], vector<16xf32>,
      %dma_wait3A_1163 = arith.constant 3 : i32
      %dma_wait3A_1164 = arith.constant 0 : i32
      %dma_wait3A_1165 = arith.constant 0 : i32
      %dma_wait3A_1166 = tpu.memref_slice %arg6[%rem3A_1073, %dma_wait3A_1163, %dma_wait3A_1164, %dma_wait3A_1165] : memref<2x16x16x128xf32, #tpu.memory_space<vmem>> -> memref<1x1x16x128xf32, #tpu.memory_space<vmem>>
      %dma_wait3A_1167 = tpu.memref_squeeze %dma_wait3A_1166 : memref<1x1x16x128xf32, #tpu.memory_space<vmem>> -> memref<16x128xf32, #tpu.memory_space<vmem>>
      %dma_wait3A_1168 = arith.constant 0 : i32
      %dma_wait3A_1169 = arith.constant 0 : i32
      %dma_wait3A_1170 = tpu.memref_slice %arg3[%dma_wait3A_1168, %dma_wait3A_1169] : memref<16x1000000xf32, #tpu.memory_space<hbm>> -> memref<16x128xf32, #tpu.memory_space<hbm>>
      %dma_wait3A_1171 = arith.constant 0 : i32
      %dma_wait3A_1172 = arith.constant 0 : i32
      %dma_wait3A_1173 = tpu.memref_slice %arg6[%rem3A_1073, %dma_wait3A_1163, %dma_wait3A_1171, %dma_wait3A_1172] : memref<2x16x16x128xf32, #tpu.memory_space<vmem>> -> memref<1x1x16x128xf32, #tpu.memory_space<vmem>>
      %dma_wait3A_1174 = tpu.memref_squeeze %dma_wait3A_1173 : memref<1x1x16x128xf32, #tpu.memory_space<vmem>> -> memref<16x128xf32, #tpu.memory_space<vmem>>
      %dma_wait3A_1175 = arith.constant 0 : i32
      %dma_wait3A_1176 = arith.constant 0 : i32
      %dma_wait3A_1177 = tpu.memref_slice %arg3[%dma_wait3A_1175, %dma_wait3A_1176] : memref<16x1000000xf32, #tpu.memory_space<hbm>> -> memref<16x128xf32, #tpu.memory_space<hbm>>
      tpu.wait_dma2 semaphore(%arg8 : memref<!tpu.dma_semaphore, #tpu.memory_space<semaphore_mem>>) src(%dma_wait3A_1177 : memref<16x128xf32, #tpu.memory_space<hbm>>) dst(%dma_wait3A_1174 : memref<16x128xf32, #tpu.memory_space<vmem>>)
      %slice3A_1178 = vector.extract_strided_slice %scan3A_773 {offsets = [3], sizes = [1], strides = [1]} : vector<16xi32> to vector<1xi32>
      %squeeze3A_1179 = vector.extract %slice3A_1178[0] : i32 from vector<1xi32>
      %and3A_1180 = arith.constant 127 : i32
      %and3A_1181 = arith.andi %squeeze3A_1179, %and3A_1180 : i32
      %broadcast_in_dim3A_1182 = vector.broadcast %and3A_1181 : i32 to vector<16xi32>
      %gather3A_1183 = arith.constant 3 : i32
      %gather3A_1184 = arith.constant 0 : i32
      %gather3A_1185 = arith.constant 0 : i32
      %gather3A_1186 = tpu.memref_slice %arg6[%rem3A_1073, %gather3A_1183, %gather3A_1184, %gather3A_1185] : memref<2x16x16x128xf32, #tpu.memory_space<vmem>> -> memref<1x1x16x128xf32, #tpu.memory_space<vmem>>
      %gather3A_1187 = tpu.memref_squeeze %gather3A_1186 : memref<1x1x16x128xf32, #tpu.memory_space<vmem>> -> memref<16x128xf32, #tpu.memory_space<vmem>>
      %gather3A_1188 = tpu.vector_load_idx %gather3A_1187[%select_n3A_17, %broadcast_in_dim3A_1182] : memref<16x128xf32, #tpu.memory_space<vmem>>[vector<16xi32>, vector<16xi32>], vector<16xf32>,
      %add3A_1189 = arith.constant 3 : i32
      %add3A_1190 = arith.addi %mul3A_1075, %add3A_1189 : i32
      %broadcast_in_dim3A_1191 = vector.broadcast %add3A_1190 : i32 to vector<16xi32>
      tpu.vector_store_idx %arg7[%select_n3A_17, %broadcast_in_dim3A_1191], %gather3A_1188 : memref<16x512xf32, #tpu.memory_space<vmem>>[vector<16xi32>, vector<16xi32>], vector<16xf32>,
      %dma_wait3A_1192 = arith.constant 4 : i32
      %dma_wait3A_1193 = arith.constant 0 : i32
      %dma_wait3A_1194 = arith.constant 0 : i32
      %dma_wait3A_1195 = tpu.memref_slice %arg6[%rem3A_1073, %dma_wait3A_1192, %dma_wait3A_1193, %dma_wait3A_1194] : memref<2x16x16x128xf32, #tpu.memory_space<vmem>> -> memref<1x1x16x128xf32, #tpu.memory_space<vmem>>
      %dma_wait3A_1196 = tpu.memref_squeeze %dma_wait3A_1195 : memref<1x1x16x128xf32, #tpu.memory_space<vmem>> -> memref<16x128xf32, #tpu.memory_space<vmem>>
      %dma_wait3A_1197 = arith.constant 0 : i32
      %dma_wait3A_1198 = arith.constant 0 : i32
      %dma_wait3A_1199 = tpu.memref_slice %arg3[%dma_wait3A_1197, %dma_wait3A_1198] : memref<16x1000000xf32, #tpu.memory_space<hbm>> -> memref<16x128xf32, #tpu.memory_space<hbm>>
      %dma_wait3A_1200 = arith.constant 0 : i32
      %dma_wait3A_1201 = arith.constant 0 : i32
      %dma_wait3A_1202 = tpu.memref_slice %arg6[%rem3A_1073, %dma_wait3A_1192, %dma_wait3A_1200, %dma_wait3A_1201] : memref<2x16x16x128xf32, #tpu.memory_space<vmem>> -> memref<1x1x16x128xf32, #tpu.memory_space<vmem>>
      %dma_wait3A_1203 = tpu.memref_squeeze %dma_wait3A_1202 : memref<1x1x16x128xf32, #tpu.memory_space<vmem>> -> memref<16x128xf32, #tpu.memory_space<vmem>>
      %dma_wait3A_1204 = arith.constant 0 : i32
      %dma_wait3A_1205 = arith.constant 0 : i32
      %dma_wait3A_1206 = tpu.memref_slice %arg3[%dma_wait3A_1204, %dma_wait3A_1205] : memref<16x1000000xf32, #tpu.memory_space<hbm>> -> memref<16x128xf32, #tpu.memory_space<hbm>>
      tpu.wait_dma2 semaphore(%arg8 : memref<!tpu.dma_semaphore, #tpu.memory_space<semaphore_mem>>) src(%dma_wait3A_1206 : memref<16x128xf32, #tpu.memory_space<hbm>>) dst(%dma_wait3A_1203 : memref<16x128xf32, #tpu.memory_space<vmem>>)
      %slice3A_1207 = vector.extract_strided_slice %scan3A_773 {offsets = [4], sizes = [1], strides = [1]} : vector<16xi32> to vector<1xi32>
      %squeeze3A_1208 = vector.extract %slice3A_1207[0] : i32 from vector<1xi32>
      %and3A_1209 = arith.constant 127 : i32
      %and3A_1210 = arith.andi %squeeze3A_1208, %and3A_1209 : i32
      %broadcast_in_dim3A_1211 = vector.broadcast %and3A_1210 : i32 to vector<16xi32>
      %gather3A_1212 = arith.constant 4 : i32
      %gather3A_1213 = arith.constant 0 : i32
      %gather3A_1214 = arith.constant 0 : i32
      %gather3A_1215 = tpu.memref_slice %arg6[%rem3A_1073, %gather3A_1212, %gather3A_1213, %gather3A_1214] : memref<2x16x16x128xf32, #tpu.memory_space<vmem>> -> memref<1x1x16x128xf32, #tpu.memory_space<vmem>>
      %gather3A_1216 = tpu.memref_squeeze %gather3A_1215 : memref<1x1x16x128xf32, #tpu.memory_space<vmem>> -> memref<16x128xf32, #tpu.memory_space<vmem>>
      %gather3A_1217 = tpu.vector_load_idx %gather3A_1216[%select_n3A_17, %broadcast_in_dim3A_1211] : memref<16x128xf32, #tpu.memory_space<vmem>>[vector<16xi32>, vector<16xi32>], vector<16xf32>,
      %add3A_1218 = arith.constant 4 : i32
      %add3A_1219 = arith.addi %mul3A_1075, %add3A_1218 : i32
      %broadcast_in_dim3A_1220 = vector.broadcast %add3A_1219 : i32 to vector<16xi32>
      tpu.vector_store_idx %arg7[%select_n3A_17, %broadcast_in_dim3A_1220], %gather3A_1217 : memref<16x512xf32, #tpu.memory_space<vmem>>[vector<16xi32>, vector<16xi32>], vector<16xf32>,
      %dma_wait3A_1221 = arith.constant 5 : i32
      %dma_wait3A_1222 = arith.constant 0 : i32
      %dma_wait3A_1223 = arith.constant 0 : i32
      %dma_wait3A_1224 = tpu.memref_slice %arg6[%rem3A_1073, %dma_wait3A_1221, %dma_wait3A_1222, %dma_wait3A_1223] : memref<2x16x16x128xf32, #tpu.memory_space<vmem>> -> memref<1x1x16x128xf32, #tpu.memory_space<vmem>>
      %dma_wait3A_1225 = tpu.memref_squeeze %dma_wait3A_1224 : memref<1x1x16x128xf32, #tpu.memory_space<vmem>> -> memref<16x128xf32, #tpu.memory_space<vmem>>
      %dma_wait3A_1226 = arith.constant 0 : i32
      %dma_wait3A_1227 = arith.constant 0 : i32
      %dma_wait3A_1228 = tpu.memref_slice %arg3[%dma_wait3A_1226, %dma_wait3A_1227] : memref<16x1000000xf32, #tpu.memory_space<hbm>> -> memref<16x128xf32, #tpu.memory_space<hbm>>
      %dma_wait3A_1229 = arith.constant 0 : i32
      %dma_wait3A_1230 = arith.constant 0 : i32
      %dma_wait3A_1231 = tpu.memref_slice %arg6[%rem3A_1073, %dma_wait3A_1221, %dma_wait3A_1229, %dma_wait3A_1230] : memref<2x16x16x128xf32, #tpu.memory_space<vmem>> -> memref<1x1x16x128xf32, #tpu.memory_space<vmem>>
      %dma_wait3A_1232 = tpu.memref_squeeze %dma_wait3A_1231 : memref<1x1x16x128xf32, #tpu.memory_space<vmem>> -> memref<16x128xf32, #tpu.memory_space<vmem>>
      %dma_wait3A_1233 = arith.constant 0 : i32
      %dma_wait3A_1234 = arith.constant 0 : i32
      %dma_wait3A_1235 = tpu.memref_slice %arg3[%dma_wait3A_1233, %dma_wait3A_1234] : memref<16x1000000xf32, #tpu.memory_space<hbm>> -> memref<16x128xf32, #tpu.memory_space<hbm>>
      tpu.wait_dma2 semaphore(%arg8 : memref<!tpu.dma_semaphore, #tpu.memory_space<semaphore_mem>>) src(%dma_wait3A_1235 : memref<16x128xf32, #tpu.memory_space<hbm>>) dst(%dma_wait3A_1232 : memref<16x128xf32, #tpu.memory_space<vmem>>)
      %slice3A_1236 = vector.extract_strided_slice %scan3A_773 {offsets = [5], sizes = [1], strides = [1]} : vector<16xi32> to vector<1xi32>
      %squeeze3A_1237 = vector.extract %slice3A_1236[0] : i32 from vector<1xi32>
      %and3A_1238 = arith.constant 127 : i32
      %and3A_1239 = arith.andi %squeeze3A_1237, %and3A_1238 : i32
      %broadcast_in_dim3A_1240 = vector.broadcast %and3A_1239 : i32 to vector<16xi32>
      %gather3A_1241 = arith.constant 5 : i32
      %gather3A_1242 = arith.constant 0 : i32
      %gather3A_1243 = arith.constant 0 : i32
      %gather3A_1244 = tpu.memref_slice %arg6[%rem3A_1073, %gather3A_1241, %gather3A_1242, %gather3A_1243] : memref<2x16x16x128xf32, #tpu.memory_space<vmem>> -> memref<1x1x16x128xf32, #tpu.memory_space<vmem>>
      %gather3A_1245 = tpu.memref_squeeze %gather3A_1244 : memref<1x1x16x128xf32, #tpu.memory_space<vmem>> -> memref<16x128xf32, #tpu.memory_space<vmem>>
      %gather3A_1246 = tpu.vector_load_idx %gather3A_1245[%select_n3A_17, %broadcast_in_dim3A_1240] : memref<16x128xf32, #tpu.memory_space<vmem>>[vector<16xi32>, vector<16xi32>], vector<16xf32>,
      %add3A_1247 = arith.constant 5 : i32
      %add3A_1248 = arith.addi %mul3A_1075, %add3A_1247 : i32
      %broadcast_in_dim3A_1249 = vector.broadcast %add3A_1248 : i32 to vector<16xi32>
      tpu.vector_store_idx %arg7[%select_n3A_17, %broadcast_in_dim3A_1249], %gather3A_1246 : memref<16x512xf32, #tpu.memory_space<vmem>>[vector<16xi32>, vector<16xi32>], vector<16xf32>,
      %dma_wait3A_1250 = arith.constant 6 : i32
      %dma_wait3A_1251 = arith.constant 0 : i32
      %dma_wait3A_1252 = arith.constant 0 : i32
      %dma_wait3A_1253 = tpu.memref_slice %arg6[%rem3A_1073, %dma_wait3A_1250, %dma_wait3A_1251, %dma_wait3A_1252] : memref<2x16x16x128xf32, #tpu.memory_space<vmem>> -> memref<1x1x16x128xf32, #tpu.memory_space<vmem>>
      %dma_wait3A_1254 = tpu.memref_squeeze %dma_wait3A_1253 : memref<1x1x16x128xf32, #tpu.memory_space<vmem>> -> memref<16x128xf32, #tpu.memory_space<vmem>>
      %dma_wait3A_1255 = arith.constant 0 : i32
      %dma_wait3A_1256 = arith.constant 0 : i32
      %dma_wait3A_1257 = tpu.memref_slice %arg3[%dma_wait3A_1255, %dma_wait3A_1256] : memref<16x1000000xf32, #tpu.memory_space<hbm>> -> memref<16x128xf32, #tpu.memory_space<hbm>>
      %dma_wait3A_1258 = arith.constant 0 : i32
      %dma_wait3A_1259 = arith.constant 0 : i32
      %dma_wait3A_1260 = tpu.memref_slice %arg6[%rem3A_1073, %dma_wait3A_1250, %dma_wait3A_1258, %dma_wait3A_1259] : memref<2x16x16x128xf32, #tpu.memory_space<vmem>> -> memref<1x1x16x128xf32, #tpu.memory_space<vmem>>
      %dma_wait3A_1261 = tpu.memref_squeeze %dma_wait3A_1260 : memref<1x1x16x128xf32, #tpu.memory_space<vmem>> -> memref<16x128xf32, #tpu.memory_space<vmem>>
      %dma_wait3A_1262 = arith.constant 0 : i32
      %dma_wait3A_1263 = arith.constant 0 : i32
      %dma_wait3A_1264 = tpu.memref_slice %arg3[%dma_wait3A_1262, %dma_wait3A_1263] : memref<16x1000000xf32, #tpu.memory_space<hbm>> -> memref<16x128xf32, #tpu.memory_space<hbm>>
      tpu.wait_dma2 semaphore(%arg8 : memref<!tpu.dma_semaphore, #tpu.memory_space<semaphore_mem>>) src(%dma_wait3A_1264 : memref<16x128xf32, #tpu.memory_space<hbm>>) dst(%dma_wait3A_1261 : memref<16x128xf32, #tpu.memory_space<vmem>>)
      %slice3A_1265 = vector.extract_strided_slice %scan3A_773 {offsets = [6], sizes = [1], strides = [1]} : vector<16xi32> to vector<1xi32>
      %squeeze3A_1266 = vector.extract %slice3A_1265[0] : i32 from vector<1xi32>
      %and3A_1267 = arith.constant 127 : i32
      %and3A_1268 = arith.andi %squeeze3A_1266, %and3A_1267 : i32
      %broadcast_in_dim3A_1269 = vector.broadcast %and3A_1268 : i32 to vector<16xi32>
      %gather3A_1270 = arith.constant 6 : i32
      %gather3A_1271 = arith.constant 0 : i32
      %gather3A_1272 = arith.constant 0 : i32
      %gather3A_1273 = tpu.memref_slice %arg6[%rem3A_1073, %gather3A_1270, %gather3A_1271, %gather3A_1272] : memref<2x16x16x128xf32, #tpu.memory_space<vmem>> -> memref<1x1x16x128xf32, #tpu.memory_space<vmem>>
      %gather3A_1274 = tpu.memref_squeeze %gather3A_1273 : memref<1x1x16x128xf32, #tpu.memory_space<vmem>> -> memref<16x128xf32, #tpu.memory_space<vmem>>
      %gather3A_1275 = tpu.vector_load_idx %gather3A_1274[%select_n3A_17, %broadcast_in_dim3A_1269] : memref<16x128xf32, #tpu.memory_space<vmem>>[vector<16xi32>, vector<16xi32>], vector<16xf32>,
      %add3A_1276 = arith.constant 6 : i32
      %add3A_1277 = arith.addi %mul3A_1075, %add3A_1276 : i32
      %broadcast_in_dim3A_1278 = vector.broadcast %add3A_1277 : i32 to vector<16xi32>
      tpu.vector_store_idx %arg7[%select_n3A_17, %broadcast_in_dim3A_1278], %gather3A_1275 : memref<16x512xf32, #tpu.memory_space<vmem>>[vector<16xi32>, vector<16xi32>], vector<16xf32>,
      %dma_wait3A_1279 = arith.constant 7 : i32
      %dma_wait3A_1280 = arith.constant 0 : i32
      %dma_wait3A_1281 = arith.constant 0 : i32
      %dma_wait3A_1282 = tpu.memref_slice %arg6[%rem3A_1073, %dma_wait3A_1279, %dma_wait3A_1280, %dma_wait3A_1281] : memref<2x16x16x128xf32, #tpu.memory_space<vmem>> -> memref<1x1x16x128xf32, #tpu.memory_space<vmem>>
      %dma_wait3A_1283 = tpu.memref_squeeze %dma_wait3A_1282 : memref<1x1x16x128xf32, #tpu.memory_space<vmem>> -> memref<16x128xf32, #tpu.memory_space<vmem>>
      %dma_wait3A_1284 = arith.constant 0 : i32
      %dma_wait3A_1285 = arith.constant 0 : i32
      %dma_wait3A_1286 = tpu.memref_slice %arg3[%dma_wait3A_1284, %dma_wait3A_1285] : memref<16x1000000xf32, #tpu.memory_space<hbm>> -> memref<16x128xf32, #tpu.memory_space<hbm>>
      %dma_wait3A_1287 = arith.constant 0 : i32
      %dma_wait3A_1288 = arith.constant 0 : i32
      %dma_wait3A_1289 = tpu.memref_slice %arg6[%rem3A_1073, %dma_wait3A_1279, %dma_wait3A_1287, %dma_wait3A_1288] : memref<2x16x16x128xf32, #tpu.memory_space<vmem>> -> memref<1x1x16x128xf32, #tpu.memory_space<vmem>>
      %dma_wait3A_1290 = tpu.memref_squeeze %dma_wait3A_1289 : memref<1x1x16x128xf32, #tpu.memory_space<vmem>> -> memref<16x128xf32, #tpu.memory_space<vmem>>
      %dma_wait3A_1291 = arith.constant 0 : i32
      %dma_wait3A_1292 = arith.constant 0 : i32
      %dma_wait3A_1293 = tpu.memref_slice %arg3[%dma_wait3A_1291, %dma_wait3A_1292] : memref<16x1000000xf32, #tpu.memory_space<hbm>> -> memref<16x128xf32, #tpu.memory_space<hbm>>
      tpu.wait_dma2 semaphore(%arg8 : memref<!tpu.dma_semaphore, #tpu.memory_space<semaphore_mem>>) src(%dma_wait3A_1293 : memref<16x128xf32, #tpu.memory_space<hbm>>) dst(%dma_wait3A_1290 : memref<16x128xf32, #tpu.memory_space<vmem>>)
      %slice3A_1294 = vector.extract_strided_slice %scan3A_773 {offsets = [7], sizes = [1], strides = [1]} : vector<16xi32> to vector<1xi32>
      %squeeze3A_1295 = vector.extract %slice3A_1294[0] : i32 from vector<1xi32>
      %and3A_1296 = arith.constant 127 : i32
      %and3A_1297 = arith.andi %squeeze3A_1295, %and3A_1296 : i32
      %broadcast_in_dim3A_1298 = vector.broadcast %and3A_1297 : i32 to vector<16xi32>
      %gather3A_1299 = arith.constant 7 : i32
      %gather3A_1300 = arith.constant 0 : i32
      %gather3A_1301 = arith.constant 0 : i32
      %gather3A_1302 = tpu.memref_slice %arg6[%rem3A_1073, %gather3A_1299, %gather3A_1300, %gather3A_1301] : memref<2x16x16x128xf32, #tpu.memory_space<vmem>> -> memref<1x1x16x128xf32, #tpu.memory_space<vmem>>
      %gather3A_1303 = tpu.memref_squeeze %gather3A_1302 : memref<1x1x16x128xf32, #tpu.memory_space<vmem>> -> memref<16x128xf32, #tpu.memory_space<vmem>>
      %gather3A_1304 = tpu.vector_load_idx %gather3A_1303[%select_n3A_17, %broadcast_in_dim3A_1298] : memref<16x128xf32, #tpu.memory_space<vmem>>[vector<16xi32>, vector<16xi32>], vector<16xf32>,
      %add3A_1305 = arith.constant 7 : i32
      %add3A_1306 = arith.addi %mul3A_1075, %add3A_1305 : i32
      %broadcast_in_dim3A_1307 = vector.broadcast %add3A_1306 : i32 to vector<16xi32>
      tpu.vector_store_idx %arg7[%select_n3A_17, %broadcast_in_dim3A_1307], %gather3A_1304 : memref<16x512xf32, #tpu.memory_space<vmem>>[vector<16xi32>, vector<16xi32>], vector<16xf32>,
      %dma_wait3A_1308 = arith.constant 8 : i32
      %dma_wait3A_1309 = arith.constant 0 : i32
      %dma_wait3A_1310 = arith.constant 0 : i32
      %dma_wait3A_1311 = tpu.memref_slice %arg6[%rem3A_1073, %dma_wait3A_1308, %dma_wait3A_1309, %dma_wait3A_1310] : memref<2x16x16x128xf32, #tpu.memory_space<vmem>> -> memref<1x1x16x128xf32, #tpu.memory_space<vmem>>
      %dma_wait3A_1312 = tpu.memref_squeeze %dma_wait3A_1311 : memref<1x1x16x128xf32, #tpu.memory_space<vmem>> -> memref<16x128xf32, #tpu.memory_space<vmem>>
      %dma_wait3A_1313 = arith.constant 0 : i32
      %dma_wait3A_1314 = arith.constant 0 : i32
      %dma_wait3A_1315 = tpu.memref_slice %arg3[%dma_wait3A_1313, %dma_wait3A_1314] : memref<16x1000000xf32, #tpu.memory_space<hbm>> -> memref<16x128xf32, #tpu.memory_space<hbm>>
      %dma_wait3A_1316 = arith.constant 0 : i32
      %dma_wait3A_1317 = arith.constant 0 : i32
      %dma_wait3A_1318 = tpu.memref_slice %arg6[%rem3A_1073, %dma_wait3A_1308, %dma_wait3A_1316, %dma_wait3A_1317] : memref<2x16x16x128xf32, #tpu.memory_space<vmem>> -> memref<1x1x16x128xf32, #tpu.memory_space<vmem>>
      %dma_wait3A_1319 = tpu.memref_squeeze %dma_wait3A_1318 : memref<1x1x16x128xf32, #tpu.memory_space<vmem>> -> memref<16x128xf32, #tpu.memory_space<vmem>>
      %dma_wait3A_1320 = arith.constant 0 : i32
      %dma_wait3A_1321 = arith.constant 0 : i32
      %dma_wait3A_1322 = tpu.memref_slice %arg3[%dma_wait3A_1320, %dma_wait3A_1321] : memref<16x1000000xf32, #tpu.memory_space<hbm>> -> memref<16x128xf32, #tpu.memory_space<hbm>>
      tpu.wait_dma2 semaphore(%arg8 : memref<!tpu.dma_semaphore, #tpu.memory_space<semaphore_mem>>) src(%dma_wait3A_1322 : memref<16x128xf32, #tpu.memory_space<hbm>>) dst(%dma_wait3A_1319 : memref<16x128xf32, #tpu.memory_space<vmem>>)
      %slice3A_1323 = vector.extract_strided_slice %scan3A_773 {offsets = [8], sizes = [1], strides = [1]} : vector<16xi32> to vector<1xi32>
      %squeeze3A_1324 = vector.extract %slice3A_1323[0] : i32 from vector<1xi32>
      %and3A_1325 = arith.constant 127 : i32
      %and3A_1326 = arith.andi %squeeze3A_1324, %and3A_1325 : i32
      %broadcast_in_dim3A_1327 = vector.broadcast %and3A_1326 : i32 to vector<16xi32>
      %gather3A_1328 = arith.constant 8 : i32
      %gather3A_1329 = arith.constant 0 : i32
      %gather3A_1330 = arith.constant 0 : i32
      %gather3A_1331 = tpu.memref_slice %arg6[%rem3A_1073, %gather3A_1328, %gather3A_1329, %gather3A_1330] : memref<2x16x16x128xf32, #tpu.memory_space<vmem>> -> memref<1x1x16x128xf32, #tpu.memory_space<vmem>>
      %gather3A_1332 = tpu.memref_squeeze %gather3A_1331 : memref<1x1x16x128xf32, #tpu.memory_space<vmem>> -> memref<16x128xf32, #tpu.memory_space<vmem>>
      %gather3A_1333 = tpu.vector_load_idx %gather3A_1332[%select_n3A_17, %broadcast_in_dim3A_1327] : memref<16x128xf32, #tpu.memory_space<vmem>>[vector<16xi32>, vector<16xi32>], vector<16xf32>,
      %add3A_1334 = arith.constant 8 : i32
      %add3A_1335 = arith.addi %mul3A_1075, %add3A_1334 : i32
      %broadcast_in_dim3A_1336 = vector.broadcast %add3A_1335 : i32 to vector<16xi32>
      tpu.vector_store_idx %arg7[%select_n3A_17, %broadcast_in_dim3A_1336], %gather3A_1333 : memref<16x512xf32, #tpu.memory_space<vmem>>[vector<16xi32>, vector<16xi32>], vector<16xf32>,
      %dma_wait3A_1337 = arith.constant 9 : i32
      %dma_wait3A_1338 = arith.constant 0 : i32
      %dma_wait3A_1339 = arith.constant 0 : i32
      %dma_wait3A_1340 = tpu.memref_slice %arg6[%rem3A_1073, %dma_wait3A_1337, %dma_wait3A_1338, %dma_wait3A_1339] : memref<2x16x16x128xf32, #tpu.memory_space<vmem>> -> memref<1x1x16x128xf32, #tpu.memory_space<vmem>>
      %dma_wait3A_1341 = tpu.memref_squeeze %dma_wait3A_1340 : memref<1x1x16x128xf32, #tpu.memory_space<vmem>> -> memref<16x128xf32, #tpu.memory_space<vmem>>
      %dma_wait3A_1342 = arith.constant 0 : i32
      %dma_wait3A_1343 = arith.constant 0 : i32
      %dma_wait3A_1344 = tpu.memref_slice %arg3[%dma_wait3A_1342, %dma_wait3A_1343] : memref<16x1000000xf32, #tpu.memory_space<hbm>> -> memref<16x128xf32, #tpu.memory_space<hbm>>
      %dma_wait3A_1345 = arith.constant 0 : i32
      %dma_wait3A_1346 = arith.constant 0 : i32
      %dma_wait3A_1347 = tpu.memref_slice %arg6[%rem3A_1073, %dma_wait3A_1337, %dma_wait3A_1345, %dma_wait3A_1346] : memref<2x16x16x128xf32, #tpu.memory_space<vmem>> -> memref<1x1x16x128xf32, #tpu.memory_space<vmem>>
      %dma_wait3A_1348 = tpu.memref_squeeze %dma_wait3A_1347 : memref<1x1x16x128xf32, #tpu.memory_space<vmem>> -> memref<16x128xf32, #tpu.memory_space<vmem>>
      %dma_wait3A_1349 = arith.constant 0 : i32
      %dma_wait3A_1350 = arith.constant 0 : i32
      %dma_wait3A_1351 = tpu.memref_slice %arg3[%dma_wait3A_1349, %dma_wait3A_1350] : memref<16x1000000xf32, #tpu.memory_space<hbm>> -> memref<16x128xf32, #tpu.memory_space<hbm>>
      tpu.wait_dma2 semaphore(%arg8 : memref<!tpu.dma_semaphore, #tpu.memory_space<semaphore_mem>>) src(%dma_wait3A_1351 : memref<16x128xf32, #tpu.memory_space<hbm>>) dst(%dma_wait3A_1348 : memref<16x128xf32, #tpu.memory_space<vmem>>)
      %slice3A_1352 = vector.extract_strided_slice %scan3A_773 {offsets = [9], sizes = [1], strides = [1]} : vector<16xi32> to vector<1xi32>
      %squeeze3A_1353 = vector.extract %slice3A_1352[0] : i32 from vector<1xi32>
      %and3A_1354 = arith.constant 127 : i32
      %and3A_1355 = arith.andi %squeeze3A_1353, %and3A_1354 : i32
      %broadcast_in_dim3A_1356 = vector.broadcast %and3A_1355 : i32 to vector<16xi32>
      %gather3A_1357 = arith.constant 9 : i32
      %gather3A_1358 = arith.constant 0 : i32
      %gather3A_1359 = arith.constant 0 : i32
      %gather3A_1360 = tpu.memref_slice %arg6[%rem3A_1073, %gather3A_1357, %gather3A_1358, %gather3A_1359] : memref<2x16x16x128xf32, #tpu.memory_space<vmem>> -> memref<1x1x16x128xf32, #tpu.memory_space<vmem>>
      %gather3A_1361 = tpu.memref_squeeze %gather3A_1360 : memref<1x1x16x128xf32, #tpu.memory_space<vmem>> -> memref<16x128xf32, #tpu.memory_space<vmem>>
      %gather3A_1362 = tpu.vector_load_idx %gather3A_1361[%select_n3A_17, %broadcast_in_dim3A_1356] : memref<16x128xf32, #tpu.memory_space<vmem>>[vector<16xi32>, vector<16xi32>], vector<16xf32>,
      %add3A_1363 = arith.constant 9 : i32
      %add3A_1364 = arith.addi %mul3A_1075, %add3A_1363 : i32
      %broadcast_in_dim3A_1365 = vector.broadcast %add3A_1364 : i32 to vector<16xi32>
      tpu.vector_store_idx %arg7[%select_n3A_17, %broadcast_in_dim3A_1365], %gather3A_1362 : memref<16x512xf32, #tpu.memory_space<vmem>>[vector<16xi32>, vector<16xi32>], vector<16xf32>,
      %dma_wait3A_1366 = arith.constant 10 : i32
      %dma_wait3A_1367 = arith.constant 0 : i32
      %dma_wait3A_1368 = arith.constant 0 : i32
      %dma_wait3A_1369 = tpu.memref_slice %arg6[%rem3A_1073, %dma_wait3A_1366, %dma_wait3A_1367, %dma_wait3A_1368] : memref<2x16x16x128xf32, #tpu.memory_space<vmem>> -> memref<1x1x16x128xf32, #tpu.memory_space<vmem>>
      %dma_wait3A_1370 = tpu.memref_squeeze %dma_wait3A_1369 : memref<1x1x16x128xf32, #tpu.memory_space<vmem>> -> memref<16x128xf32, #tpu.memory_space<vmem>>
      %dma_wait3A_1371 = arith.constant 0 : i32
      %dma_wait3A_1372 = arith.constant 0 : i32
      %dma_wait3A_1373 = tpu.memref_slice %arg3[%dma_wait3A_1371, %dma_wait3A_1372] : memref<16x1000000xf32, #tpu.memory_space<hbm>> -> memref<16x128xf32, #tpu.memory_space<hbm>>
      %dma_wait3A_1374 = arith.constant 0 : i32
      %dma_wait3A_1375 = arith.constant 0 : i32
      %dma_wait3A_1376 = tpu.memref_slice %arg6[%rem3A_1073, %dma_wait3A_1366, %dma_wait3A_1374, %dma_wait3A_1375] : memref<2x16x16x128xf32, #tpu.memory_space<vmem>> -> memref<1x1x16x128xf32, #tpu.memory_space<vmem>>
      %dma_wait3A_1377 = tpu.memref_squeeze %dma_wait3A_1376 : memref<1x1x16x128xf32, #tpu.memory_space<vmem>> -> memref<16x128xf32, #tpu.memory_space<vmem>>
      %dma_wait3A_1378 = arith.constant 0 : i32
      %dma_wait3A_1379 = arith.constant 0 : i32
      %dma_wait3A_1380 = tpu.memref_slice %arg3[%dma_wait3A_1378, %dma_wait3A_1379] : memref<16x1000000xf32, #tpu.memory_space<hbm>> -> memref<16x128xf32, #tpu.memory_space<hbm>>
      tpu.wait_dma2 semaphore(%arg8 : memref<!tpu.dma_semaphore, #tpu.memory_space<semaphore_mem>>) src(%dma_wait3A_1380 : memref<16x128xf32, #tpu.memory_space<hbm>>) dst(%dma_wait3A_1377 : memref<16x128xf32, #tpu.memory_space<vmem>>)
      %slice3A_1381 = vector.extract_strided_slice %scan3A_773 {offsets = [10], sizes = [1], strides = [1]} : vector<16xi32> to vector<1xi32>
      %squeeze3A_1382 = vector.extract %slice3A_1381[0] : i32 from vector<1xi32>
      %and3A_1383 = arith.constant 127 : i32
      %and3A_1384 = arith.andi %squeeze3A_1382, %and3A_1383 : i32
      %broadcast_in_dim3A_1385 = vector.broadcast %and3A_1384 : i32 to vector<16xi32>
      %gather3A_1386 = arith.constant 10 : i32
      %gather3A_1387 = arith.constant 0 : i32
      %gather3A_1388 = arith.constant 0 : i32
      %gather3A_1389 = tpu.memref_slice %arg6[%rem3A_1073, %gather3A_1386, %gather3A_1387, %gather3A_1388] : memref<2x16x16x128xf32, #tpu.memory_space<vmem>> -> memref<1x1x16x128xf32, #tpu.memory_space<vmem>>
      %gather3A_1390 = tpu.memref_squeeze %gather3A_1389 : memref<1x1x16x128xf32, #tpu.memory_space<vmem>> -> memref<16x128xf32, #tpu.memory_space<vmem>>
      %gather3A_1391 = tpu.vector_load_idx %gather3A_1390[%select_n3A_17, %broadcast_in_dim3A_1385] : memref<16x128xf32, #tpu.memory_space<vmem>>[vector<16xi32>, vector<16xi32>], vector<16xf32>,
      %add3A_1392 = arith.constant 10 : i32
      %add3A_1393 = arith.addi %mul3A_1075, %add3A_1392 : i32
      %broadcast_in_dim3A_1394 = vector.broadcast %add3A_1393 : i32 to vector<16xi32>
      tpu.vector_store_idx %arg7[%select_n3A_17, %broadcast_in_dim3A_1394], %gather3A_1391 : memref<16x512xf32, #tpu.memory_space<vmem>>[vector<16xi32>, vector<16xi32>], vector<16xf32>,
      %dma_wait3A_1395 = arith.constant 11 : i32
      %dma_wait3A_1396 = arith.constant 0 : i32
      %dma_wait3A_1397 = arith.constant 0 : i32
      %dma_wait3A_1398 = tpu.memref_slice %arg6[%rem3A_1073, %dma_wait3A_1395, %dma_wait3A_1396, %dma_wait3A_1397] : memref<2x16x16x128xf32, #tpu.memory_space<vmem>> -> memref<1x1x16x128xf32, #tpu.memory_space<vmem>>
      %dma_wait3A_1399 = tpu.memref_squeeze %dma_wait3A_1398 : memref<1x1x16x128xf32, #tpu.memory_space<vmem>> -> memref<16x128xf32, #tpu.memory_space<vmem>>
      %dma_wait3A_1400 = arith.constant 0 : i32
      %dma_wait3A_1401 = arith.constant 0 : i32
      %dma_wait3A_1402 = tpu.memref_slice %arg3[%dma_wait3A_1400, %dma_wait3A_1401] : memref<16x1000000xf32, #tpu.memory_space<hbm>> -> memref<16x128xf32, #tpu.memory_space<hbm>>
      %dma_wait3A_1403 = arith.constant 0 : i32
      %dma_wait3A_1404 = arith.constant 0 : i32
      %dma_wait3A_1405 = tpu.memref_slice %arg6[%rem3A_1073, %dma_wait3A_1395, %dma_wait3A_1403, %dma_wait3A_1404] : memref<2x16x16x128xf32, #tpu.memory_space<vmem>> -> memref<1x1x16x128xf32, #tpu.memory_space<vmem>>
      %dma_wait3A_1406 = tpu.memref_squeeze %dma_wait3A_1405 : memref<1x1x16x128xf32, #tpu.memory_space<vmem>> -> memref<16x128xf32, #tpu.memory_space<vmem>>
      %dma_wait3A_1407 = arith.constant 0 : i32
      %dma_wait3A_1408 = arith.constant 0 : i32
      %dma_wait3A_1409 = tpu.memref_slice %arg3[%dma_wait3A_1407, %dma_wait3A_1408] : memref<16x1000000xf32, #tpu.memory_space<hbm>> -> memref<16x128xf32, #tpu.memory_space<hbm>>
      tpu.wait_dma2 semaphore(%arg8 : memref<!tpu.dma_semaphore, #tpu.memory_space<semaphore_mem>>) src(%dma_wait3A_1409 : memref<16x128xf32, #tpu.memory_space<hbm>>) dst(%dma_wait3A_1406 : memref<16x128xf32, #tpu.memory_space<vmem>>)
      %slice3A_1410 = vector.extract_strided_slice %scan3A_773 {offsets = [11], sizes = [1], strides = [1]} : vector<16xi32> to vector<1xi32>
      %squeeze3A_1411 = vector.extract %slice3A_1410[0] : i32 from vector<1xi32>
      %and3A_1412 = arith.constant 127 : i32
      %and3A_1413 = arith.andi %squeeze3A_1411, %and3A_1412 : i32
      %broadcast_in_dim3A_1414 = vector.broadcast %and3A_1413 : i32 to vector<16xi32>
      %gather3A_1415 = arith.constant 11 : i32
      %gather3A_1416 = arith.constant 0 : i32
      %gather3A_1417 = arith.constant 0 : i32
      %gather3A_1418 = tpu.memref_slice %arg6[%rem3A_1073, %gather3A_1415, %gather3A_1416, %gather3A_1417] : memref<2x16x16x128xf32, #tpu.memory_space<vmem>> -> memref<1x1x16x128xf32, #tpu.memory_space<vmem>>
      %gather3A_1419 = tpu.memref_squeeze %gather3A_1418 : memref<1x1x16x128xf32, #tpu.memory_space<vmem>> -> memref<16x128xf32, #tpu.memory_space<vmem>>
      %gather3A_1420 = tpu.vector_load_idx %gather3A_1419[%select_n3A_17, %broadcast_in_dim3A_1414] : memref<16x128xf32, #tpu.memory_space<vmem>>[vector<16xi32>, vector<16xi32>], vector<16xf32>,
      %add3A_1421 = arith.constant 11 : i32
      %add3A_1422 = arith.addi %mul3A_1075, %add3A_1421 : i32
      %broadcast_in_dim3A_1423 = vector.broadcast %add3A_1422 : i32 to vector<16xi32>
      tpu.vector_store_idx %arg7[%select_n3A_17, %broadcast_in_dim3A_1423], %gather3A_1420 : memref<16x512xf32, #tpu.memory_space<vmem>>[vector<16xi32>, vector<16xi32>], vector<16xf32>,
      %dma_wait3A_1424 = arith.constant 12 : i32
      %dma_wait3A_1425 = arith.constant 0 : i32
      %dma_wait3A_1426 = arith.constant 0 : i32
      %dma_wait3A_1427 = tpu.memref_slice %arg6[%rem3A_1073, %dma_wait3A_1424, %dma_wait3A_1425, %dma_wait3A_1426] : memref<2x16x16x128xf32, #tpu.memory_space<vmem>> -> memref<1x1x16x128xf32, #tpu.memory_space<vmem>>
      %dma_wait3A_1428 = tpu.memref_squeeze %dma_wait3A_1427 : memref<1x1x16x128xf32, #tpu.memory_space<vmem>> -> memref<16x128xf32, #tpu.memory_space<vmem>>
      %dma_wait3A_1429 = arith.constant 0 : i32
      %dma_wait3A_1430 = arith.constant 0 : i32
      %dma_wait3A_1431 = tpu.memref_slice %arg3[%dma_wait3A_1429, %dma_wait3A_1430] : memref<16x1000000xf32, #tpu.memory_space<hbm>> -> memref<16x128xf32, #tpu.memory_space<hbm>>
      %dma_wait3A_1432 = arith.constant 0 : i32
      %dma_wait3A_1433 = arith.constant 0 : i32
      %dma_wait3A_1434 = tpu.memref_slice %arg6[%rem3A_1073, %dma_wait3A_1424, %dma_wait3A_1432, %dma_wait3A_1433] : memref<2x16x16x128xf32, #tpu.memory_space<vmem>> -> memref<1x1x16x128xf32, #tpu.memory_space<vmem>>
      %dma_wait3A_1435 = tpu.memref_squeeze %dma_wait3A_1434 : memref<1x1x16x128xf32, #tpu.memory_space<vmem>> -> memref<16x128xf32, #tpu.memory_space<vmem>>
      %dma_wait3A_1436 = arith.constant 0 : i32
      %dma_wait3A_1437 = arith.constant 0 : i32
      %dma_wait3A_1438 = tpu.memref_slice %arg3[%dma_wait3A_1436, %dma_wait3A_1437] : memref<16x1000000xf32, #tpu.memory_space<hbm>> -> memref<16x128xf32, #tpu.memory_space<hbm>>
      tpu.wait_dma2 semaphore(%arg8 : memref<!tpu.dma_semaphore, #tpu.memory_space<semaphore_mem>>) src(%dma_wait3A_1438 : memref<16x128xf32, #tpu.memory_space<hbm>>) dst(%dma_wait3A_1435 : memref<16x128xf32, #tpu.memory_space<vmem>>)
      %slice3A_1439 = vector.extract_strided_slice %scan3A_773 {offsets = [12], sizes = [1], strides = [1]} : vector<16xi32> to vector<1xi32>
      %squeeze3A_1440 = vector.extract %slice3A_1439[0] : i32 from vector<1xi32>
      %and3A_1441 = arith.constant 127 : i32
      %and3A_1442 = arith.andi %squeeze3A_1440, %and3A_1441 : i32
      %broadcast_in_dim3A_1443 = vector.broadcast %and3A_1442 : i32 to vector<16xi32>
      %gather3A_1444 = arith.constant 12 : i32
      %gather3A_1445 = arith.constant 0 : i32
      %gather3A_1446 = arith.constant 0 : i32
      %gather3A_1447 = tpu.memref_slice %arg6[%rem3A_1073, %gather3A_1444, %gather3A_1445, %gather3A_1446] : memref<2x16x16x128xf32, #tpu.memory_space<vmem>> -> memref<1x1x16x128xf32, #tpu.memory_space<vmem>>
      %gather3A_1448 = tpu.memref_squeeze %gather3A_1447 : memref<1x1x16x128xf32, #tpu.memory_space<vmem>> -> memref<16x128xf32, #tpu.memory_space<vmem>>
      %gather3A_1449 = tpu.vector_load_idx %gather3A_1448[%select_n3A_17, %broadcast_in_dim3A_1443] : memref<16x128xf32, #tpu.memory_space<vmem>>[vector<16xi32>, vector<16xi32>], vector<16xf32>,
      %add3A_1450 = arith.constant 12 : i32
      %add3A_1451 = arith.addi %mul3A_1075, %add3A_1450 : i32
      %broadcast_in_dim3A_1452 = vector.broadcast %add3A_1451 : i32 to vector<16xi32>
      tpu.vector_store_idx %arg7[%select_n3A_17, %broadcast_in_dim3A_1452], %gather3A_1449 : memref<16x512xf32, #tpu.memory_space<vmem>>[vector<16xi32>, vector<16xi32>], vector<16xf32>,
      %dma_wait3A_1453 = arith.constant 13 : i32
      %dma_wait3A_1454 = arith.constant 0 : i32
      %dma_wait3A_1455 = arith.constant 0 : i32
      %dma_wait3A_1456 = tpu.memref_slice %arg6[%rem3A_1073, %dma_wait3A_1453, %dma_wait3A_1454, %dma_wait3A_1455] : memref<2x16x16x128xf32, #tpu.memory_space<vmem>> -> memref<1x1x16x128xf32, #tpu.memory_space<vmem>>
      %dma_wait3A_1457 = tpu.memref_squeeze %dma_wait3A_1456 : memref<1x1x16x128xf32, #tpu.memory_space<vmem>> -> memref<16x128xf32, #tpu.memory_space<vmem>>
      %dma_wait3A_1458 = arith.constant 0 : i32
      %dma_wait3A_1459 = arith.constant 0 : i32
      %dma_wait3A_1460 = tpu.memref_slice %arg3[%dma_wait3A_1458, %dma_wait3A_1459] : memref<16x1000000xf32, #tpu.memory_space<hbm>> -> memref<16x128xf32, #tpu.memory_space<hbm>>
      %dma_wait3A_1461 = arith.constant 0 : i32
      %dma_wait3A_1462 = arith.constant 0 : i32
      %dma_wait3A_1463 = tpu.memref_slice %arg6[%rem3A_1073, %dma_wait3A_1453, %dma_wait3A_1461, %dma_wait3A_1462] : memref<2x16x16x128xf32, #tpu.memory_space<vmem>> -> memref<1x1x16x128xf32, #tpu.memory_space<vmem>>
      %dma_wait3A_1464 = tpu.memref_squeeze %dma_wait3A_1463 : memref<1x1x16x128xf32, #tpu.memory_space<vmem>> -> memref<16x128xf32, #tpu.memory_space<vmem>>
      %dma_wait3A_1465 = arith.constant 0 : i32
      %dma_wait3A_1466 = arith.constant 0 : i32
      %dma_wait3A_1467 = tpu.memref_slice %arg3[%dma_wait3A_1465, %dma_wait3A_1466] : memref<16x1000000xf32, #tpu.memory_space<hbm>> -> memref<16x128xf32, #tpu.memory_space<hbm>>
      tpu.wait_dma2 semaphore(%arg8 : memref<!tpu.dma_semaphore, #tpu.memory_space<semaphore_mem>>) src(%dma_wait3A_1467 : memref<16x128xf32, #tpu.memory_space<hbm>>) dst(%dma_wait3A_1464 : memref<16x128xf32, #tpu.memory_space<vmem>>)
      %slice3A_1468 = vector.extract_strided_slice %scan3A_773 {offsets = [13], sizes = [1], strides = [1]} : vector<16xi32> to vector<1xi32>
      %squeeze3A_1469 = vector.extract %slice3A_1468[0] : i32 from vector<1xi32>
      %and3A_1470 = arith.constant 127 : i32
      %and3A_1471 = arith.andi %squeeze3A_1469, %and3A_1470 : i32
      %broadcast_in_dim3A_1472 = vector.broadcast %and3A_1471 : i32 to vector<16xi32>
      %gather3A_1473 = arith.constant 13 : i32
      %gather3A_1474 = arith.constant 0 : i32
      %gather3A_1475 = arith.constant 0 : i32
      %gather3A_1476 = tpu.memref_slice %arg6[%rem3A_1073, %gather3A_1473, %gather3A_1474, %gather3A_1475] : memref<2x16x16x128xf32, #tpu.memory_space<vmem>> -> memref<1x1x16x128xf32, #tpu.memory_space<vmem>>
      %gather3A_1477 = tpu.memref_squeeze %gather3A_1476 : memref<1x1x16x128xf32, #tpu.memory_space<vmem>> -> memref<16x128xf32, #tpu.memory_space<vmem>>
      %gather3A_1478 = tpu.vector_load_idx %gather3A_1477[%select_n3A_17, %broadcast_in_dim3A_1472] : memref<16x128xf32, #tpu.memory_space<vmem>>[vector<16xi32>, vector<16xi32>], vector<16xf32>,
      %add3A_1479 = arith.constant 13 : i32
      %add3A_1480 = arith.addi %mul3A_1075, %add3A_1479 : i32
      %broadcast_in_dim3A_1481 = vector.broadcast %add3A_1480 : i32 to vector<16xi32>
      tpu.vector_store_idx %arg7[%select_n3A_17, %broadcast_in_dim3A_1481], %gather3A_1478 : memref<16x512xf32, #tpu.memory_space<vmem>>[vector<16xi32>, vector<16xi32>], vector<16xf32>,
      %dma_wait3A_1482 = arith.constant 14 : i32
      %dma_wait3A_1483 = arith.constant 0 : i32
      %dma_wait3A_1484 = arith.constant 0 : i32
      %dma_wait3A_1485 = tpu.memref_slice %arg6[%rem3A_1073, %dma_wait3A_1482, %dma_wait3A_1483, %dma_wait3A_1484] : memref<2x16x16x128xf32, #tpu.memory_space<vmem>> -> memref<1x1x16x128xf32, #tpu.memory_space<vmem>>
      %dma_wait3A_1486 = tpu.memref_squeeze %dma_wait3A_1485 : memref<1x1x16x128xf32, #tpu.memory_space<vmem>> -> memref<16x128xf32, #tpu.memory_space<vmem>>
      %dma_wait3A_1487 = arith.constant 0 : i32
      %dma_wait3A_1488 = arith.constant 0 : i32
      %dma_wait3A_1489 = tpu.memref_slice %arg3[%dma_wait3A_1487, %dma_wait3A_1488] : memref<16x1000000xf32, #tpu.memory_space<hbm>> -> memref<16x128xf32, #tpu.memory_space<hbm>>
      %dma_wait3A_1490 = arith.constant 0 : i32
      %dma_wait3A_1491 = arith.constant 0 : i32
      %dma_wait3A_1492 = tpu.memref_slice %arg6[%rem3A_1073, %dma_wait3A_1482, %dma_wait3A_1490, %dma_wait3A_1491] : memref<2x16x16x128xf32, #tpu.memory_space<vmem>> -> memref<1x1x16x128xf32, #tpu.memory_space<vmem>>
      %dma_wait3A_1493 = tpu.memref_squeeze %dma_wait3A_1492 : memref<1x1x16x128xf32, #tpu.memory_space<vmem>> -> memref<16x128xf32, #tpu.memory_space<vmem>>
      %dma_wait3A_1494 = arith.constant 0 : i32
      %dma_wait3A_1495 = arith.constant 0 : i32
      %dma_wait3A_1496 = tpu.memref_slice %arg3[%dma_wait3A_1494, %dma_wait3A_1495] : memref<16x1000000xf32, #tpu.memory_space<hbm>> -> memref<16x128xf32, #tpu.memory_space<hbm>>
      tpu.wait_dma2 semaphore(%arg8 : memref<!tpu.dma_semaphore, #tpu.memory_space<semaphore_mem>>) src(%dma_wait3A_1496 : memref<16x128xf32, #tpu.memory_space<hbm>>) dst(%dma_wait3A_1493 : memref<16x128xf32, #tpu.memory_space<vmem>>)
      %slice3A_1497 = vector.extract_strided_slice %scan3A_773 {offsets = [14], sizes = [1], strides = [1]} : vector<16xi32> to vector<1xi32>
      %squeeze3A_1498 = vector.extract %slice3A_1497[0] : i32 from vector<1xi32>
      %and3A_1499 = arith.constant 127 : i32
      %and3A_1500 = arith.andi %squeeze3A_1498, %and3A_1499 : i32
      %broadcast_in_dim3A_1501 = vector.broadcast %and3A_1500 : i32 to vector<16xi32>
      %gather3A_1502 = arith.constant 14 : i32
      %gather3A_1503 = arith.constant 0 : i32
      %gather3A_1504 = arith.constant 0 : i32
      %gather3A_1505 = tpu.memref_slice %arg6[%rem3A_1073, %gather3A_1502, %gather3A_1503, %gather3A_1504] : memref<2x16x16x128xf32, #tpu.memory_space<vmem>> -> memref<1x1x16x128xf32, #tpu.memory_space<vmem>>
      %gather3A_1506 = tpu.memref_squeeze %gather3A_1505 : memref<1x1x16x128xf32, #tpu.memory_space<vmem>> -> memref<16x128xf32, #tpu.memory_space<vmem>>
      %gather3A_1507 = tpu.vector_load_idx %gather3A_1506[%select_n3A_17, %broadcast_in_dim3A_1501] : memref<16x128xf32, #tpu.memory_space<vmem>>[vector<16xi32>, vector<16xi32>], vector<16xf32>,
      %add3A_1508 = arith.constant 14 : i32
      %add3A_1509 = arith.addi %mul3A_1075, %add3A_1508 : i32
      %broadcast_in_dim3A_1510 = vector.broadcast %add3A_1509 : i32 to vector<16xi32>
      tpu.vector_store_idx %arg7[%select_n3A_17, %broadcast_in_dim3A_1510], %gather3A_1507 : memref<16x512xf32, #tpu.memory_space<vmem>>[vector<16xi32>, vector<16xi32>], vector<16xf32>,
      %dma_wait3A_1511 = arith.constant 15 : i32
      %dma_wait3A_1512 = arith.constant 0 : i32
      %dma_wait3A_1513 = arith.constant 0 : i32
      %dma_wait3A_1514 = tpu.memref_slice %arg6[%rem3A_1073, %dma_wait3A_1511, %dma_wait3A_1512, %dma_wait3A_1513] : memref<2x16x16x128xf32, #tpu.memory_space<vmem>> -> memref<1x1x16x128xf32, #tpu.memory_space<vmem>>
      %dma_wait3A_1515 = tpu.memref_squeeze %dma_wait3A_1514 : memref<1x1x16x128xf32, #tpu.memory_space<vmem>> -> memref<16x128xf32, #tpu.memory_space<vmem>>
      %dma_wait3A_1516 = arith.constant 0 : i32
      %dma_wait3A_1517 = arith.constant 0 : i32
      %dma_wait3A_1518 = tpu.memref_slice %arg3[%dma_wait3A_1516, %dma_wait3A_1517] : memref<16x1000000xf32, #tpu.memory_space<hbm>> -> memref<16x128xf32, #tpu.memory_space<hbm>>
      %dma_wait3A_1519 = arith.constant 0 : i32
      %dma_wait3A_1520 = arith.constant 0 : i32
      %dma_wait3A_1521 = tpu.memref_slice %arg6[%rem3A_1073, %dma_wait3A_1511, %dma_wait3A_1519, %dma_wait3A_1520] : memref<2x16x16x128xf32, #tpu.memory_space<vmem>> -> memref<1x1x16x128xf32, #tpu.memory_space<vmem>>
      %dma_wait3A_1522 = tpu.memref_squeeze %dma_wait3A_1521 : memref<1x1x16x128xf32, #tpu.memory_space<vmem>> -> memref<16x128xf32, #tpu.memory_space<vmem>>
      %dma_wait3A_1523 = arith.constant 0 : i32
      %dma_wait3A_1524 = arith.constant 0 : i32
      %dma_wait3A_1525 = tpu.memref_slice %arg3[%dma_wait3A_1523, %dma_wait3A_1524] : memref<16x1000000xf32, #tpu.memory_space<hbm>> -> memref<16x128xf32, #tpu.memory_space<hbm>>
      tpu.wait_dma2 semaphore(%arg8 : memref<!tpu.dma_semaphore, #tpu.memory_space<semaphore_mem>>) src(%dma_wait3A_1525 : memref<16x128xf32, #tpu.memory_space<hbm>>) dst(%dma_wait3A_1522 : memref<16x128xf32, #tpu.memory_space<vmem>>)
      %slice3A_1526 = vector.extract_strided_slice %scan3A_773 {offsets = [15], sizes = [1], strides = [1]} : vector<16xi32> to vector<1xi32>
      %squeeze3A_1527 = vector.extract %slice3A_1526[0] : i32 from vector<1xi32>
      %and3A_1528 = arith.constant 127 : i32
      %and3A_1529 = arith.andi %squeeze3A_1527, %and3A_1528 : i32
      %broadcast_in_dim3A_1530 = vector.broadcast %and3A_1529 : i32 to vector<16xi32>
      %gather3A_1531 = arith.constant 15 : i32
      %gather3A_1532 = arith.constant 0 : i32
      %gather3A_1533 = arith.constant 0 : i32
      %gather3A_1534 = tpu.memref_slice %arg6[%rem3A_1073, %gather3A_1531, %gather3A_1532, %gather3A_1533] : memref<2x16x16x128xf32, #tpu.memory_space<vmem>> -> memref<1x1x16x128xf32, #tpu.memory_space<vmem>>
      %gather3A_1535 = tpu.memref_squeeze %gather3A_1534 : memref<1x1x16x128xf32, #tpu.memory_space<vmem>> -> memref<16x128xf32, #tpu.memory_space<vmem>>
      %gather3A_1536 = tpu.vector_load_idx %gather3A_1535[%select_n3A_17, %broadcast_in_dim3A_1530] : memref<16x128xf32, #tpu.memory_space<vmem>>[vector<16xi32>, vector<16xi32>], vector<16xf32>,
      %add3A_1537 = arith.constant 15 : i32
      %add3A_1538 = arith.addi %mul3A_1075, %add3A_1537 : i32
      %broadcast_in_dim3A_1539 = vector.broadcast %add3A_1538 : i32 to vector<16xi32>
      tpu.vector_store_idx %arg7[%select_n3A_17, %broadcast_in_dim3A_1539], %gather3A_1536 : memref<16x512xf32, #tpu.memory_space<vmem>>[vector<16xi32>, vector<16xi32>], vector<16xf32>,
      scf.yield %get3A_779 : vector<16xi32>
    }
    %scan3A_323 = arith.constant 31 : i32
    %rem3A_324 = arith.constant 31 : i32
    %rem3A_325 = arith.constant 2 : i32
    %rem3A_326 = arith.remsi %rem3A_324, %rem3A_325 : i32
    %dma_wait3A = arith.constant 0 : i32
    %dma_wait3A_327 = arith.constant 0 : i32
    %dma_wait3A_328 = arith.constant 0 : i32
    %dma_wait3A_329 = tpu.memref_slice %arg6[%rem3A_326, %dma_wait3A, %dma_wait3A_327, %dma_wait3A_328] : memref<2x16x16x128xf32, #tpu.memory_space<vmem>> -> memref<1x1x16x128xf32, #tpu.memory_space<vmem>>
    %dma_wait3A_330 = tpu.memref_squeeze %dma_wait3A_329 : memref<1x1x16x128xf32, #tpu.memory_space<vmem>> -> memref<16x128xf32, #tpu.memory_space<vmem>>
    %dma_wait3A_331 = arith.constant 0 : i32
    %dma_wait3A_332 = arith.constant 0 : i32
    %dma_wait3A_333 = tpu.memref_slice %arg3[%dma_wait3A_331, %dma_wait3A_332] : memref<16x1000000xf32, #tpu.memory_space<hbm>> -> memref<16x128xf32, #tpu.memory_space<hbm>>
    %dma_wait3A_334 = arith.constant 0 : i32
    %dma_wait3A_335 = arith.constant 0 : i32
    %dma_wait3A_336 = tpu.memref_slice %arg6[%rem3A_326, %dma_wait3A, %dma_wait3A_334, %dma_wait3A_335] : memref<2x16x16x128xf32, #tpu.memory_space<vmem>> -> memref<1x1x16x128xf32, #tpu.memory_space<vmem>>
    %dma_wait3A_337 = tpu.memref_squeeze %dma_wait3A_336 : memref<1x1x16x128xf32, #tpu.memory_space<vmem>> -> memref<16x128xf32, #tpu.memory_space<vmem>>
    %dma_wait3A_338 = arith.constant 0 : i32
    %dma_wait3A_339 = arith.constant 0 : i32
    %dma_wait3A_340 = tpu.memref_slice %arg3[%dma_wait3A_338, %dma_wait3A_339] : memref<16x1000000xf32, #tpu.memory_space<hbm>> -> memref<16x128xf32, #tpu.memory_space<hbm>>
    tpu.wait_dma2 semaphore(%arg8 : memref<!tpu.dma_semaphore, #tpu.memory_space<semaphore_mem>>) src(%dma_wait3A_340 : memref<16x128xf32, #tpu.memory_space<hbm>>) dst(%dma_wait3A_337 : memref<16x128xf32, #tpu.memory_space<vmem>>)
    %slice3A_341 = vector.extract_strided_slice %scan3A_322 {offsets = [0], sizes = [1], strides = [1]} : vector<16xi32> to vector<1xi32>
    %squeeze3A_342 = vector.extract %slice3A_341[0] : i32 from vector<1xi32>
    %and3A_343 = arith.constant 127 : i32
    %and3A_344 = arith.andi %squeeze3A_342, %and3A_343 : i32
    %broadcast_in_dim3A = vector.broadcast %and3A_344 : i32 to vector<16xi32>
    %gather3A = arith.constant 0 : i32
    %gather3A_345 = arith.constant 0 : i32
    %gather3A_346 = arith.constant 0 : i32
    %gather3A_347 = tpu.memref_slice %arg6[%rem3A_326, %gather3A, %gather3A_345, %gather3A_346] : memref<2x16x16x128xf32, #tpu.memory_space<vmem>> -> memref<1x1x16x128xf32, #tpu.memory_space<vmem>>
    %gather3A_348 = tpu.memref_squeeze %gather3A_347 : memref<1x1x16x128xf32, #tpu.memory_space<vmem>> -> memref<16x128xf32, #tpu.memory_space<vmem>>
    %gather3A_349 = tpu.vector_load_idx %gather3A_348[%select_n3A_17, %broadcast_in_dim3A] : memref<16x128xf32, #tpu.memory_space<vmem>>[vector<16xi32>, vector<16xi32>], vector<16xf32>,
    %broadcast_in_dim3A_350 = arith.constant 496 : i32
    %broadcast_in_dim3A_351 = vector.broadcast %broadcast_in_dim3A_350 : i32 to vector<16xi32>
    tpu.vector_store_idx %arg7[%select_n3A_17, %broadcast_in_dim3A_351], %gather3A_349 : memref<16x512xf32, #tpu.memory_space<vmem>>[vector<16xi32>, vector<16xi32>], vector<16xf32>,
    %dma_wait3A_352 = arith.constant 1 : i32
    %dma_wait3A_353 = arith.constant 0 : i32
    %dma_wait3A_354 = arith.constant 0 : i32
    %dma_wait3A_355 = tpu.memref_slice %arg6[%rem3A_326, %dma_wait3A_352, %dma_wait3A_353, %dma_wait3A_354] : memref<2x16x16x128xf32, #tpu.memory_space<vmem>> -> memref<1x1x16x128xf32, #tpu.memory_space<vmem>>
    %dma_wait3A_356 = tpu.memref_squeeze %dma_wait3A_355 : memref<1x1x16x128xf32, #tpu.memory_space<vmem>> -> memref<16x128xf32, #tpu.memory_space<vmem>>
    %dma_wait3A_357 = arith.constant 0 : i32
    %dma_wait3A_358 = arith.constant 0 : i32
    %dma_wait3A_359 = tpu.memref_slice %arg3[%dma_wait3A_357, %dma_wait3A_358] : memref<16x1000000xf32, #tpu.memory_space<hbm>> -> memref<16x128xf32, #tpu.memory_space<hbm>>
    %dma_wait3A_360 = arith.constant 0 : i32
    %dma_wait3A_361 = arith.constant 0 : i32
    %dma_wait3A_362 = tpu.memref_slice %arg6[%rem3A_326, %dma_wait3A_352, %dma_wait3A_360, %dma_wait3A_361] : memref<2x16x16x128xf32, #tpu.memory_space<vmem>> -> memref<1x1x16x128xf32, #tpu.memory_space<vmem>>
    %dma_wait3A_363 = tpu.memref_squeeze %dma_wait3A_362 : memref<1x1x16x128xf32, #tpu.memory_space<vmem>> -> memref<16x128xf32, #tpu.memory_space<vmem>>
    %dma_wait3A_364 = arith.constant 0 : i32
    %dma_wait3A_365 = arith.constant 0 : i32
    %dma_wait3A_366 = tpu.memref_slice %arg3[%dma_wait3A_364, %dma_wait3A_365] : memref<16x1000000xf32, #tpu.memory_space<hbm>> -> memref<16x128xf32, #tpu.memory_space<hbm>>
    tpu.wait_dma2 semaphore(%arg8 : memref<!tpu.dma_semaphore, #tpu.memory_space<semaphore_mem>>) src(%dma_wait3A_366 : memref<16x128xf32, #tpu.memory_space<hbm>>) dst(%dma_wait3A_363 : memref<16x128xf32, #tpu.memory_space<vmem>>)
    %slice3A_367 = vector.extract_strided_slice %scan3A_322 {offsets = [1], sizes = [1], strides = [1]} : vector<16xi32> to vector<1xi32>
    %squeeze3A_368 = vector.extract %slice3A_367[0] : i32 from vector<1xi32>
    %and3A_369 = arith.constant 127 : i32
    %and3A_370 = arith.andi %squeeze3A_368, %and3A_369 : i32
    %broadcast_in_dim3A_371 = vector.broadcast %and3A_370 : i32 to vector<16xi32>
    %gather3A_372 = arith.constant 1 : i32
    %gather3A_373 = arith.constant 0 : i32
    %gather3A_374 = arith.constant 0 : i32
    %gather3A_375 = tpu.memref_slice %arg6[%rem3A_326, %gather3A_372, %gather3A_373, %gather3A_374] : memref<2x16x16x128xf32, #tpu.memory_space<vmem>> -> memref<1x1x16x128xf32, #tpu.memory_space<vmem>>
    %gather3A_376 = tpu.memref_squeeze %gather3A_375 : memref<1x1x16x128xf32, #tpu.memory_space<vmem>> -> memref<16x128xf32, #tpu.memory_space<vmem>>
    %gather3A_377 = tpu.vector_load_idx %gather3A_376[%select_n3A_17, %broadcast_in_dim3A_371] : memref<16x128xf32, #tpu.memory_space<vmem>>[vector<16xi32>, vector<16xi32>], vector<16xf32>,
    %broadcast_in_dim3A_378 = arith.constant 497 : i32
    %broadcast_in_dim3A_379 = vector.broadcast %broadcast_in_dim3A_378 : i32 to vector<16xi32>
    tpu.vector_store_idx %arg7[%select_n3A_17, %broadcast_in_dim3A_379], %gather3A_377 : memref<16x512xf32, #tpu.memory_space<vmem>>[vector<16xi32>, vector<16xi32>], vector<16xf32>,
    %dma_wait3A_380 = arith.constant 2 : i32
    %dma_wait3A_381 = arith.constant 0 : i32
    %dma_wait3A_382 = arith.constant 0 : i32
    %dma_wait3A_383 = tpu.memref_slice %arg6[%rem3A_326, %dma_wait3A_380, %dma_wait3A_381, %dma_wait3A_382] : memref<2x16x16x128xf32, #tpu.memory_space<vmem>> -> memref<1x1x16x128xf32, #tpu.memory_space<vmem>>
    %dma_wait3A_384 = tpu.memref_squeeze %dma_wait3A_383 : memref<1x1x16x128xf32, #tpu.memory_space<vmem>> -> memref<16x128xf32, #tpu.memory_space<vmem>>
    %dma_wait3A_385 = arith.constant 0 : i32
    %dma_wait3A_386 = arith.constant 0 : i32
    %dma_wait3A_387 = tpu.memref_slice %arg3[%dma_wait3A_385, %dma_wait3A_386] : memref<16x1000000xf32, #tpu.memory_space<hbm>> -> memref<16x128xf32, #tpu.memory_space<hbm>>
    %dma_wait3A_388 = arith.constant 0 : i32
    %dma_wait3A_389 = arith.constant 0 : i32
    %dma_wait3A_390 = tpu.memref_slice %arg6[%rem3A_326, %dma_wait3A_380, %dma_wait3A_388, %dma_wait3A_389] : memref<2x16x16x128xf32, #tpu.memory_space<vmem>> -> memref<1x1x16x128xf32, #tpu.memory_space<vmem>>
    %dma_wait3A_391 = tpu.memref_squeeze %dma_wait3A_390 : memref<1x1x16x128xf32, #tpu.memory_space<vmem>> -> memref<16x128xf32, #tpu.memory_space<vmem>>
    %dma_wait3A_392 = arith.constant 0 : i32
    %dma_wait3A_393 = arith.constant 0 : i32
    %dma_wait3A_394 = tpu.memref_slice %arg3[%dma_wait3A_392, %dma_wait3A_393] : memref<16x1000000xf32, #tpu.memory_space<hbm>> -> memref<16x128xf32, #tpu.memory_space<hbm>>
    tpu.wait_dma2 semaphore(%arg8 : memref<!tpu.dma_semaphore, #tpu.memory_space<semaphore_mem>>) src(%dma_wait3A_394 : memref<16x128xf32, #tpu.memory_space<hbm>>) dst(%dma_wait3A_391 : memref<16x128xf32, #tpu.memory_space<vmem>>)
    %slice3A_395 = vector.extract_strided_slice %scan3A_322 {offsets = [2], sizes = [1], strides = [1]} : vector<16xi32> to vector<1xi32>
    %squeeze3A_396 = vector.extract %slice3A_395[0] : i32 from vector<1xi32>
    %and3A_397 = arith.constant 127 : i32
    %and3A_398 = arith.andi %squeeze3A_396, %and3A_397 : i32
    %broadcast_in_dim3A_399 = vector.broadcast %and3A_398 : i32 to vector<16xi32>
    %gather3A_400 = arith.constant 2 : i32
    %gather3A_401 = arith.constant 0 : i32
    %gather3A_402 = arith.constant 0 : i32
    %gather3A_403 = tpu.memref_slice %arg6[%rem3A_326, %gather3A_400, %gather3A_401, %gather3A_402] : memref<2x16x16x128xf32, #tpu.memory_space<vmem>> -> memref<1x1x16x128xf32, #tpu.memory_space<vmem>>
    %gather3A_404 = tpu.memref_squeeze %gather3A_403 : memref<1x1x16x128xf32, #tpu.memory_space<vmem>> -> memref<16x128xf32, #tpu.memory_space<vmem>>
    %gather3A_405 = tpu.vector_load_idx %gather3A_404[%select_n3A_17, %broadcast_in_dim3A_399] : memref<16x128xf32, #tpu.memory_space<vmem>>[vector<16xi32>, vector<16xi32>], vector<16xf32>,
    %broadcast_in_dim3A_406 = arith.constant 498 : i32
    %broadcast_in_dim3A_407 = vector.broadcast %broadcast_in_dim3A_406 : i32 to vector<16xi32>
    tpu.vector_store_idx %arg7[%select_n3A_17, %broadcast_in_dim3A_407], %gather3A_405 : memref<16x512xf32, #tpu.memory_space<vmem>>[vector<16xi32>, vector<16xi32>], vector<16xf32>,
    %dma_wait3A_408 = arith.constant 3 : i32
    %dma_wait3A_409 = arith.constant 0 : i32
    %dma_wait3A_410 = arith.constant 0 : i32
    %dma_wait3A_411 = tpu.memref_slice %arg6[%rem3A_326, %dma_wait3A_408, %dma_wait3A_409, %dma_wait3A_410] : memref<2x16x16x128xf32, #tpu.memory_space<vmem>> -> memref<1x1x16x128xf32, #tpu.memory_space<vmem>>
    %dma_wait3A_412 = tpu.memref_squeeze %dma_wait3A_411 : memref<1x1x16x128xf32, #tpu.memory_space<vmem>> -> memref<16x128xf32, #tpu.memory_space<vmem>>
    %dma_wait3A_413 = arith.constant 0 : i32
    %dma_wait3A_414 = arith.constant 0 : i32
    %dma_wait3A_415 = tpu.memref_slice %arg3[%dma_wait3A_413, %dma_wait3A_414] : memref<16x1000000xf32, #tpu.memory_space<hbm>> -> memref<16x128xf32, #tpu.memory_space<hbm>>
    %dma_wait3A_416 = arith.constant 0 : i32
    %dma_wait3A_417 = arith.constant 0 : i32
    %dma_wait3A_418 = tpu.memref_slice %arg6[%rem3A_326, %dma_wait3A_408, %dma_wait3A_416, %dma_wait3A_417] : memref<2x16x16x128xf32, #tpu.memory_space<vmem>> -> memref<1x1x16x128xf32, #tpu.memory_space<vmem>>
    %dma_wait3A_419 = tpu.memref_squeeze %dma_wait3A_418 : memref<1x1x16x128xf32, #tpu.memory_space<vmem>> -> memref<16x128xf32, #tpu.memory_space<vmem>>
    %dma_wait3A_420 = arith.constant 0 : i32
    %dma_wait3A_421 = arith.constant 0 : i32
    %dma_wait3A_422 = tpu.memref_slice %arg3[%dma_wait3A_420, %dma_wait3A_421] : memref<16x1000000xf32, #tpu.memory_space<hbm>> -> memref<16x128xf32, #tpu.memory_space<hbm>>
    tpu.wait_dma2 semaphore(%arg8 : memref<!tpu.dma_semaphore, #tpu.memory_space<semaphore_mem>>) src(%dma_wait3A_422 : memref<16x128xf32, #tpu.memory_space<hbm>>) dst(%dma_wait3A_419 : memref<16x128xf32, #tpu.memory_space<vmem>>)
    %slice3A_423 = vector.extract_strided_slice %scan3A_322 {offsets = [3], sizes = [1], strides = [1]} : vector<16xi32> to vector<1xi32>
    %squeeze3A_424 = vector.extract %slice3A_423[0] : i32 from vector<1xi32>
    %and3A_425 = arith.constant 127 : i32
    %and3A_426 = arith.andi %squeeze3A_424, %and3A_425 : i32
    %broadcast_in_dim3A_427 = vector.broadcast %and3A_426 : i32 to vector<16xi32>
    %gather3A_428 = arith.constant 3 : i32
    %gather3A_429 = arith.constant 0 : i32
    %gather3A_430 = arith.constant 0 : i32
    %gather3A_431 = tpu.memref_slice %arg6[%rem3A_326, %gather3A_428, %gather3A_429, %gather3A_430] : memref<2x16x16x128xf32, #tpu.memory_space<vmem>> -> memref<1x1x16x128xf32, #tpu.memory_space<vmem>>
    %gather3A_432 = tpu.memref_squeeze %gather3A_431 : memref<1x1x16x128xf32, #tpu.memory_space<vmem>> -> memref<16x128xf32, #tpu.memory_space<vmem>>
    %gather3A_433 = tpu.vector_load_idx %gather3A_432[%select_n3A_17, %broadcast_in_dim3A_427] : memref<16x128xf32, #tpu.memory_space<vmem>>[vector<16xi32>, vector<16xi32>], vector<16xf32>,
    %broadcast_in_dim3A_434 = arith.constant 499 : i32
    %broadcast_in_dim3A_435 = vector.broadcast %broadcast_in_dim3A_434 : i32 to vector<16xi32>
    tpu.vector_store_idx %arg7[%select_n3A_17, %broadcast_in_dim3A_435], %gather3A_433 : memref<16x512xf32, #tpu.memory_space<vmem>>[vector<16xi32>, vector<16xi32>], vector<16xf32>,
    %dma_wait3A_436 = arith.constant 4 : i32
    %dma_wait3A_437 = arith.constant 0 : i32
    %dma_wait3A_438 = arith.constant 0 : i32
    %dma_wait3A_439 = tpu.memref_slice %arg6[%rem3A_326, %dma_wait3A_436, %dma_wait3A_437, %dma_wait3A_438] : memref<2x16x16x128xf32, #tpu.memory_space<vmem>> -> memref<1x1x16x128xf32, #tpu.memory_space<vmem>>
    %dma_wait3A_440 = tpu.memref_squeeze %dma_wait3A_439 : memref<1x1x16x128xf32, #tpu.memory_space<vmem>> -> memref<16x128xf32, #tpu.memory_space<vmem>>
    %dma_wait3A_441 = arith.constant 0 : i32
    %dma_wait3A_442 = arith.constant 0 : i32
    %dma_wait3A_443 = tpu.memref_slice %arg3[%dma_wait3A_441, %dma_wait3A_442] : memref<16x1000000xf32, #tpu.memory_space<hbm>> -> memref<16x128xf32, #tpu.memory_space<hbm>>
    %dma_wait3A_444 = arith.constant 0 : i32
    %dma_wait3A_445 = arith.constant 0 : i32
    %dma_wait3A_446 = tpu.memref_slice %arg6[%rem3A_326, %dma_wait3A_436, %dma_wait3A_444, %dma_wait3A_445] : memref<2x16x16x128xf32, #tpu.memory_space<vmem>> -> memref<1x1x16x128xf32, #tpu.memory_space<vmem>>
    %dma_wait3A_447 = tpu.memref_squeeze %dma_wait3A_446 : memref<1x1x16x128xf32, #tpu.memory_space<vmem>> -> memref<16x128xf32, #tpu.memory_space<vmem>>
    %dma_wait3A_448 = arith.constant 0 : i32
    %dma_wait3A_449 = arith.constant 0 : i32
    %dma_wait3A_450 = tpu.memref_slice %arg3[%dma_wait3A_448, %dma_wait3A_449] : memref<16x1000000xf32, #tpu.memory_space<hbm>> -> memref<16x128xf32, #tpu.memory_space<hbm>>
    tpu.wait_dma2 semaphore(%arg8 : memref<!tpu.dma_semaphore, #tpu.memory_space<semaphore_mem>>) src(%dma_wait3A_450 : memref<16x128xf32, #tpu.memory_space<hbm>>) dst(%dma_wait3A_447 : memref<16x128xf32, #tpu.memory_space<vmem>>)
    %slice3A_451 = vector.extract_strided_slice %scan3A_322 {offsets = [4], sizes = [1], strides = [1]} : vector<16xi32> to vector<1xi32>
    %squeeze3A_452 = vector.extract %slice3A_451[0] : i32 from vector<1xi32>
    %and3A_453 = arith.constant 127 : i32
    %and3A_454 = arith.andi %squeeze3A_452, %and3A_453 : i32
    %broadcast_in_dim3A_455 = vector.broadcast %and3A_454 : i32 to vector<16xi32>
    %gather3A_456 = arith.constant 4 : i32
    %gather3A_457 = arith.constant 0 : i32
    %gather3A_458 = arith.constant 0 : i32
    %gather3A_459 = tpu.memref_slice %arg6[%rem3A_326, %gather3A_456, %gather3A_457, %gather3A_458] : memref<2x16x16x128xf32, #tpu.memory_space<vmem>> -> memref<1x1x16x128xf32, #tpu.memory_space<vmem>>
    %gather3A_460 = tpu.memref_squeeze %gather3A_459 : memref<1x1x16x128xf32, #tpu.memory_space<vmem>> -> memref<16x128xf32, #tpu.memory_space<vmem>>
    %gather3A_461 = tpu.vector_load_idx %gather3A_460[%select_n3A_17, %broadcast_in_dim3A_455] : memref<16x128xf32, #tpu.memory_space<vmem>>[vector<16xi32>, vector<16xi32>], vector<16xf32>,
    %broadcast_in_dim3A_462 = arith.constant 500 : i32
    %broadcast_in_dim3A_463 = vector.broadcast %broadcast_in_dim3A_462 : i32 to vector<16xi32>
    tpu.vector_store_idx %arg7[%select_n3A_17, %broadcast_in_dim3A_463], %gather3A_461 : memref<16x512xf32, #tpu.memory_space<vmem>>[vector<16xi32>, vector<16xi32>], vector<16xf32>,
    %dma_wait3A_464 = arith.constant 5 : i32
    %dma_wait3A_465 = arith.constant 0 : i32
    %dma_wait3A_466 = arith.constant 0 : i32
    %dma_wait3A_467 = tpu.memref_slice %arg6[%rem3A_326, %dma_wait3A_464, %dma_wait3A_465, %dma_wait3A_466] : memref<2x16x16x128xf32, #tpu.memory_space<vmem>> -> memref<1x1x16x128xf32, #tpu.memory_space<vmem>>
    %dma_wait3A_468 = tpu.memref_squeeze %dma_wait3A_467 : memref<1x1x16x128xf32, #tpu.memory_space<vmem>> -> memref<16x128xf32, #tpu.memory_space<vmem>>
    %dma_wait3A_469 = arith.constant 0 : i32
    %dma_wait3A_470 = arith.constant 0 : i32
    %dma_wait3A_471 = tpu.memref_slice %arg3[%dma_wait3A_469, %dma_wait3A_470] : memref<16x1000000xf32, #tpu.memory_space<hbm>> -> memref<16x128xf32, #tpu.memory_space<hbm>>
    %dma_wait3A_472 = arith.constant 0 : i32
    %dma_wait3A_473 = arith.constant 0 : i32
    %dma_wait3A_474 = tpu.memref_slice %arg6[%rem3A_326, %dma_wait3A_464, %dma_wait3A_472, %dma_wait3A_473] : memref<2x16x16x128xf32, #tpu.memory_space<vmem>> -> memref<1x1x16x128xf32, #tpu.memory_space<vmem>>
    %dma_wait3A_475 = tpu.memref_squeeze %dma_wait3A_474 : memref<1x1x16x128xf32, #tpu.memory_space<vmem>> -> memref<16x128xf32, #tpu.memory_space<vmem>>
    %dma_wait3A_476 = arith.constant 0 : i32
    %dma_wait3A_477 = arith.constant 0 : i32
    %dma_wait3A_478 = tpu.memref_slice %arg3[%dma_wait3A_476, %dma_wait3A_477] : memref<16x1000000xf32, #tpu.memory_space<hbm>> -> memref<16x128xf32, #tpu.memory_space<hbm>>
    tpu.wait_dma2 semaphore(%arg8 : memref<!tpu.dma_semaphore, #tpu.memory_space<semaphore_mem>>) src(%dma_wait3A_478 : memref<16x128xf32, #tpu.memory_space<hbm>>) dst(%dma_wait3A_475 : memref<16x128xf32, #tpu.memory_space<vmem>>)
    %slice3A_479 = vector.extract_strided_slice %scan3A_322 {offsets = [5], sizes = [1], strides = [1]} : vector<16xi32> to vector<1xi32>
    %squeeze3A_480 = vector.extract %slice3A_479[0] : i32 from vector<1xi32>
    %and3A_481 = arith.constant 127 : i32
    %and3A_482 = arith.andi %squeeze3A_480, %and3A_481 : i32
    %broadcast_in_dim3A_483 = vector.broadcast %and3A_482 : i32 to vector<16xi32>
    %gather3A_484 = arith.constant 5 : i32
    %gather3A_485 = arith.constant 0 : i32
    %gather3A_486 = arith.constant 0 : i32
    %gather3A_487 = tpu.memref_slice %arg6[%rem3A_326, %gather3A_484, %gather3A_485, %gather3A_486] : memref<2x16x16x128xf32, #tpu.memory_space<vmem>> -> memref<1x1x16x128xf32, #tpu.memory_space<vmem>>
    %gather3A_488 = tpu.memref_squeeze %gather3A_487 : memref<1x1x16x128xf32, #tpu.memory_space<vmem>> -> memref<16x128xf32, #tpu.memory_space<vmem>>
    %gather3A_489 = tpu.vector_load_idx %gather3A_488[%select_n3A_17, %broadcast_in_dim3A_483] : memref<16x128xf32, #tpu.memory_space<vmem>>[vector<16xi32>, vector<16xi32>], vector<16xf32>,
    %broadcast_in_dim3A_490 = arith.constant 501 : i32
    %broadcast_in_dim3A_491 = vector.broadcast %broadcast_in_dim3A_490 : i32 to vector<16xi32>
    tpu.vector_store_idx %arg7[%select_n3A_17, %broadcast_in_dim3A_491], %gather3A_489 : memref<16x512xf32, #tpu.memory_space<vmem>>[vector<16xi32>, vector<16xi32>], vector<16xf32>,
    %dma_wait3A_492 = arith.constant 6 : i32
    %dma_wait3A_493 = arith.constant 0 : i32
    %dma_wait3A_494 = arith.constant 0 : i32
    %dma_wait3A_495 = tpu.memref_slice %arg6[%rem3A_326, %dma_wait3A_492, %dma_wait3A_493, %dma_wait3A_494] : memref<2x16x16x128xf32, #tpu.memory_space<vmem>> -> memref<1x1x16x128xf32, #tpu.memory_space<vmem>>
    %dma_wait3A_496 = tpu.memref_squeeze %dma_wait3A_495 : memref<1x1x16x128xf32, #tpu.memory_space<vmem>> -> memref<16x128xf32, #tpu.memory_space<vmem>>
    %dma_wait3A_497 = arith.constant 0 : i32
    %dma_wait3A_498 = arith.constant 0 : i32
    %dma_wait3A_499 = tpu.memref_slice %arg3[%dma_wait3A_497, %dma_wait3A_498] : memref<16x1000000xf32, #tpu.memory_space<hbm>> -> memref<16x128xf32, #tpu.memory_space<hbm>>
    %dma_wait3A_500 = arith.constant 0 : i32
    %dma_wait3A_501 = arith.constant 0 : i32
    %dma_wait3A_502 = tpu.memref_slice %arg6[%rem3A_326, %dma_wait3A_492, %dma_wait3A_500, %dma_wait3A_501] : memref<2x16x16x128xf32, #tpu.memory_space<vmem>> -> memref<1x1x16x128xf32, #tpu.memory_space<vmem>>
    %dma_wait3A_503 = tpu.memref_squeeze %dma_wait3A_502 : memref<1x1x16x128xf32, #tpu.memory_space<vmem>> -> memref<16x128xf32, #tpu.memory_space<vmem>>
    %dma_wait3A_504 = arith.constant 0 : i32
    %dma_wait3A_505 = arith.constant 0 : i32
    %dma_wait3A_506 = tpu.memref_slice %arg3[%dma_wait3A_504, %dma_wait3A_505] : memref<16x1000000xf32, #tpu.memory_space<hbm>> -> memref<16x128xf32, #tpu.memory_space<hbm>>
    tpu.wait_dma2 semaphore(%arg8 : memref<!tpu.dma_semaphore, #tpu.memory_space<semaphore_mem>>) src(%dma_wait3A_506 : memref<16x128xf32, #tpu.memory_space<hbm>>) dst(%dma_wait3A_503 : memref<16x128xf32, #tpu.memory_space<vmem>>)
    %slice3A_507 = vector.extract_strided_slice %scan3A_322 {offsets = [6], sizes = [1], strides = [1]} : vector<16xi32> to vector<1xi32>
    %squeeze3A_508 = vector.extract %slice3A_507[0] : i32 from vector<1xi32>
    %and3A_509 = arith.constant 127 : i32
    %and3A_510 = arith.andi %squeeze3A_508, %and3A_509 : i32
    %broadcast_in_dim3A_511 = vector.broadcast %and3A_510 : i32 to vector<16xi32>
    %gather3A_512 = arith.constant 6 : i32
    %gather3A_513 = arith.constant 0 : i32
    %gather3A_514 = arith.constant 0 : i32
    %gather3A_515 = tpu.memref_slice %arg6[%rem3A_326, %gather3A_512, %gather3A_513, %gather3A_514] : memref<2x16x16x128xf32, #tpu.memory_space<vmem>> -> memref<1x1x16x128xf32, #tpu.memory_space<vmem>>
    %gather3A_516 = tpu.memref_squeeze %gather3A_515 : memref<1x1x16x128xf32, #tpu.memory_space<vmem>> -> memref<16x128xf32, #tpu.memory_space<vmem>>
    %gather3A_517 = tpu.vector_load_idx %gather3A_516[%select_n3A_17, %broadcast_in_dim3A_511] : memref<16x128xf32, #tpu.memory_space<vmem>>[vector<16xi32>, vector<16xi32>], vector<16xf32>,
    %broadcast_in_dim3A_518 = arith.constant 502 : i32
    %broadcast_in_dim3A_519 = vector.broadcast %broadcast_in_dim3A_518 : i32 to vector<16xi32>
    tpu.vector_store_idx %arg7[%select_n3A_17, %broadcast_in_dim3A_519], %gather3A_517 : memref<16x512xf32, #tpu.memory_space<vmem>>[vector<16xi32>, vector<16xi32>], vector<16xf32>,
    %dma_wait3A_520 = arith.constant 7 : i32
    %dma_wait3A_521 = arith.constant 0 : i32
    %dma_wait3A_522 = arith.constant 0 : i32
    %dma_wait3A_523 = tpu.memref_slice %arg6[%rem3A_326, %dma_wait3A_520, %dma_wait3A_521, %dma_wait3A_522] : memref<2x16x16x128xf32, #tpu.memory_space<vmem>> -> memref<1x1x16x128xf32, #tpu.memory_space<vmem>>
    %dma_wait3A_524 = tpu.memref_squeeze %dma_wait3A_523 : memref<1x1x16x128xf32, #tpu.memory_space<vmem>> -> memref<16x128xf32, #tpu.memory_space<vmem>>
    %dma_wait3A_525 = arith.constant 0 : i32
    %dma_wait3A_526 = arith.constant 0 : i32
    %dma_wait3A_527 = tpu.memref_slice %arg3[%dma_wait3A_525, %dma_wait3A_526] : memref<16x1000000xf32, #tpu.memory_space<hbm>> -> memref<16x128xf32, #tpu.memory_space<hbm>>
    %dma_wait3A_528 = arith.constant 0 : i32
    %dma_wait3A_529 = arith.constant 0 : i32
    %dma_wait3A_530 = tpu.memref_slice %arg6[%rem3A_326, %dma_wait3A_520, %dma_wait3A_528, %dma_wait3A_529] : memref<2x16x16x128xf32, #tpu.memory_space<vmem>> -> memref<1x1x16x128xf32, #tpu.memory_space<vmem>>
    %dma_wait3A_531 = tpu.memref_squeeze %dma_wait3A_530 : memref<1x1x16x128xf32, #tpu.memory_space<vmem>> -> memref<16x128xf32, #tpu.memory_space<vmem>>
    %dma_wait3A_532 = arith.constant 0 : i32
    %dma_wait3A_533 = arith.constant 0 : i32
    %dma_wait3A_534 = tpu.memref_slice %arg3[%dma_wait3A_532, %dma_wait3A_533] : memref<16x1000000xf32, #tpu.memory_space<hbm>> -> memref<16x128xf32, #tpu.memory_space<hbm>>
    tpu.wait_dma2 semaphore(%arg8 : memref<!tpu.dma_semaphore, #tpu.memory_space<semaphore_mem>>) src(%dma_wait3A_534 : memref<16x128xf32, #tpu.memory_space<hbm>>) dst(%dma_wait3A_531 : memref<16x128xf32, #tpu.memory_space<vmem>>)
    %slice3A_535 = vector.extract_strided_slice %scan3A_322 {offsets = [7], sizes = [1], strides = [1]} : vector<16xi32> to vector<1xi32>
    %squeeze3A_536 = vector.extract %slice3A_535[0] : i32 from vector<1xi32>
    %and3A_537 = arith.constant 127 : i32
    %and3A_538 = arith.andi %squeeze3A_536, %and3A_537 : i32
    %broadcast_in_dim3A_539 = vector.broadcast %and3A_538 : i32 to vector<16xi32>
    %gather3A_540 = arith.constant 7 : i32
    %gather3A_541 = arith.constant 0 : i32
    %gather3A_542 = arith.constant 0 : i32
    %gather3A_543 = tpu.memref_slice %arg6[%rem3A_326, %gather3A_540, %gather3A_541, %gather3A_542] : memref<2x16x16x128xf32, #tpu.memory_space<vmem>> -> memref<1x1x16x128xf32, #tpu.memory_space<vmem>>
    %gather3A_544 = tpu.memref_squeeze %gather3A_543 : memref<1x1x16x128xf32, #tpu.memory_space<vmem>> -> memref<16x128xf32, #tpu.memory_space<vmem>>
    %gather3A_545 = tpu.vector_load_idx %gather3A_544[%select_n3A_17, %broadcast_in_dim3A_539] : memref<16x128xf32, #tpu.memory_space<vmem>>[vector<16xi32>, vector<16xi32>], vector<16xf32>,
    %broadcast_in_dim3A_546 = arith.constant 503 : i32
    %broadcast_in_dim3A_547 = vector.broadcast %broadcast_in_dim3A_546 : i32 to vector<16xi32>
    tpu.vector_store_idx %arg7[%select_n3A_17, %broadcast_in_dim3A_547], %gather3A_545 : memref<16x512xf32, #tpu.memory_space<vmem>>[vector<16xi32>, vector<16xi32>], vector<16xf32>,
    %dma_wait3A_548 = arith.constant 8 : i32
    %dma_wait3A_549 = arith.constant 0 : i32
    %dma_wait3A_550 = arith.constant 0 : i32
    %dma_wait3A_551 = tpu.memref_slice %arg6[%rem3A_326, %dma_wait3A_548, %dma_wait3A_549, %dma_wait3A_550] : memref<2x16x16x128xf32, #tpu.memory_space<vmem>> -> memref<1x1x16x128xf32, #tpu.memory_space<vmem>>
    %dma_wait3A_552 = tpu.memref_squeeze %dma_wait3A_551 : memref<1x1x16x128xf32, #tpu.memory_space<vmem>> -> memref<16x128xf32, #tpu.memory_space<vmem>>
    %dma_wait3A_553 = arith.constant 0 : i32
    %dma_wait3A_554 = arith.constant 0 : i32
    %dma_wait3A_555 = tpu.memref_slice %arg3[%dma_wait3A_553, %dma_wait3A_554] : memref<16x1000000xf32, #tpu.memory_space<hbm>> -> memref<16x128xf32, #tpu.memory_space<hbm>>
    %dma_wait3A_556 = arith.constant 0 : i32
    %dma_wait3A_557 = arith.constant 0 : i32
    %dma_wait3A_558 = tpu.memref_slice %arg6[%rem3A_326, %dma_wait3A_548, %dma_wait3A_556, %dma_wait3A_557] : memref<2x16x16x128xf32, #tpu.memory_space<vmem>> -> memref<1x1x16x128xf32, #tpu.memory_space<vmem>>
    %dma_wait3A_559 = tpu.memref_squeeze %dma_wait3A_558 : memref<1x1x16x128xf32, #tpu.memory_space<vmem>> -> memref<16x128xf32, #tpu.memory_space<vmem>>
    %dma_wait3A_560 = arith.constant 0 : i32
    %dma_wait3A_561 = arith.constant 0 : i32
    %dma_wait3A_562 = tpu.memref_slice %arg3[%dma_wait3A_560, %dma_wait3A_561] : memref<16x1000000xf32, #tpu.memory_space<hbm>> -> memref<16x128xf32, #tpu.memory_space<hbm>>
    tpu.wait_dma2 semaphore(%arg8 : memref<!tpu.dma_semaphore, #tpu.memory_space<semaphore_mem>>) src(%dma_wait3A_562 : memref<16x128xf32, #tpu.memory_space<hbm>>) dst(%dma_wait3A_559 : memref<16x128xf32, #tpu.memory_space<vmem>>)
    %slice3A_563 = vector.extract_strided_slice %scan3A_322 {offsets = [8], sizes = [1], strides = [1]} : vector<16xi32> to vector<1xi32>
    %squeeze3A_564 = vector.extract %slice3A_563[0] : i32 from vector<1xi32>
    %and3A_565 = arith.constant 127 : i32
    %and3A_566 = arith.andi %squeeze3A_564, %and3A_565 : i32
    %broadcast_in_dim3A_567 = vector.broadcast %and3A_566 : i32 to vector<16xi32>
    %gather3A_568 = arith.constant 8 : i32
    %gather3A_569 = arith.constant 0 : i32
    %gather3A_570 = arith.constant 0 : i32
    %gather3A_571 = tpu.memref_slice %arg6[%rem3A_326, %gather3A_568, %gather3A_569, %gather3A_570] : memref<2x16x16x128xf32, #tpu.memory_space<vmem>> -> memref<1x1x16x128xf32, #tpu.memory_space<vmem>>
    %gather3A_572 = tpu.memref_squeeze %gather3A_571 : memref<1x1x16x128xf32, #tpu.memory_space<vmem>> -> memref<16x128xf32, #tpu.memory_space<vmem>>
    %gather3A_573 = tpu.vector_load_idx %gather3A_572[%select_n3A_17, %broadcast_in_dim3A_567] : memref<16x128xf32, #tpu.memory_space<vmem>>[vector<16xi32>, vector<16xi32>], vector<16xf32>,
    %broadcast_in_dim3A_574 = arith.constant 504 : i32
    %broadcast_in_dim3A_575 = vector.broadcast %broadcast_in_dim3A_574 : i32 to vector<16xi32>
    tpu.vector_store_idx %arg7[%select_n3A_17, %broadcast_in_dim3A_575], %gather3A_573 : memref<16x512xf32, #tpu.memory_space<vmem>>[vector<16xi32>, vector<16xi32>], vector<16xf32>,
    %dma_wait3A_576 = arith.constant 9 : i32
    %dma_wait3A_577 = arith.constant 0 : i32
    %dma_wait3A_578 = arith.constant 0 : i32
    %dma_wait3A_579 = tpu.memref_slice %arg6[%rem3A_326, %dma_wait3A_576, %dma_wait3A_577, %dma_wait3A_578] : memref<2x16x16x128xf32, #tpu.memory_space<vmem>> -> memref<1x1x16x128xf32, #tpu.memory_space<vmem>>
    %dma_wait3A_580 = tpu.memref_squeeze %dma_wait3A_579 : memref<1x1x16x128xf32, #tpu.memory_space<vmem>> -> memref<16x128xf32, #tpu.memory_space<vmem>>
    %dma_wait3A_581 = arith.constant 0 : i32
    %dma_wait3A_582 = arith.constant 0 : i32
    %dma_wait3A_583 = tpu.memref_slice %arg3[%dma_wait3A_581, %dma_wait3A_582] : memref<16x1000000xf32, #tpu.memory_space<hbm>> -> memref<16x128xf32, #tpu.memory_space<hbm>>
    %dma_wait3A_584 = arith.constant 0 : i32
    %dma_wait3A_585 = arith.constant 0 : i32
    %dma_wait3A_586 = tpu.memref_slice %arg6[%rem3A_326, %dma_wait3A_576, %dma_wait3A_584, %dma_wait3A_585] : memref<2x16x16x128xf32, #tpu.memory_space<vmem>> -> memref<1x1x16x128xf32, #tpu.memory_space<vmem>>
    %dma_wait3A_587 = tpu.memref_squeeze %dma_wait3A_586 : memref<1x1x16x128xf32, #tpu.memory_space<vmem>> -> memref<16x128xf32, #tpu.memory_space<vmem>>
    %dma_wait3A_588 = arith.constant 0 : i32
    %dma_wait3A_589 = arith.constant 0 : i32
    %dma_wait3A_590 = tpu.memref_slice %arg3[%dma_wait3A_588, %dma_wait3A_589] : memref<16x1000000xf32, #tpu.memory_space<hbm>> -> memref<16x128xf32, #tpu.memory_space<hbm>>
    tpu.wait_dma2 semaphore(%arg8 : memref<!tpu.dma_semaphore, #tpu.memory_space<semaphore_mem>>) src(%dma_wait3A_590 : memref<16x128xf32, #tpu.memory_space<hbm>>) dst(%dma_wait3A_587 : memref<16x128xf32, #tpu.memory_space<vmem>>)
    %slice3A_591 = vector.extract_strided_slice %scan3A_322 {offsets = [9], sizes = [1], strides = [1]} : vector<16xi32> to vector<1xi32>
    %squeeze3A_592 = vector.extract %slice3A_591[0] : i32 from vector<1xi32>
    %and3A_593 = arith.constant 127 : i32
    %and3A_594 = arith.andi %squeeze3A_592, %and3A_593 : i32
    %broadcast_in_dim3A_595 = vector.broadcast %and3A_594 : i32 to vector<16xi32>
    %gather3A_596 = arith.constant 9 : i32
    %gather3A_597 = arith.constant 0 : i32
    %gather3A_598 = arith.constant 0 : i32
    %gather3A_599 = tpu.memref_slice %arg6[%rem3A_326, %gather3A_596, %gather3A_597, %gather3A_598] : memref<2x16x16x128xf32, #tpu.memory_space<vmem>> -> memref<1x1x16x128xf32, #tpu.memory_space<vmem>>
    %gather3A_600 = tpu.memref_squeeze %gather3A_599 : memref<1x1x16x128xf32, #tpu.memory_space<vmem>> -> memref<16x128xf32, #tpu.memory_space<vmem>>
    %gather3A_601 = tpu.vector_load_idx %gather3A_600[%select_n3A_17, %broadcast_in_dim3A_595] : memref<16x128xf32, #tpu.memory_space<vmem>>[vector<16xi32>, vector<16xi32>], vector<16xf32>,
    %broadcast_in_dim3A_602 = arith.constant 505 : i32
    %broadcast_in_dim3A_603 = vector.broadcast %broadcast_in_dim3A_602 : i32 to vector<16xi32>
    tpu.vector_store_idx %arg7[%select_n3A_17, %broadcast_in_dim3A_603], %gather3A_601 : memref<16x512xf32, #tpu.memory_space<vmem>>[vector<16xi32>, vector<16xi32>], vector<16xf32>,
    %dma_wait3A_604 = arith.constant 10 : i32
    %dma_wait3A_605 = arith.constant 0 : i32
    %dma_wait3A_606 = arith.constant 0 : i32
    %dma_wait3A_607 = tpu.memref_slice %arg6[%rem3A_326, %dma_wait3A_604, %dma_wait3A_605, %dma_wait3A_606] : memref<2x16x16x128xf32, #tpu.memory_space<vmem>> -> memref<1x1x16x128xf32, #tpu.memory_space<vmem>>
    %dma_wait3A_608 = tpu.memref_squeeze %dma_wait3A_607 : memref<1x1x16x128xf32, #tpu.memory_space<vmem>> -> memref<16x128xf32, #tpu.memory_space<vmem>>
    %dma_wait3A_609 = arith.constant 0 : i32
    %dma_wait3A_610 = arith.constant 0 : i32
    %dma_wait3A_611 = tpu.memref_slice %arg3[%dma_wait3A_609, %dma_wait3A_610] : memref<16x1000000xf32, #tpu.memory_space<hbm>> -> memref<16x128xf32, #tpu.memory_space<hbm>>
    %dma_wait3A_612 = arith.constant 0 : i32
    %dma_wait3A_613 = arith.constant 0 : i32
    %dma_wait3A_614 = tpu.memref_slice %arg6[%rem3A_326, %dma_wait3A_604, %dma_wait3A_612, %dma_wait3A_613] : memref<2x16x16x128xf32, #tpu.memory_space<vmem>> -> memref<1x1x16x128xf32, #tpu.memory_space<vmem>>
    %dma_wait3A_615 = tpu.memref_squeeze %dma_wait3A_614 : memref<1x1x16x128xf32, #tpu.memory_space<vmem>> -> memref<16x128xf32, #tpu.memory_space<vmem>>
    %dma_wait3A_616 = arith.constant 0 : i32
    %dma_wait3A_617 = arith.constant 0 : i32
    %dma_wait3A_618 = tpu.memref_slice %arg3[%dma_wait3A_616, %dma_wait3A_617] : memref<16x1000000xf32, #tpu.memory_space<hbm>> -> memref<16x128xf32, #tpu.memory_space<hbm>>
    tpu.wait_dma2 semaphore(%arg8 : memref<!tpu.dma_semaphore, #tpu.memory_space<semaphore_mem>>) src(%dma_wait3A_618 : memref<16x128xf32, #tpu.memory_space<hbm>>) dst(%dma_wait3A_615 : memref<16x128xf32, #tpu.memory_space<vmem>>)
    %slice3A_619 = vector.extract_strided_slice %scan3A_322 {offsets = [10], sizes = [1], strides = [1]} : vector<16xi32> to vector<1xi32>
    %squeeze3A_620 = vector.extract %slice3A_619[0] : i32 from vector<1xi32>
    %and3A_621 = arith.constant 127 : i32
    %and3A_622 = arith.andi %squeeze3A_620, %and3A_621 : i32
    %broadcast_in_dim3A_623 = vector.broadcast %and3A_622 : i32 to vector<16xi32>
    %gather3A_624 = arith.constant 10 : i32
    %gather3A_625 = arith.constant 0 : i32
    %gather3A_626 = arith.constant 0 : i32
    %gather3A_627 = tpu.memref_slice %arg6[%rem3A_326, %gather3A_624, %gather3A_625, %gather3A_626] : memref<2x16x16x128xf32, #tpu.memory_space<vmem>> -> memref<1x1x16x128xf32, #tpu.memory_space<vmem>>
    %gather3A_628 = tpu.memref_squeeze %gather3A_627 : memref<1x1x16x128xf32, #tpu.memory_space<vmem>> -> memref<16x128xf32, #tpu.memory_space<vmem>>
    %gather3A_629 = tpu.vector_load_idx %gather3A_628[%select_n3A_17, %broadcast_in_dim3A_623] : memref<16x128xf32, #tpu.memory_space<vmem>>[vector<16xi32>, vector<16xi32>], vector<16xf32>,
    %broadcast_in_dim3A_630 = arith.constant 506 : i32
    %broadcast_in_dim3A_631 = vector.broadcast %broadcast_in_dim3A_630 : i32 to vector<16xi32>
    tpu.vector_store_idx %arg7[%select_n3A_17, %broadcast_in_dim3A_631], %gather3A_629 : memref<16x512xf32, #tpu.memory_space<vmem>>[vector<16xi32>, vector<16xi32>], vector<16xf32>,
    %dma_wait3A_632 = arith.constant 11 : i32
    %dma_wait3A_633 = arith.constant 0 : i32
    %dma_wait3A_634 = arith.constant 0 : i32
    %dma_wait3A_635 = tpu.memref_slice %arg6[%rem3A_326, %dma_wait3A_632, %dma_wait3A_633, %dma_wait3A_634] : memref<2x16x16x128xf32, #tpu.memory_space<vmem>> -> memref<1x1x16x128xf32, #tpu.memory_space<vmem>>
    %dma_wait3A_636 = tpu.memref_squeeze %dma_wait3A_635 : memref<1x1x16x128xf32, #tpu.memory_space<vmem>> -> memref<16x128xf32, #tpu.memory_space<vmem>>
    %dma_wait3A_637 = arith.constant 0 : i32
    %dma_wait3A_638 = arith.constant 0 : i32
    %dma_wait3A_639 = tpu.memref_slice %arg3[%dma_wait3A_637, %dma_wait3A_638] : memref<16x1000000xf32, #tpu.memory_space<hbm>> -> memref<16x128xf32, #tpu.memory_space<hbm>>
    %dma_wait3A_640 = arith.constant 0 : i32
    %dma_wait3A_641 = arith.constant 0 : i32
    %dma_wait3A_642 = tpu.memref_slice %arg6[%rem3A_326, %dma_wait3A_632, %dma_wait3A_640, %dma_wait3A_641] : memref<2x16x16x128xf32, #tpu.memory_space<vmem>> -> memref<1x1x16x128xf32, #tpu.memory_space<vmem>>
    %dma_wait3A_643 = tpu.memref_squeeze %dma_wait3A_642 : memref<1x1x16x128xf32, #tpu.memory_space<vmem>> -> memref<16x128xf32, #tpu.memory_space<vmem>>
    %dma_wait3A_644 = arith.constant 0 : i32
    %dma_wait3A_645 = arith.constant 0 : i32
    %dma_wait3A_646 = tpu.memref_slice %arg3[%dma_wait3A_644, %dma_wait3A_645] : memref<16x1000000xf32, #tpu.memory_space<hbm>> -> memref<16x128xf32, #tpu.memory_space<hbm>>
    tpu.wait_dma2 semaphore(%arg8 : memref<!tpu.dma_semaphore, #tpu.memory_space<semaphore_mem>>) src(%dma_wait3A_646 : memref<16x128xf32, #tpu.memory_space<hbm>>) dst(%dma_wait3A_643 : memref<16x128xf32, #tpu.memory_space<vmem>>)
    %slice3A_647 = vector.extract_strided_slice %scan3A_322 {offsets = [11], sizes = [1], strides = [1]} : vector<16xi32> to vector<1xi32>
    %squeeze3A_648 = vector.extract %slice3A_647[0] : i32 from vector<1xi32>
    %and3A_649 = arith.constant 127 : i32
    %and3A_650 = arith.andi %squeeze3A_648, %and3A_649 : i32
    %broadcast_in_dim3A_651 = vector.broadcast %and3A_650 : i32 to vector<16xi32>
    %gather3A_652 = arith.constant 11 : i32
    %gather3A_653 = arith.constant 0 : i32
    %gather3A_654 = arith.constant 0 : i32
    %gather3A_655 = tpu.memref_slice %arg6[%rem3A_326, %gather3A_652, %gather3A_653, %gather3A_654] : memref<2x16x16x128xf32, #tpu.memory_space<vmem>> -> memref<1x1x16x128xf32, #tpu.memory_space<vmem>>
    %gather3A_656 = tpu.memref_squeeze %gather3A_655 : memref<1x1x16x128xf32, #tpu.memory_space<vmem>> -> memref<16x128xf32, #tpu.memory_space<vmem>>
    %gather3A_657 = tpu.vector_load_idx %gather3A_656[%select_n3A_17, %broadcast_in_dim3A_651] : memref<16x128xf32, #tpu.memory_space<vmem>>[vector<16xi32>, vector<16xi32>], vector<16xf32>,
    %broadcast_in_dim3A_658 = arith.constant 507 : i32
    %broadcast_in_dim3A_659 = vector.broadcast %broadcast_in_dim3A_658 : i32 to vector<16xi32>
    tpu.vector_store_idx %arg7[%select_n3A_17, %broadcast_in_dim3A_659], %gather3A_657 : memref<16x512xf32, #tpu.memory_space<vmem>>[vector<16xi32>, vector<16xi32>], vector<16xf32>,
    %dma_wait3A_660 = arith.constant 12 : i32
    %dma_wait3A_661 = arith.constant 0 : i32
    %dma_wait3A_662 = arith.constant 0 : i32
    %dma_wait3A_663 = tpu.memref_slice %arg6[%rem3A_326, %dma_wait3A_660, %dma_wait3A_661, %dma_wait3A_662] : memref<2x16x16x128xf32, #tpu.memory_space<vmem>> -> memref<1x1x16x128xf32, #tpu.memory_space<vmem>>
    %dma_wait3A_664 = tpu.memref_squeeze %dma_wait3A_663 : memref<1x1x16x128xf32, #tpu.memory_space<vmem>> -> memref<16x128xf32, #tpu.memory_space<vmem>>
    %dma_wait3A_665 = arith.constant 0 : i32
    %dma_wait3A_666 = arith.constant 0 : i32
    %dma_wait3A_667 = tpu.memref_slice %arg3[%dma_wait3A_665, %dma_wait3A_666] : memref<16x1000000xf32, #tpu.memory_space<hbm>> -> memref<16x128xf32, #tpu.memory_space<hbm>>
    %dma_wait3A_668 = arith.constant 0 : i32
    %dma_wait3A_669 = arith.constant 0 : i32
    %dma_wait3A_670 = tpu.memref_slice %arg6[%rem3A_326, %dma_wait3A_660, %dma_wait3A_668, %dma_wait3A_669] : memref<2x16x16x128xf32, #tpu.memory_space<vmem>> -> memref<1x1x16x128xf32, #tpu.memory_space<vmem>>
    %dma_wait3A_671 = tpu.memref_squeeze %dma_wait3A_670 : memref<1x1x16x128xf32, #tpu.memory_space<vmem>> -> memref<16x128xf32, #tpu.memory_space<vmem>>
    %dma_wait3A_672 = arith.constant 0 : i32
    %dma_wait3A_673 = arith.constant 0 : i32
    %dma_wait3A_674 = tpu.memref_slice %arg3[%dma_wait3A_672, %dma_wait3A_673] : memref<16x1000000xf32, #tpu.memory_space<hbm>> -> memref<16x128xf32, #tpu.memory_space<hbm>>
    tpu.wait_dma2 semaphore(%arg8 : memref<!tpu.dma_semaphore, #tpu.memory_space<semaphore_mem>>) src(%dma_wait3A_674 : memref<16x128xf32, #tpu.memory_space<hbm>>) dst(%dma_wait3A_671 : memref<16x128xf32, #tpu.memory_space<vmem>>)
    %slice3A_675 = vector.extract_strided_slice %scan3A_322 {offsets = [12], sizes = [1], strides = [1]} : vector<16xi32> to vector<1xi32>
    %squeeze3A_676 = vector.extract %slice3A_675[0] : i32 from vector<1xi32>
    %and3A_677 = arith.constant 127 : i32
    %and3A_678 = arith.andi %squeeze3A_676, %and3A_677 : i32
    %broadcast_in_dim3A_679 = vector.broadcast %and3A_678 : i32 to vector<16xi32>
    %gather3A_680 = arith.constant 12 : i32
    %gather3A_681 = arith.constant 0 : i32
    %gather3A_682 = arith.constant 0 : i32
    %gather3A_683 = tpu.memref_slice %arg6[%rem3A_326, %gather3A_680, %gather3A_681, %gather3A_682] : memref<2x16x16x128xf32, #tpu.memory_space<vmem>> -> memref<1x1x16x128xf32, #tpu.memory_space<vmem>>
    %gather3A_684 = tpu.memref_squeeze %gather3A_683 : memref<1x1x16x128xf32, #tpu.memory_space<vmem>> -> memref<16x128xf32, #tpu.memory_space<vmem>>
    %gather3A_685 = tpu.vector_load_idx %gather3A_684[%select_n3A_17, %broadcast_in_dim3A_679] : memref<16x128xf32, #tpu.memory_space<vmem>>[vector<16xi32>, vector<16xi32>], vector<16xf32>,
    %broadcast_in_dim3A_686 = arith.constant 508 : i32
    %broadcast_in_dim3A_687 = vector.broadcast %broadcast_in_dim3A_686 : i32 to vector<16xi32>
    tpu.vector_store_idx %arg7[%select_n3A_17, %broadcast_in_dim3A_687], %gather3A_685 : memref<16x512xf32, #tpu.memory_space<vmem>>[vector<16xi32>, vector<16xi32>], vector<16xf32>,
    %dma_wait3A_688 = arith.constant 13 : i32
    %dma_wait3A_689 = arith.constant 0 : i32
    %dma_wait3A_690 = arith.constant 0 : i32
    %dma_wait3A_691 = tpu.memref_slice %arg6[%rem3A_326, %dma_wait3A_688, %dma_wait3A_689, %dma_wait3A_690] : memref<2x16x16x128xf32, #tpu.memory_space<vmem>> -> memref<1x1x16x128xf32, #tpu.memory_space<vmem>>
    %dma_wait3A_692 = tpu.memref_squeeze %dma_wait3A_691 : memref<1x1x16x128xf32, #tpu.memory_space<vmem>> -> memref<16x128xf32, #tpu.memory_space<vmem>>
    %dma_wait3A_693 = arith.constant 0 : i32
    %dma_wait3A_694 = arith.constant 0 : i32
    %dma_wait3A_695 = tpu.memref_slice %arg3[%dma_wait3A_693, %dma_wait3A_694] : memref<16x1000000xf32, #tpu.memory_space<hbm>> -> memref<16x128xf32, #tpu.memory_space<hbm>>
    %dma_wait3A_696 = arith.constant 0 : i32
    %dma_wait3A_697 = arith.constant 0 : i32
    %dma_wait3A_698 = tpu.memref_slice %arg6[%rem3A_326, %dma_wait3A_688, %dma_wait3A_696, %dma_wait3A_697] : memref<2x16x16x128xf32, #tpu.memory_space<vmem>> -> memref<1x1x16x128xf32, #tpu.memory_space<vmem>>
    %dma_wait3A_699 = tpu.memref_squeeze %dma_wait3A_698 : memref<1x1x16x128xf32, #tpu.memory_space<vmem>> -> memref<16x128xf32, #tpu.memory_space<vmem>>
    %dma_wait3A_700 = arith.constant 0 : i32
    %dma_wait3A_701 = arith.constant 0 : i32
    %dma_wait3A_702 = tpu.memref_slice %arg3[%dma_wait3A_700, %dma_wait3A_701] : memref<16x1000000xf32, #tpu.memory_space<hbm>> -> memref<16x128xf32, #tpu.memory_space<hbm>>
    tpu.wait_dma2 semaphore(%arg8 : memref<!tpu.dma_semaphore, #tpu.memory_space<semaphore_mem>>) src(%dma_wait3A_702 : memref<16x128xf32, #tpu.memory_space<hbm>>) dst(%dma_wait3A_699 : memref<16x128xf32, #tpu.memory_space<vmem>>)
    %slice3A_703 = vector.extract_strided_slice %scan3A_322 {offsets = [13], sizes = [1], strides = [1]} : vector<16xi32> to vector<1xi32>
    %squeeze3A_704 = vector.extract %slice3A_703[0] : i32 from vector<1xi32>
    %and3A_705 = arith.constant 127 : i32
    %and3A_706 = arith.andi %squeeze3A_704, %and3A_705 : i32
    %broadcast_in_dim3A_707 = vector.broadcast %and3A_706 : i32 to vector<16xi32>
    %gather3A_708 = arith.constant 13 : i32
    %gather3A_709 = arith.constant 0 : i32
    %gather3A_710 = arith.constant 0 : i32
    %gather3A_711 = tpu.memref_slice %arg6[%rem3A_326, %gather3A_708, %gather3A_709, %gather3A_710] : memref<2x16x16x128xf32, #tpu.memory_space<vmem>> -> memref<1x1x16x128xf32, #tpu.memory_space<vmem>>
    %gather3A_712 = tpu.memref_squeeze %gather3A_711 : memref<1x1x16x128xf32, #tpu.memory_space<vmem>> -> memref<16x128xf32, #tpu.memory_space<vmem>>
    %gather3A_713 = tpu.vector_load_idx %gather3A_712[%select_n3A_17, %broadcast_in_dim3A_707] : memref<16x128xf32, #tpu.memory_space<vmem>>[vector<16xi32>, vector<16xi32>], vector<16xf32>,
    %broadcast_in_dim3A_714 = arith.constant 509 : i32
    %broadcast_in_dim3A_715 = vector.broadcast %broadcast_in_dim3A_714 : i32 to vector<16xi32>
    tpu.vector_store_idx %arg7[%select_n3A_17, %broadcast_in_dim3A_715], %gather3A_713 : memref<16x512xf32, #tpu.memory_space<vmem>>[vector<16xi32>, vector<16xi32>], vector<16xf32>,
    %dma_wait3A_716 = arith.constant 14 : i32
    %dma_wait3A_717 = arith.constant 0 : i32
    %dma_wait3A_718 = arith.constant 0 : i32
    %dma_wait3A_719 = tpu.memref_slice %arg6[%rem3A_326, %dma_wait3A_716, %dma_wait3A_717, %dma_wait3A_718] : memref<2x16x16x128xf32, #tpu.memory_space<vmem>> -> memref<1x1x16x128xf32, #tpu.memory_space<vmem>>
    %dma_wait3A_720 = tpu.memref_squeeze %dma_wait3A_719 : memref<1x1x16x128xf32, #tpu.memory_space<vmem>> -> memref<16x128xf32, #tpu.memory_space<vmem>>
    %dma_wait3A_721 = arith.constant 0 : i32
    %dma_wait3A_722 = arith.constant 0 : i32
    %dma_wait3A_723 = tpu.memref_slice %arg3[%dma_wait3A_721, %dma_wait3A_722] : memref<16x1000000xf32, #tpu.memory_space<hbm>> -> memref<16x128xf32, #tpu.memory_space<hbm>>
    %dma_wait3A_724 = arith.constant 0 : i32
    %dma_wait3A_725 = arith.constant 0 : i32
    %dma_wait3A_726 = tpu.memref_slice %arg6[%rem3A_326, %dma_wait3A_716, %dma_wait3A_724, %dma_wait3A_725] : memref<2x16x16x128xf32, #tpu.memory_space<vmem>> -> memref<1x1x16x128xf32, #tpu.memory_space<vmem>>
    %dma_wait3A_727 = tpu.memref_squeeze %dma_wait3A_726 : memref<1x1x16x128xf32, #tpu.memory_space<vmem>> -> memref<16x128xf32, #tpu.memory_space<vmem>>
    %dma_wait3A_728 = arith.constant 0 : i32
    %dma_wait3A_729 = arith.constant 0 : i32
    %dma_wait3A_730 = tpu.memref_slice %arg3[%dma_wait3A_728, %dma_wait3A_729] : memref<16x1000000xf32, #tpu.memory_space<hbm>> -> memref<16x128xf32, #tpu.memory_space<hbm>>
    tpu.wait_dma2 semaphore(%arg8 : memref<!tpu.dma_semaphore, #tpu.memory_space<semaphore_mem>>) src(%dma_wait3A_730 : memref<16x128xf32, #tpu.memory_space<hbm>>) dst(%dma_wait3A_727 : memref<16x128xf32, #tpu.memory_space<vmem>>)
    %slice3A_731 = vector.extract_strided_slice %scan3A_322 {offsets = [14], sizes = [1], strides = [1]} : vector<16xi32> to vector<1xi32>
    %squeeze3A_732 = vector.extract %slice3A_731[0] : i32 from vector<1xi32>
    %and3A_733 = arith.constant 127 : i32
    %and3A_734 = arith.andi %squeeze3A_732, %and3A_733 : i32
    %broadcast_in_dim3A_735 = vector.broadcast %and3A_734 : i32 to vector<16xi32>
    %gather3A_736 = arith.constant 14 : i32
    %gather3A_737 = arith.constant 0 : i32
    %gather3A_738 = arith.constant 0 : i32
    %gather3A_739 = tpu.memref_slice %arg6[%rem3A_326, %gather3A_736, %gather3A_737, %gather3A_738] : memref<2x16x16x128xf32, #tpu.memory_space<vmem>> -> memref<1x1x16x128xf32, #tpu.memory_space<vmem>>
    %gather3A_740 = tpu.memref_squeeze %gather3A_739 : memref<1x1x16x128xf32, #tpu.memory_space<vmem>> -> memref<16x128xf32, #tpu.memory_space<vmem>>
    %gather3A_741 = tpu.vector_load_idx %gather3A_740[%select_n3A_17, %broadcast_in_dim3A_735] : memref<16x128xf32, #tpu.memory_space<vmem>>[vector<16xi32>, vector<16xi32>], vector<16xf32>,
    %broadcast_in_dim3A_742 = arith.constant 510 : i32
    %broadcast_in_dim3A_743 = vector.broadcast %broadcast_in_dim3A_742 : i32 to vector<16xi32>
    tpu.vector_store_idx %arg7[%select_n3A_17, %broadcast_in_dim3A_743], %gather3A_741 : memref<16x512xf32, #tpu.memory_space<vmem>>[vector<16xi32>, vector<16xi32>], vector<16xf32>,
    %dma_wait3A_744 = arith.constant 15 : i32
    %dma_wait3A_745 = arith.constant 0 : i32
    %dma_wait3A_746 = arith.constant 0 : i32
    %dma_wait3A_747 = tpu.memref_slice %arg6[%rem3A_326, %dma_wait3A_744, %dma_wait3A_745, %dma_wait3A_746] : memref<2x16x16x128xf32, #tpu.memory_space<vmem>> -> memref<1x1x16x128xf32, #tpu.memory_space<vmem>>
    %dma_wait3A_748 = tpu.memref_squeeze %dma_wait3A_747 : memref<1x1x16x128xf32, #tpu.memory_space<vmem>> -> memref<16x128xf32, #tpu.memory_space<vmem>>
    %dma_wait3A_749 = arith.constant 0 : i32
    %dma_wait3A_750 = arith.constant 0 : i32
    %dma_wait3A_751 = tpu.memref_slice %arg3[%dma_wait3A_749, %dma_wait3A_750] : memref<16x1000000xf32, #tpu.memory_space<hbm>> -> memref<16x128xf32, #tpu.memory_space<hbm>>
    %dma_wait3A_752 = arith.constant 0 : i32
    %dma_wait3A_753 = arith.constant 0 : i32
    %dma_wait3A_754 = tpu.memref_slice %arg6[%rem3A_326, %dma_wait3A_744, %dma_wait3A_752, %dma_wait3A_753] : memref<2x16x16x128xf32, #tpu.memory_space<vmem>> -> memref<1x1x16x128xf32, #tpu.memory_space<vmem>>
    %dma_wait3A_755 = tpu.memref_squeeze %dma_wait3A_754 : memref<1x1x16x128xf32, #tpu.memory_space<vmem>> -> memref<16x128xf32, #tpu.memory_space<vmem>>
    %dma_wait3A_756 = arith.constant 0 : i32
    %dma_wait3A_757 = arith.constant 0 : i32
    %dma_wait3A_758 = tpu.memref_slice %arg3[%dma_wait3A_756, %dma_wait3A_757] : memref<16x1000000xf32, #tpu.memory_space<hbm>> -> memref<16x128xf32, #tpu.memory_space<hbm>>
    tpu.wait_dma2 semaphore(%arg8 : memref<!tpu.dma_semaphore, #tpu.memory_space<semaphore_mem>>) src(%dma_wait3A_758 : memref<16x128xf32, #tpu.memory_space<hbm>>) dst(%dma_wait3A_755 : memref<16x128xf32, #tpu.memory_space<vmem>>)
    %slice3A_759 = vector.extract_strided_slice %scan3A_322 {offsets = [15], sizes = [1], strides = [1]} : vector<16xi32> to vector<1xi32>
    %squeeze3A_760 = vector.extract %slice3A_759[0] : i32 from vector<1xi32>
    %and3A_761 = arith.constant 127 : i32
    %and3A_762 = arith.andi %squeeze3A_760, %and3A_761 : i32
    %broadcast_in_dim3A_763 = vector.broadcast %and3A_762 : i32 to vector<16xi32>
    %gather3A_764 = arith.constant 15 : i32
    %gather3A_765 = arith.constant 0 : i32
    %gather3A_766 = arith.constant 0 : i32
    %gather3A_767 = tpu.memref_slice %arg6[%rem3A_326, %gather3A_764, %gather3A_765, %gather3A_766] : memref<2x16x16x128xf32, #tpu.memory_space<vmem>> -> memref<1x1x16x128xf32, #tpu.memory_space<vmem>>
    %gather3A_768 = tpu.memref_squeeze %gather3A_767 : memref<1x1x16x128xf32, #tpu.memory_space<vmem>> -> memref<16x128xf32, #tpu.memory_space<vmem>>
    %gather3A_769 = tpu.vector_load_idx %gather3A_768[%select_n3A_17, %broadcast_in_dim3A_763] : memref<16x128xf32, #tpu.memory_space<vmem>>[vector<16xi32>, vector<16xi32>], vector<16xf32>,
    %broadcast_in_dim3A_770 = arith.constant 511 : i32
    %broadcast_in_dim3A_771 = vector.broadcast %broadcast_in_dim3A_770 : i32 to vector<16xi32>
    tpu.vector_store_idx %arg7[%select_n3A_17, %broadcast_in_dim3A_771], %gather3A_769 : memref<16x512xf32, #tpu.memory_space<vmem>>[vector<16xi32>, vector<16xi32>], vector<16xf32>,
    "tpu.region"() ({
      %run_scoped3A = tpu.sem_alloc : memref<!tpu.dma_semaphore, #tpu.memory_space<semaphore_mem>>
      %dma_start3A_772 = arith.constant 0 : i32
      %dma_start3A_773 = tpu.memref_slice %arg4[%dma_start3A_772, %mul3A_2] : memref<16x16384xf32, #tpu.memory_space<hbm>> -> memref<16x512xf32, #tpu.memory_space<hbm>>
      %dma_start3A_774 = arith.constant 0 : i32
      %dma_start3A_775 = tpu.memref_slice %arg4[%dma_start3A_774, %mul3A_2] : memref<16x16384xf32, #tpu.memory_space<hbm>> -> memref<16x512xf32, #tpu.memory_space<hbm>>
      tpu.enqueue_dma source(%arg7 : memref<16x512xf32, #tpu.memory_space<vmem>>) target(%dma_start3A_775 : memref<16x512xf32, #tpu.memory_space<hbm>>) target_semaphore(%run_scoped3A : memref<!tpu.dma_semaphore, #tpu.memory_space<semaphore_mem>>)
      %dma_wait3A_776 = arith.constant 0 : i32
      %dma_wait3A_777 = tpu.memref_slice %arg4[%dma_wait3A_776, %mul3A_2] : memref<16x16384xf32, #tpu.memory_space<hbm>> -> memref<16x512xf32, #tpu.memory_space<hbm>>
      %dma_wait3A_778 = arith.constant 0 : i32
      %dma_wait3A_779 = tpu.memref_slice %arg4[%dma_wait3A_778, %mul3A_2] : memref<16x16384xf32, #tpu.memory_space<hbm>> -> memref<16x512xf32, #tpu.memory_space<hbm>>
      tpu.wait_dma2 semaphore(%run_scoped3A : memref<!tpu.dma_semaphore, #tpu.memory_space<semaphore_mem>>) src(%arg7 : memref<16x512xf32, #tpu.memory_space<vmem>>) dst(%dma_wait3A_779 : memref<16x512xf32, #tpu.memory_space<hbm>>)
      tpu.yield
    }) : () -> ()
    return
  }
}

</mosaic_0001>

<sc_bundles>
// kernel: kernel.3.cloned.1.call-start
scs
__scs_entry_jumppad:
0x0: {  	(pc) =	sbr.rel $0x88, $3  }
0x1: {  	(tag) =	ssettag $0x0;
	lr =	simm.s32 $0x1  }
0x2: {  	[smem:$0x3F9F] =	sst lr;
	_ =	strace $0xD0000000  }
0x3: {  	_ = 	snop  }
0x4: {  	_ = 	snop  }
0x5: {  	_ = 	snop  }
0x6: {  	_ = 	snop  }
0x7: {  	_ = 	snop  }
__scs_overlays_trampoline_lowered:
0x8: {  	[smem:$0x3FAE] =	sst s0  }
0x9: {  	[smem:$0x3FAF] =	sst s1  }
0xa: {  	[smem:$0x3FB0] =	sst s2  }
0xb: {  	[smem:$0x3FB1] =	sst s3  }
0xc: {  	[smem:$0x3FB2] =	sst s4  }
0xd: {  	[smem:$0x3FB3] =	sst s5  }
0xe: {  	[smem:$0x3FB4] =	sst s6  }
0xf: {  	[smem:$0x3FB5] =	sst s7  }
0x10: {  	[smem:$0x3FB6] =	sst s8  }
0x11: {  	[smem:$0x3FB7] =	sst s9;
	s0 =	simm.s32 @!p0 $0x0  }
0x12: {  	s1 =	sld [smem:$0x3F9D];
	s0 =	simm.s32 @p0 $0x1  }
0x13: {  	[smem:$0x3FB8] =	sst s0;
	s0 =	simm.s32 @!p1 $0x0  }
0x14: {  	s2 =	sld [smem:$0x3F9C];
	s0 =	simm.s32 @p1 $0x1  }
0x15: {  	[smem:$0x3FB9] =	sst s0;
	s0 =	simm.s32 @!p2 $0x0  }
0x16: {  	s3 =	sld [smem:$0x3FDB];
	s0 =	simm.s32 @p2 $0x1  }
0x17: {  	s4 =	simm.s32 $0x1BF5;
	[smem:$0x3FBB] =	sst s0  }
0x18: {  	s0 =	sld [smem:$0x3F9E];
	_ =	swait.ge [sflag:s4], $0x0  }
0x19: {  	s7 =	sld [smem:$0x3F9F]  }
0x1a: {  	s8 =	sadd.s32 $0xFFFFE003, lr  }
0x1b: {  	s9 =	sadd.s32 $0xFFFFFEF7, lr;
	s5 =	simm.s32 $0xFFFFFFFF;
	p2 =	slt.u32 s8, $0xFFFFF086  }
0x1c: {  	p1 =	slt.u32 s9, $0xF7A;
	s5 =	simm.s32 @!p2 $0x0  }
0x1d: {  	s5 =	simm.s32 @p1 $0x1;
	p0 =	seq.s32 s7, s2  }
0x1e: {  	s7 =	smul.u32 @!p0 $0xF7A, s2;
	p2 =	seq.s32 @!p0 s5, $0x0  }
0x1f: {  	s9 =	smul.u32 $0xF7A, s1;
	s8 =	simm.s32 @!p0 $0x1BF5;
	p2 =	por !p2, p0  }
0x20: {  	[sflag:s8] =	ssyncset.s32 @!p0 $0xFFFFF086;
	s6 =	sadd.s32 @!p0 s3, s7;
	s7 =	simm.s32 @!p0 $0x108  }
0x21: {  	s3 =	sadd.s32 s3, s9;
	s6 =	sadd.s32 @!p0 $0x88, s6;
	s7 =	simm.s32 @p2 $0x1082  }
0x22: {  	[simem:s7], [sflag:s8] =	dma.local @!p0 [hbm:s6], $0xF7A  }
0x23: {  	s9 =	sor.u32 $0xD0000000, s2;
	s6 =	simm.s32 $0x108;
	_ =	swait.ge @!p0 [sflag:s8], $0x0  }
0x24: {  	s3 =	sadd.s32 $0x88, s3;
	s6 =	simm.s32 @!p1 $0x1082;
	[sflag:s4] =	ssyncset.s32 $0xFFFFF086  }
0x25: {  	[simem:s6], [sflag:s4] =	dma.local [hbm:s3], $0xF7A  }
0x26: {  	[smem:$0x3F9F] =	sst s1;
	(tag) =	ssettag s2;
	_ =	strace s9  }
0x27: {  	s1 =	sld [smem:$0x3FAF]  }
0x28: {  	s2 =	sld [smem:$0x3FB0]  }
0x29: {  	s4 =	sld [smem:$0x3FB2]  }
0x2a: {  	p0 =	seq.s32 s5, $0x0;
	s5 =	sld [smem:$0x3FB3]  }
0x2b: {  	s6 =	sld [smem:$0x3FB4]  }
0x2c: {  	s7 =	sld [smem:$0x3FB5]  }
0x2d: {  	s3 =	simm.s32 $0x108;
	s8 =	sld [smem:$0x3FB6]  }
0x2e: {  	s3 =	simm.s32 @!p0 $0x1082;
	s9 =	sld [smem:$0x3FB7]  }
0x2f: {  	lr =	sadd.s32 s0, s3;
	s0 =	sld [smem:$0x3FAE]  }
0x30: {  	s3 =	sld [smem:$0x3FB1]  }
0x31: {  	[smem:$0x3FBA] =	sst s10  }
0x32: {  	s10 =	sld [smem:$0x3FB8];
	_ =	sdelay $0x3  }
0x33: {  	p0 =	seq.s32 s10, $0x1;
	s10 =	sld [smem:$0x3FBA];
	_ =	sdelay $0x3  }
0x34: {  	[smem:$0x3FBA] =	sst s10  }
0x35: {  	s10 =	sld [smem:$0x3FB9];
	_ =	sdelay $0x3  }
0x36: {  	p1 =	seq.s32 s10, $0x1;
	s10 =	sld [smem:$0x3FBA];
	_ =	sdelay $0x3  }
0x37: {  	[smem:$0x3FBA] =	sst s10  }
0x38: {  	s10 =	sld [smem:$0x3FBB]  }
0x39: {  	_ = 	snop;
	(pc) =	sbr.ind lr, $3  }
0x3a: {  	_ = 	snop  }
0x3b: {  	_ = 	snop  }
0x3c: {  	p2 =	seq.s32 s10, $0x1;
	s10 =	sld [smem:$0x3FBA]  }
0x3d: {  	_ =	shalt  }
0x3e: {  	_ =	shalt  }
0x3f: {  	_ =	shalt  }
0x40: {  	_ =	shalt  }
0x41: {  	_ =	shalt  }
0x42: {  	_ =	shalt  }
0x43: {  	_ =	shalt  }
0x44: {  	_ =	shalt  }
0x45: {  	_ =	shalt  }
0x46: {  	_ =	shalt  }
0x47: {  	_ =	shalt  }
0x48: {  	_ =	shalt  }
0x49: {  	_ =	shalt  }
0x4a: {  	_ =	shalt  }
0x4b: {  	_ =	shalt  }
0x4c: {  	_ =	shalt  }
0x4d: {  	_ =	shalt  }
0x4e: {  	_ =	shalt  }
0x4f: {  	_ =	shalt  }
0x50: {  	_ =	shalt  }
0x51: {  	_ =	shalt  }
0x52: {  	_ =	shalt  }
0x53: {  	_ =	shalt  }
0x54: {  	_ =	shalt  }
0x55: {  	_ =	shalt  }
0x56: {  	_ =	shalt  }
0x57: {  	_ =	shalt  }
0x58: {  	_ =	shalt  }
0x59: {  	_ =	shalt  }
0x5a: {  	_ =	shalt  }
0x5b: {  	_ =	shalt  }
0x5c: {  	_ =	shalt  }
0x5d: {  	_ =	shalt  }
0x5e: {  	_ =	shalt  }
0x5f: {  	_ =	shalt  }
0x60: {  	_ =	shalt  }
0x61: {  	_ =	shalt  }
0x62: {  	_ =	shalt  }
0x63: {  	_ =	shalt  }
0x64: {  	_ =	shalt  }
0x65: {  	_ =	shalt  }
0x66: {  	_ =	shalt  }
0x67: {  	_ =	shalt  }
0x68: {  	_ =	shalt  }
0x69: {  	_ =	shalt  }
0x6a: {  	_ =	shalt  }
0x6b: {  	_ =	shalt  }
0x6c: {  	_ =	shalt  }
0x6d: {  	_ =	shalt  }
0x6e: {  	_ =	shalt  }
0x6f: {  	_ =	shalt  }
0x70: {  	_ =	shalt  }
0x71: {  	_ =	shalt  }
0x72: {  	_ =	shalt  }
0x73: {  	_ =	shalt  }
0x74: {  	_ =	shalt  }
0x75: {  	_ =	shalt  }
0x76: {  	_ =	shalt  }
0x77: {  	_ =	shalt  }
0x78: {  	_ =	shalt  }
0x79: {  	_ =	shalt  }
0x7a: {  	_ =	shalt  }
0x7b: {  	_ =	shalt  }
0x7c: {  	_ =	shalt  }
0x7d: {  	_ =	shalt  }
0x7e: {  	_ =	shalt  }
0x7f: {  	_ =	shalt  }
0x80: {  	_ =	shalt  }
0x81: {  	_ =	shalt  }
0x82: {  	_ =	shalt  }
0x83: {  	_ =	shalt  }
0x84: {  	_ =	shalt  }
0x85: {  	_ =	shalt  }
0x86: {  	_ =	shalt  }
0x87: {  	_ =	shalt  }
.Lfunc_end0:
.L_simem_size_0:
called_computation_lowered:
.L_overlay_start_0:
0x88: {  	s2 =	sld [smem:$0x3FD9]  }
0x89: {  	s3 =	sld [smem:$0x3FFE];
	_ =	sdelay $0x1  }
0x8a: {  	s1 =	srdreg.scid  }
0x8b: {  	s0 =	sand.u32 $0x1, s1  }
0x8c: {  	s18 =	sshll.u32 s0, $0xA;
	s2 =	sadd.s32 s3, s2  }
0x8d: {  	s2 =	sadd.s32 s2, s18  }
0x8e: {  	[smem:$0x3FC6] =	sst s2  }
0x8f: {  	_ = 	snop  }
0x90: {  	s2 =	sld [smem:$0x3FC9]  }
0x91: {  	s19 =	sld [smem:$0x3FC8]  }
0x92: {  	s4 =	sld [smem:$0x3FD0];
	(tm) =	ssettm $0x1  }
0x93: {  	s5 =	sld [smem:$0x3FFB];
	_ =	sdelay $0x3  }
0x94: {  	_ =	strace s5  }
0x95: {  	s5 =	sld [smem:$0x3FFC];
	_ =	sdelay $0x3  }
0x96: {  	_ =	strace s5  }
0x97: {  	s5 =	sld [smem:$0x3FFD];
	_ =	sdelay $0x3  }
0x98: {  	_ =	strace s5  }
0x99: {  	_ =	strace $0x8FFFFFFF  }
0x9a: {  	s20 =	sld [smem:$0x3FDB];
	_ =	sdelay $0x1  }
0x9b: {  	s6 =	simm.s32 $_scs_section_size  }
0x9c: {  	s7 =	simm.s32 $_size__tile_overlayer_lowered;
	s8 =	simm.s32 $_tile_overlayer_lowered  }
0x9d: {  	s23 =	simm.s32 $0x1BFF;
	s22 =	sshll.u32 s8, $0x1;
	s5 =	sadd.s32 s6, s20  }
0x9e: {  	s9 =	simm.s32 $0x0;
	s21 =	sshll.u32 s7, $0x1;
	s7 =	sadd.s32 s22, s5  }
0x9f: {  	[timem:s9], [sflag:s23] =	dma.local [hbm:s7], s21  }
0xa0: {  	_ =	swait.ge [sflag:s23], s21  }
0xa1: {  	s6 =	ssub.s32 $0x0, s21;
	[sflag:s23] =	ssyncset.done $0x0  }
0xa2: {  	[sflag:s23] =	ssyncadd.s32 s6;
	_ =	sdelay $0x1  }
0xa3: {  	s24 =	simm.s32 $0x1B8B  }
0xa4: {  	_ =	swait.ge [sflag:s24], $0x1  }
0xa5: {  	[sflag:s24] =	ssyncset.done $0x0  }
0xa6: {  	s25 =	simm.s32 $0x1B8E;
	[sflag:s24] =	ssyncadd.s32 $0xFFFFFFFF  }
0xa7: {  	s26 =	simm.s32 $execute0_lowered;
	[smem:$0x3FD2] =	sst s25  }
0xa8: {  	s6 =	sshll.u32 s26, $0x1;
	_ =	strace $0x80000046;
	[dreg:$0x1] =	wrdreg $0xFFFFFFFF  }
0xa9: {  	s28 =	simm.s32 $_size_execute0_lowered;
	s5 =	sadd.s32 s5, s6;
	[dreg:$0x0] =	wrdreg $0x0  }
0xaa: {  	s6 =	sshll.u32 s28, $0x1;
	[dreg:$0x2] =	wrdreg s5  }
0xab: {  	[dreg:$0x3] =	wrdreg s6  }
0xac: {  	[dreg:$0x4] =	wrdreg $0xC0  }
0xad: {  	_ =	task [dreg:s9], $0x5FFFF  }
0xae: {  	[dreg:$0x1] =	wrdreg $0xFFFFFFFF  }
0xaf: {  	[dreg:$0x0] =	wrdreg $0x60  }
0xb0: {  	[dreg:$0x2] =	wrdreg s2  }
0xb1: {  	[dreg:$0x3] =	wrdreg s19  }
0xb2: {  	[dreg:$0x4] =	wrdreg s4  }
0xb3: {  	[dreg:$0x5] =	wrdreg $0x9  }
0xb4: {  	_ =	task.clear_ibuf [dreg:s9], $0x6FFFF;
	_ =	strace $0x90000046  }
0xb5: {  	s29 =	simm.s32 $0x9;
	_ =	strace $0x80000048  }
0xb6: {  	_ =	swait.ge [sflag:s29], $0x1  }
0xb7: {  	[sflag:s29] =	ssyncadd.s32 $0xFFFFFFFF  }
0xb8: {  	_ =	strace $0x90000048  }
0xb9: {  	_ =	sfence  }
0xba: {  	s30 =	sld [smem:$0x0];
	_ =	sdelay $0x2  }
0xbb: {  	s31 =	sshll.u32 s1, $0xD;
	s1 =	sshrl.u32 s1, $0x2  }
0xbc: {  	s3 =	sand.u32 $0x4000, s31;
	s1 =	sadd.s32 s1, s30  }
0xbd: {  	s0 =	sor.u32 s3, s0;
	s1 =	sshll.u32 s1, $0x11  }
0xbe: {  	s0 =	sor.u32 s1, s0  }
0xbf: {  	s0 =	sadd.s32 $0x8F2B, s0  }
0xc0: {  	[sflag:s0] =	ssyncadd.remote.s32 $0x1  }
0xc1: {  	_ =	sfence.sel $0xFFFF  }
0xc2: {  	[dreg:$0x0] =	wrdreg $0xFFFFFFFF;
	(pc) =	sbr.abs _section_cstart, $3  }
0xc3: {  	[dreg:$0x1] =	wrdreg $0xFFFFFFFF  }
0xc4: {  	_ =	task.clear_ibuf [dreg:s9], $0x2FFFF;
	_ =	strace $0x9FFFFFFF  }
0xc5: {  	(tm) =	ssettm $0x7FFFFFFF  }
tec
execute0_lowered:
.L_overlay_start_1:
0x0: {  	(tag) =	ssettag $0x1  }
0x1: {  	v0 =	vlaneseq.u32  }
0x2: {  	v1 =	vimm.s32 $0x1380;
	vm14 =	vcmask $0x300;
	v2 =	vimm.s32 $0x1FF0  }
0x3: {  	vm13 =	vcmask $0x704;
	vm12 =	vcmask $0xB08;
	vm11 =	vcmask $0xF0C  }
0x4: {  	vm10 =	vcmask $0x1310;
	vm9 =	vcmask $0x1714;
	vm8 =	vcmask $0x1B18  }
0x5: {  	vm6 =	vcmask $0x1F1C;
	vm7 =	vcmask $0x2320;
	vm5 =	vcmask $0x2724  }
0x6: {  	vm4 =	vcmask $0x2B28;
	vm3 =	vcmask $0x2F2C;
	vm2 =	vcmask $0x3330  }
0x7: {  	vm1 =	vcmask $0x3734;
	vm0 =	vcmask $0x3B38;
	v3 =	vimm.s32 $0x1FF1  }
0x8: {  	v4 =	vimm.s32 $0x1FF2;
	v5 =	vimm.s32 $0x1FF3;
	v6 =	vimm.s32 $0x1FF4  }
0x9: {  	v7 =	vimm.s32 $0x1FF5;
	v8 =	vimm.s32 $0x1FF6;
	v9 =	vimm.s32 $0x1FF7  }
0xa: {  	v10 =	vimm.s32 $0x1FF8;
	v11 =	vimm.s32 $0x1FF9;
	v12 =	vimm.s32 $0x1FFA  }
0xb: {  	v13 =	vimm.s32 $0x1FFB;
	v14 =	vimm.s32 $0x1FFC;
	v15 =	vimm.s32 $0x1FFD  }
0xc: {  	v16 =	vimm.s32 $0x1FFE;
	v17 =	vimm.s32 $0x1FFF;
	v1 =	vsel vm14, $0x0, v1  }
0xd: {  	v2 =	vsel vm14, $0xC70, v2;
	v0 =	vmul.u32 $0x80, v0;
	v3 =	vsel vm14, $0xC71, v3  }
0xe: {  	v4 =	vsel vm14, $0xC72, v4;
	v5 =	vsel vm14, $0xC73, v5;
	v6 =	vsel vm14, $0xC74, v6  }
0xf: {  	v7 =	vsel vm14, $0xC75, v7;
	v8 =	vsel vm14, $0xC76, v8;
	v9 =	vsel vm14, $0xC77, v9  }
0x10: {  	v10 =	vsel vm14, $0xC78, v10;
	v11 =	vsel vm14, $0xC79, v11;
	v12 =	vsel vm14, $0xC7A, v12  }
0x11: {  	v13 =	vsel vm14, $0xC7B, v13;
	v14 =	vsel vm14, $0xC7C, v14;
	v15 =	vsel vm14, $0xC7D, v15  }
0x12: {  	v16 =	vsel vm14, $0xC7E, v16;
	v17 =	vsel vm14, $0xC7F, v17;
	v1 =	vsel vm13, $0x80, v1  }
0x13: {  	v2 =	vsel vm13, $0xCF0, v2;
	v3 =	vsel vm13, $0xCF1, v3;
	v4 =	vsel vm13, $0xCF2, v4  }
0x14: {  	v5 =	vsel vm13, $0xCF3, v5;
	v6 =	vsel vm13, $0xCF4, v6;
	v7 =	vsel vm13, $0xCF5, v7  }
0x15: {  	v8 =	vsel vm13, $0xCF6, v8;
	v9 =	vsel vm13, $0xCF7, v9;
	v10 =	vsel vm13, $0xCF8, v10  }
0x16: {  	v11 =	vsel vm13, $0xCF9, v11;
	v12 =	vsel vm13, $0xCFA, v12;
	v13 =	vsel vm13, $0xCFB, v13  }
0x17: {  	v14 =	vsel vm13, $0xCFC, v14;
	v15 =	vsel vm13, $0xCFD, v15;
	v16 =	vsel vm13, $0xCFE, v16  }
0x18: {  	v17 =	vsel vm13, $0xCFF, v17;
	v1 =	vsel vm12, $0x100, v1;
	v2 =	vsel vm12, $0xD70, v2  }
0x19: {  	v3 =	vsel vm12, $0xD71, v3;
	v4 =	vsel vm12, $0xD72, v4;
	v5 =	vsel vm12, $0xD73, v5  }
0x1a: {  	v6 =	vsel vm12, $0xD74, v6;
	v7 =	vsel vm12, $0xD75, v7;
	v8 =	vsel vm12, $0xD76, v8  }
0x1b: {  	v9 =	vsel vm12, $0xD77, v9;
	v10 =	vsel vm12, $0xD78, v10;
	v11 =	vsel vm12, $0xD79, v11  }
0x1c: {  	v12 =	vsel vm12, $0xD7A, v12;
	v13 =	vsel vm12, $0xD7B, v13;
	v14 =	vsel vm12, $0xD7C, v14  }
0x1d: {  	v15 =	vsel vm12, $0xD7D, v15;
	v16 =	vsel vm12, $0xD7E, v16;
	v17 =	vsel vm12, $0xD7F, v17  }
0x1e: {  	v1 =	vsel vm11, $0x180, v1;
	v2 =	vsel vm11, $0xDF0, v2;
	v3 =	vsel vm11, $0xDF1, v3  }
0x1f: {  	v4 =	vsel vm11, $0xDF2, v4;
	v5 =	vsel vm11, $0xDF3, v5;
	v6 =	vsel vm11, $0xDF4, v6  }
0x20: {  	v7 =	vsel vm11, $0xDF5, v7;
	v8 =	vsel vm11, $0xDF6, v8;
	v9 =	vsel vm11, $0xDF7, v9  }
0x21: {  	v10 =	vsel vm11, $0xDF8, v10;
	v11 =	vsel vm11, $0xDF9, v11;
	v12 =	vsel vm11, $0xDFA, v12  }
0x22: {  	v13 =	vsel vm11, $0xDFB, v13;
	v14 =	vsel vm11, $0xDFC, v14;
	v15 =	vsel vm11, $0xDFD, v15  }
0x23: {  	v16 =	vsel vm11, $0xDFE, v16;
	v17 =	vsel vm11, $0xDFF, v17;
	v1 =	vsel vm10, $0x200, v1  }
0x24: {  	v2 =	vsel vm10, $0xE70, v2;
	v3 =	vsel vm10, $0xE71, v3;
	v4 =	vsel vm10, $0xE72, v4  }
0x25: {  	v5 =	vsel vm10, $0xE73, v5;
	v6 =	vsel vm10, $0xE74, v6;
	v7 =	vsel vm10, $0xE75, v7  }
0x26: {  	v8 =	vsel vm10, $0xE76, v8;
	v9 =	vsel vm10, $0xE77, v9;
	v10 =	vsel vm10, $0xE78, v10  }
0x27: {  	v11 =	vsel vm10, $0xE79, v11;
	v12 =	vsel vm10, $0xE7A, v12;
	v13 =	vsel vm10, $0xE7B, v13  }
0x28: {  	v14 =	vsel vm10, $0xE7C, v14;
	v15 =	vsel vm10, $0xE7D, v15;
	v16 =	vsel vm10, $0xE7E, v16  }
0x29: {  	v17 =	vsel vm10, $0xE7F, v17;
	v1 =	vsel vm9, $0x280, v1;
	v2 =	vsel vm9, $0xEF0, v2  }
0x2a: {  	v3 =	vsel vm9, $0xEF1, v3;
	v4 =	vsel vm9, $0xEF2, v4;
	v5 =	vsel vm9, $0xEF3, v5  }
0x2b: {  	v6 =	vsel vm9, $0xEF4, v6;
	v7 =	vsel vm9, $0xEF5, v7;
	v8 =	vsel vm9, $0xEF6, v8  }
0x2c: {  	v9 =	vsel vm9, $0xEF7, v9;
	v10 =	vsel vm9, $0xEF8, v10;
	v11 =	vsel vm9, $0xEF9, v11  }
0x2d: {  	v12 =	vsel vm9, $0xEFA, v12;
	v13 =	vsel vm9, $0xEFB, v13;
	v14 =	vsel vm9, $0xEFC, v14  }
0x2e: {  	v15 =	vsel vm9, $0xEFD, v15;
	v16 =	vsel vm9, $0xEFE, v16;
	v17 =	vsel vm9, $0xEFF, v17  }
0x2f: {  	v1 =	vsel vm8, $0x300, v1;
	v2 =	vsel vm8, $0xF70, v2;
	v3 =	vsel vm8, $0xF71, v3  }
0x30: {  	v4 =	vsel vm8, $0xF72, v4;
	v5 =	vsel vm8, $0xF73, v5;
	v6 =	vsel vm8, $0xF74, v6  }
0x31: {  	v7 =	vsel vm8, $0xF75, v7;
	v8 =	vsel vm8, $0xF76, v8;
	v9 =	vsel vm8, $0xF77, v9  }
0x32: {  	v10 =	vsel vm8, $0xF78, v10;
	v11 =	vsel vm8, $0xF79, v11;
	v12 =	vsel vm8, $0xF7A, v12  }
0x33: {  	v13 =	vsel vm8, $0xF7B, v13;
	v14 =	vsel vm8, $0xF7C, v14;
	v15 =	vsel vm8, $0xF7D, v15  }
0x34: {  	v16 =	vsel vm8, $0xF7E, v16;
	v17 =	vsel vm8, $0xF7F, v17;
	v1 =	vsel vm6, $0x380, v1  }
0x35: {  	v2 =	vsel vm6, $0xFF0, v2;
	v3 =	vsel vm6, $0xFF1, v3;
	v4 =	vsel vm6, $0xFF2, v4  }
0x36: {  	v5 =	vsel vm6, $0xFF3, v5;
	v6 =	vsel vm6, $0xFF4, v6;
	v7 =	vsel vm6, $0xFF5, v7  }
0x37: {  	v8 =	vsel vm6, $0xFF6, v8;
	v9 =	vsel vm6, $0xFF7, v9;
	v10 =	vsel vm6, $0xFF8, v10  }
0x38: {  	v11 =	vsel vm6, $0xFF9, v11;
	v12 =	vsel vm6, $0xFFA, v12;
	v13 =	vsel vm6, $0xFFB, v13  }
0x39: {  	v14 =	vsel vm6, $0xFFC, v14;
	v15 =	vsel vm6, $0xFFD, v15;
	v16 =	vsel vm6, $0xFFE, v16  }
0x3a: {  	v17 =	vsel vm6, $0xFFF, v17;
	v1 =	vsel vm7, $0x1000, v1;
	v2 =	vsel vm7, $0x1C70, v2  }
0x3b: {  	v3 =	vsel vm7, $0x1C71, v3;
	v4 =	vsel vm7, $0x1C72, v4;
	v5 =	vsel vm7, $0x1C73, v5  }
0x3c: {  	v6 =	vsel vm7, $0x1C74, v6;
	v7 =	vsel vm7, $0x1C75, v7;
	v8 =	vsel vm7, $0x1C76, v8  }
0x3d: {  	v9 =	vsel vm7, $0x1C77, v9;
	v10 =	vsel vm7, $0x1C78, v10;
	v11 =	vsel vm7, $0x1C79, v11  }
0x3e: {  	v12 =	vsel vm7, $0x1C7A, v12;
	v13 =	vsel vm7, $0x1C7B, v13;
	v14 =	vsel vm7, $0x1C7C, v14  }
0x3f: {  	v15 =	vsel vm7, $0x1C7D, v15;
	v16 =	vsel vm7, $0x1C7E, v16;
	v17 =	vsel vm7, $0x1C7F, v17  }
0x40: {  	v1 =	vsel vm5, $0x1080, v1;
	v2 =	vsel vm5, $0x1CF0, v2;
	v3 =	vsel vm5, $0x1CF1, v3  }
0x41: {  	v4 =	vsel vm5, $0x1CF2, v4;
	v5 =	vsel vm5, $0x1CF3, v5;
	v6 =	vsel vm5, $0x1CF4, v6  }
0x42: {  	v7 =	vsel vm5, $0x1CF5, v7;
	v8 =	vsel vm5, $0x1CF6, v8;
	v9 =	vsel vm5, $0x1CF7, v9  }
0x43: {  	v10 =	vsel vm5, $0x1CF8, v10;
	v11 =	vsel vm5, $0x1CF9, v11;
	v12 =	vsel vm5, $0x1CFA, v12  }
0x44: {  	v13 =	vsel vm5, $0x1CFB, v13;
	v14 =	vsel vm5, $0x1CFC, v14;
	v15 =	vsel vm5, $0x1CFD, v15  }
0x45: {  	v16 =	vsel vm5, $0x1CFE, v16;
	v17 =	vsel vm5, $0x1CFF, v17;
	v1 =	vsel vm4, $0x1100, v1  }
0x46: {  	v2 =	vsel vm4, $0x1D70, v2;
	v3 =	vsel vm4, $0x1D71, v3;
	v4 =	vsel vm4, $0x1D72, v4  }
0x47: {  	v5 =	vsel vm4, $0x1D73, v5;
	v6 =	vsel vm4, $0x1D74, v6;
	v7 =	vsel vm4, $0x1D75, v7  }
0x48: {  	v8 =	vsel vm4, $0x1D76, v8;
	v9 =	vsel vm4, $0x1D77, v9;
	v10 =	vsel vm4, $0x1D78, v10  }
0x49: {  	v11 =	vsel vm4, $0x1D79, v11;
	v12 =	vsel vm4, $0x1D7A, v12;
	v13 =	vsel vm4, $0x1D7B, v13  }
0x4a: {  	v14 =	vsel vm4, $0x1D7C, v14;
	v15 =	vsel vm4, $0x1D7D, v15;
	v16 =	vsel vm4, $0x1D7E, v16  }
0x4b: {  	v17 =	vsel vm4, $0x1D7F, v17;
	v1 =	vsel vm3, $0x1180, v1;
	v2 =	vsel vm3, $0x1DF0, v2  }
0x4c: {  	v3 =	vsel vm3, $0x1DF1, v3;
	v4 =	vsel vm3, $0x1DF2, v4;
	v5 =	vsel vm3, $0x1DF3, v5  }
0x4d: {  	v6 =	vsel vm3, $0x1DF4, v6;
	v7 =	vsel vm3, $0x1DF5, v7;
	v8 =	vsel vm3, $0x1DF6, v8  }
0x4e: {  	v9 =	vsel vm3, $0x1DF7, v9;
	v10 =	vsel vm3, $0x1DF8, v10;
	v11 =	vsel vm3, $0x1DF9, v11  }
0x4f: {  	v12 =	vsel vm3, $0x1DFA, v12;
	v13 =	vsel vm3, $0x1DFB, v13;
	v14 =	vsel vm3, $0x1DFC, v14  }
0x50: {  	v15 =	vsel vm3, $0x1DFD, v15;
	v16 =	vsel vm3, $0x1DFE, v16;
	v17 =	vsel vm3, $0x1DFF, v17  }
0x51: {  	v1 =	vsel vm2, $0x1200, v1;
	v2 =	vsel vm2, $0x1E70, v2;
	v3 =	vsel vm2, $0x1E71, v3  }
0x52: {  	v4 =	vsel vm2, $0x1E72, v4;
	v5 =	vsel vm2, $0x1E73, v5;
	v6 =	vsel vm2, $0x1E74, v6  }
0x53: {  	v7 =	vsel vm2, $0x1E75, v7;
	v8 =	vsel vm2, $0x1E76, v8;
	v9 =	vsel vm2, $0x1E77, v9  }
0x54: {  	v10 =	vsel vm2, $0x1E78, v10;
	v11 =	vsel vm2, $0x1E79, v11;
	v12 =	vsel vm2, $0x1E7A, v12  }
0x55: {  	v13 =	vsel vm2, $0x1E7B, v13;
	v14 =	vsel vm2, $0x1E7C, v14;
	v15 =	vsel vm2, $0x1E7D, v15  }
0x56: {  	v16 =	vsel vm2, $0x1E7E, v16;
	v17 =	vsel vm2, $0x1E7F, v17;
	v1 =	vsel vm1, $0x1280, v1  }
0x57: {  	s1 =	rddreg [dreg:$0x0];
	v2 =	vsel vm1, $0x1EF0, v2;
	v3 =	vsel vm1, $0x1EF1, v3;
	v4 =	vsel vm1, $0x1EF2, v4  }
0x58: {  	s0 =	rddreg [dreg:$0x1];
	v5 =	vsel vm1, $0x1EF3, v5;
	v6 =	vsel vm1, $0x1EF4, v6;
	v7 =	vsel vm1, $0x1EF5, v7  }
0x59: {  	s2 =	srdreg.scid;
	s3 =	rddreg [dreg:$0x2];
	v8 =	vsel vm1, $0x1EF6, v8;
	v9 =	vsel vm1, $0x1EF7, v9;
	v10 =	vsel vm1, $0x1EF8, v10  }
0x5a: {  	s4 =	stileid.u32;
	s6 =	simm.s32 $0x0;
	s7 =	simm.s32 $0x400;
	v11 =	vsel vm1, $0x1EF9, v11;
	v12 =	vsel vm1, $0x1EFA, v12;
	v13 =	vsel vm1, $0x1EFB, v13  }
0x5b: {  	s9 =	simm.s32 $0x7A1400;
	s28 =	simm.s32 $0x10200;
	s2 =	sand.u32 $0x1, s2;
	v14 =	vsel vm1, $0x1EFC, v14;
	v15 =	vsel vm1, $0x1EFD, v15;
	v16 =	vsel vm1, $0x1EFE, v16  }
0x5c: {  	s4 =	sshll.u32 s4, $0xA;
	[smem:$0x7FF] =	sst s6;
	s5 =	sshll.u32 s2, $0x9;
	v17 =	vsel vm1, $0x1EFF, v17;
	v1 =	vsel vm0, $0x1300, v1;
	v2 =	vsel vm0, $0x1F70, v2  }
0x5d: {  	s2 =	ssub.s32 $0x2, s2;
	_ =	strace $0x80000047;
	s4 =	sor.u32 s5, s4;
	v3 =	vsel vm0, $0x1F71, v3;
	v4 =	vsel vm0, $0x1F72, v4;
	v5 =	vsel vm0, $0x1F73, v5  }
0x5e: {  	s26 =	sshrl.u32 s2, $0x1;
	s29 =	sshrl.u32 s4, $0x3;
	s30 =	sadd.s32 s3, s4;
	v6 =	vsel vm0, $0x1F74, v6;
	v7 =	vsel vm0, $0x1F75, v7;
	v8 =	vsel vm0, $0x1F76, v8  }
0x5f: {  	s2 =	ssub.s32 s2, s26;
	s1 =	sadd.s32 s1, s29;
	[dreg:$0x5] =	wrdreg s30;
	v9 =	vsel vm0, $0x1F77, v9;
	v10 =	vsel vm0, $0x1F78, v10;
	v11 =	vsel vm0, $0x1F79, v11  }
0x60: {  	s3 =	simm.s32 $0x2;
	s31 =	smax.u32 s2, $0x1;
	[dreg:$0x4] =	wrdreg s1;
	v12 =	vsel vm0, $0x1F7A, v12;
	v13 =	vsel vm0, $0x1F7B, v13;
	v14 =	vsel vm0, $0x1F7C, v14  }
0x61: {  	s26 =	simm.s32 $0x1;
	s2 =	simm.s32 $0x0;
	[dreg:$0x6] =	wrdreg s31;
	v15 =	vsel vm0, $0x1F7D, v15;
	v16 =	vsel vm0, $0x1F7E, v16;
	v17 =	vsel vm0, $0x1F7F, v17  }
.LBB2_1:
0x62: {  	[dreg:$0x7] =	wrdreg s2  }
0x63: {  	s1 =	simm.s32 $0x0;
	s4 =	rddreg [dreg:$0x4]  }
0x64: {  	[tilespmem:s1], [sflag:$0x2] =	stream.linear.gather [hbm4b:s4+s1], $0x200, $0x38;
	[tilespmem:$0x12200] =	vst v63  }
0x65: {  	_ =	swait.ge [sflag:s3], $0x200  }
0x66: {  	[sflag:s3] =	ssyncset.done $0x0  }
0x67: {  	[sflag:s3] =	ssyncadd.s32 $0xFFFFFE00  }
0x68: {  	v19 =	vld [tilespmem:$0x0];
	_ =	sdelay $0x4  }
0x69: {  	(v2sf) =	vpush v19, $0x0;
	_ =	sdelay $0x1  }
0x6a: {  	(v2sf) =	vpush v19, $0x1;
	_ =	sdelay $0x1  }
0x6b: {  	(v2sf) =	vpush v19, $0x2;
	_ =	sdelay $0x8  }
0x6c: {  	(v2sf) =	vpush v19, $0x3;
	_ =	sdelay $0x1  }
0x6d: {  	s5 =	spop (v2sf);
	(v2sf) =	vpush v19, $0x4;
	_ =	sdelay $0x1  }
0x6e: {  	s8 =	spop (v2sf);
	(v2sf) =	vpush v19, $0x5;
	_ =	sdelay $0x1  }
0x6f: {  	s11 =	spop (v2sf);
	(v2sf) =	vpush v19, $0x6;
	_ =	sdelay $0x1  }
0x70: {  	s1 =	sand.u32 $0xFFFFF80, s5  }
0x71: {  	s6 =	simm.s32 $0x200;
	s1 =	sadd.s32 s0, s1;
	(v2sf) =	vpush v19, $0x7  }
0x72: {  	[tilespmem:s6], [sflag:$0x1] =	stream.strided.gather [hbm4b:s1+s7], $0x800, s9, s7, $0x38;
	[tilespmem:$0x12200] =	vst v63  }
0x73: {  	s1 =	sand.u32 $0xFFFFF80, s8  }
0x74: {  	s10 =	simm.s32 $0xA00;
	s1 =	sadd.s32 s0, s1  }
0x75: {  	[tilespmem:s10], [sflag:$0x1] =	stream.strided.gather [hbm4b:s1+s7], $0x800, s9, s7, $0x38;
	[tilespmem:$0x12200] =	vst v63  }
0x76: {  	s1 =	sand.u32 $0xFFFFF80, s11  }
0x77: {  	s12 =	simm.s32 $0x1200;
	s13 =	spop (v2sf);
	s1 =	sadd.s32 s0, s1  }
0x78: {  	[tilespmem:s12], [sflag:$0x1] =	stream.strided.gather [hbm4b:s1+s7], $0x800, s9, s7, $0x38;
	[tilespmem:$0x12200] =	vst v63  }
0x79: {  	s15 =	spop (v2sf);
	(v2sf) =	vpush v19, $0x8  }
0x7a: {  	s1 =	sand.u32 $0xFFFFF80, s13  }
0x7b: {  	s14 =	simm.s32 $0x1A00;
	s1 =	sadd.s32 s0, s1;
	s17 =	spop (v2sf);
	(v2sf) =	vpush v19, $0x9  }
0x7c: {  	[tilespmem:s14], [sflag:$0x1] =	stream.strided.gather [hbm4b:s1+s7], $0x800, s9, s7, $0x38;
	[tilespmem:$0x12200] =	vst v63  }
0x7d: {  	s1 =	sand.u32 $0xFFFFF80, s15;
	s19 =	spop (v2sf);
	(v2sf) =	vpush v19, $0xA  }
0x7e: {  	s16 =	simm.s32 $0x2200;
	s1 =	sadd.s32 s0, s1  }
0x7f: {  	[tilespmem:s16], [sflag:$0x1] =	stream.strided.gather [hbm4b:s1+s7], $0x800, s9, s7, $0x38;
	[tilespmem:$0x12200] =	vst v63  }
0x80: {  	s21 =	spop (v2sf);
	(v2sf) =	vpush v19, $0xB  }
0x81: {  	s1 =	sand.u32 $0xFFFFF80, s17  }
0x82: {  	s18 =	simm.s32 $0x2A00;
	s1 =	sadd.s32 s0, s1  }
0x83: {  	[tilespmem:s18], [sflag:$0x1] =	stream.strided.gather [hbm4b:s1+s7], $0x800, s9, s7, $0x38;
	[tilespmem:$0x12200] =	vst v63  }
0x84: {  	s1 =	sand.u32 $0xFFFFF80, s19  }
0x85: {  	s20 =	simm.s32 $0x3200;
	s1 =	sadd.s32 s0, s1  }
0x86: {  	[tilespmem:s20], [sflag:$0x1] =	stream.strided.gather [hbm4b:s1+s7], $0x800, s9, s7, $0x38;
	[tilespmem:$0x12200] =	vst v63  }
0x87: {  	s1 =	sand.u32 $0xFFFFF80, s21  }
0x88: {  	s22 =	simm.s32 $0x3A00;
	s1 =	sadd.s32 s0, s1;
	s23 =	spop (v2sf);
	(v2sf) =	vpush v19, $0xC  }
0x89: {  	[tilespmem:s22], [sflag:$0x1] =	stream.strided.gather [hbm4b:s1+s7], $0x800, s9, s7, $0x38;
	[tilespmem:$0x12200] =	vst v63  }
0x8a: {  	s25 =	spop (v2sf);
	(v2sf) =	vpush v19, $0xD  }
0x8b: {  	s1 =	sand.u32 $0xFFFFF80, s23  }
0x8c: {  	s24 =	simm.s32 $0x4200;
	s1 =	sadd.s32 s0, s1;
	s30 =	spop (v2sf)  }
0x8d: {  	(v2sf) =	vpush v19, $0xE;
	[tilespmem:s24], [sflag:$0x1] =	stream.strided.gather [hbm4b:s1+s7], $0x800, s9, s7, $0x38;
	[tilespmem:$0x12200] =	vst v63  }
0x8e: {  	s1 =	sand.u32 $0xFFFFF80, s25  }
0x8f: {  	s29 =	simm.s32 $0x4A00;
	s2 =	spop (v2sf);
	s1 =	sadd.s32 s0, s1  }
0x90: {  	(v2sf) =	vpush v19, $0xF;
	[tilespmem:s29], [sflag:$0x1] =	stream.strided.gather [hbm4b:s1+s7], $0x800, s9, s7, $0x38;
	[tilespmem:$0x12200] =	vst v63  }
0x91: {  	s1 =	sand.u32 $0xFFFFF80, s30  }
0x92: {  	s31 =	simm.s32 $0x5200;
	s1 =	sadd.s32 s0, s1  }
0x93: {  	[tilespmem:s31], [sflag:$0x1] =	stream.strided.gather [hbm4b:s1+s7], $0x800, s9, s7, $0x38;
	[tilespmem:$0x12200] =	vst v63  }
0x94: {  	s1 =	sand.u32 $0xFFFFF80, s2  }
0x95: {  	s3 =	simm.s32 $0x5A00;
	s1 =	sadd.s32 s0, s1  }
0x96: {  	[tilespmem:s3], [sflag:$0x1] =	stream.strided.gather [hbm4b:s1+s7], $0x800, s9, s7, $0x38;
	[tilespmem:$0x12200] =	vst v63  }
0x97: {  	s4 =	spop (v2sf)  }
0x98: {  	s1 =	sand.u32 $0xFFFFF80, s4  }
0x99: {  	s5 =	simm.s32 $0x6200;
	s6 =	spop (v2sf);
	s1 =	sadd.s32 s0, s1  }
0x9a: {  	[tilespmem:s5], [sflag:$0x1] =	stream.strided.gather [hbm4b:s1+s7], $0x800, s9, s7, $0x38;
	[tilespmem:$0x12200] =	vst v63  }
0x9b: {  	s1 =	sand.u32 $0xFFFFF80, s6  }
0x9c: {  	s8 =	simm.s32 $0x6A00;
	s10 =	spop (v2sf);
	s1 =	sadd.s32 s0, s1  }
0x9d: {  	[tilespmem:s8], [sflag:$0x1] =	stream.strided.gather [hbm4b:s1+s7], $0x800, s9, s7, $0x38;
	[tilespmem:$0x12200] =	vst v63  }
0x9e: {  	s1 =	sand.u32 $0xFFFFF80, s10  }
0x9f: {  	s11 =	simm.s32 $0x7200;
	s12 =	spop (v2sf);
	s1 =	sadd.s32 s0, s1  }
0xa0: {  	[tilespmem:s11], [sflag:$0x1] =	stream.strided.gather [hbm4b:s1+s7], $0x800, s9, s7, $0x38;
	[tilespmem:$0x12200] =	vst v63  }
0xa1: {  	s1 =	sand.u32 $0xFFFFF80, s12  }
0xa2: {  	s13 =	simm.s32 $0x7A00;
	s23 =	simm.s32 $0x10;
	s1 =	sadd.s32 s0, s1  }
0xa3: {  	(v2sf) =	vpush v19, $0x0;
	[tilespmem:s13], [sflag:$0x1] =	stream.strided.gather [hbm4b:s1+s7], $0x800, s9, s7, $0x38;
	[tilespmem:$0x12200] =	vst v63  }
0xa4: {  	v18 =	vld [tilespmem:s23+$0x0];
	_ =	sdelay $0x4  }
0xa5: {  	(v2sf) =	vpush v18, $0x0;
	_ =	sdelay $0x1  }
0xa6: {  	(v2sf) =	vpush v18, $0x1;
	_ =	sdelay $0x1  }
0xa7: {  	(v2sf) =	vpush v18, $0x2;
	_ =	sdelay $0x2  }
0xa8: {  	(v2sf) =	vpush v18, $0x3;
	_ =	sdelay $0x1  }
0xa9: {  	s1 =	spop (v2sf);
	(v2sf) =	vpush v18, $0x4;
	_ =	sdelay $0x5  }
0xaa: {  	s14 =	spop (v2sf);
	(v2sf) =	vpush v18, $0x5;
	_ =	sdelay $0x1  }
0xab: {  	s24 =	simm.s32 $0x8000;
	s15 =	spop (v2sf);
	(v2sf) =	vpush v18, $0x6  }
0xac: {  	s2 =	sand.u32 $0x8000, s24;
	s3 =	sand.u32 $0xFFFFF80, s14  }
0xad: {  	s4 =	sor.u32 $0x200, s2;
	s3 =	sadd.s32 s0, s3;
	s17 =	spop (v2sf);
	(v2sf) =	vpush v18, $0x7  }
0xae: {  	[tilespmem:s4], [sflag:$0x1] =	stream.strided.gather [hbm4b:s3+s7], $0x800, s9, s7, $0x38;
	[tilespmem:$0x12200] =	vst v63  }
0xaf: {  	s3 =	sand.u32 $0xFFFFF80, s15  }
0xb0: {  	s16 =	sor.u32 $0xA00, s2;
	s19 =	spop (v2sf);
	s3 =	sadd.s32 s0, s3  }
0xb1: {  	[tilespmem:s16], [sflag:$0x1] =	stream.strided.gather [hbm4b:s3+s7], $0x800, s9, s7, $0x38;
	[tilespmem:$0x12200] =	vst v63  }
0xb2: {  	s21 =	spop (v2sf);
	(v2sf) =	vpush v18, $0x8;
	s3 =	sand.u32 $0xFFFFF80, s17  }
0xb3: {  	s18 =	sor.u32 $0x1200, s2;
	s3 =	sadd.s32 s0, s3  }
0xb4: {  	[tilespmem:s18], [sflag:$0x1] =	stream.strided.gather [hbm4b:s3+s7], $0x800, s9, s7, $0x38;
	[tilespmem:$0x12200] =	vst v63  }
0xb5: {  	s3 =	sand.u32 $0xFFFFF80, s19  }
0xb6: {  	s20 =	sor.u32 $0x1A00, s2;
	s3 =	sadd.s32 s0, s3  }
0xb7: {  	[tilespmem:s20], [sflag:$0x1] =	stream.strided.gather [hbm4b:s3+s7], $0x800, s9, s7, $0x38;
	[tilespmem:$0x12200] =	vst v63  }
0xb8: {  	s25 =	spop (v2sf);
	(v2sf) =	vpush v18, $0x9  }
0xb9: {  	s3 =	sand.u32 $0xFFFFF80, s21  }
0xba: {  	s22 =	sor.u32 $0x2200, s2;
	s3 =	sadd.s32 s0, s3;
	s30 =	spop (v2sf);
	(v2sf) =	vpush v18, $0xA  }
0xbb: {  	[tilespmem:s22], [sflag:$0x1] =	stream.strided.gather [hbm4b:s3+s7], $0x800, s9, s7, $0x38;
	[tilespmem:$0x12200] =	vst v63  }
0xbc: {  	s5 =	spop (v2sf);
	(v2sf) =	vpush v18, $0xB  }
0xbd: {  	s3 =	sand.u32 $0xFFFFF80, s25  }
0xbe: {  	s29 =	sor.u32 $0x2A00, s2;
	s3 =	sadd.s32 s0, s3  }
0xbf: {  	[tilespmem:s29], [sflag:$0x1] =	stream.strided.gather [hbm4b:s3+s7], $0x800, s9, s7, $0x38;
	[tilespmem:$0x12200] =	vst v63  }
0xc0: {  	s3 =	sand.u32 $0xFFFFF80, s30  }
0xc1: {  	s31 =	sor.u32 $0x3200, s2;
	s3 =	sadd.s32 s0, s3;
	s8 =	spop (v2sf)  }
0xc2: {  	(v2sf) =	vpush v18, $0xC;
	[tilespmem:s31], [sflag:$0x1] =	stream.strided.gather [hbm4b:s3+s7], $0x800, s9, s7, $0x38;
	[tilespmem:$0x12200] =	vst v63  }
0xc3: {  	s3 =	sand.u32 $0xFFFFF80, s5  }
0xc4: {  	s6 =	sor.u32 $0x3A00, s2;
	s3 =	sadd.s32 s0, s3  }
0xc5: {  	[tilespmem:s6], [sflag:$0x1] =	stream.strided.gather [hbm4b:s3+s7], $0x800, s9, s7, $0x38;
	[tilespmem:$0x12200] =	vst v63  }
0xc6: {  	s3 =	sand.u32 $0xFFFFF80, s8  }
0xc7: {  	s10 =	sor.u32 $0x4200, s2;
	s3 =	sadd.s32 s0, s3;
	s11 =	spop (v2sf);
	(v2sf) =	vpush v18, $0xD  }
0xc8: {  	[tilespmem:s10], [sflag:$0x1] =	stream.strided.gather [hbm4b:s3+s7], $0x800, s9, s7, $0x38;
	[tilespmem:$0x12200] =	vst v63  }
0xc9: {  	s13 =	spop (v2sf);
	(v2sf) =	vpush v18, $0xE  }
0xca: {  	s3 =	sand.u32 $0xFFFFF80, s11  }
0xcb: {  	s12 =	sor.u32 $0x4A00, s2;
	s3 =	sadd.s32 s0, s3;
	s15 =	spop (v2sf)  }
0xcc: {  	(v2sf) =	vpush v18, $0xF;
	[tilespmem:s12], [sflag:$0x1] =	stream.strided.gather [hbm4b:s3+s7], $0x800, s9, s7, $0x38;
	[tilespmem:$0x12200] =	vst v63  }
0xcd: {  	s3 =	sand.u32 $0xFFFFF80, s13  }
0xce: {  	s14 =	sor.u32 $0x5200, s2;
	s3 =	sadd.s32 s0, s3  }
0xcf: {  	[tilespmem:s14], [sflag:$0x1] =	stream.strided.gather [hbm4b:s3+s7], $0x800, s9, s7, $0x38;
	[tilespmem:$0x12200] =	vst v63  }
0xd0: {  	s3 =	sand.u32 $0xFFFFF80, s15  }
0xd1: {  	s16 =	sor.u32 $0x5A00, s2;
	s17 =	spop (v2sf);
	s3 =	sadd.s32 s0, s3  }
0xd2: {  	[tilespmem:s16], [sflag:$0x1] =	stream.strided.gather [hbm4b:s3+s7], $0x800, s9, s7, $0x38;
	[tilespmem:$0x12200] =	vst v63  }
0xd3: {  	s3 =	sand.u32 $0xFFFFF80, s17  }
0xd4: {  	s18 =	sor.u32 $0x6200, s2;
	s3 =	sadd.s32 s0, s3  }
0xd5: {  	[tilespmem:s18], [sflag:$0x1] =	stream.strided.gather [hbm4b:s3+s7], $0x800, s9, s7, $0x38;
	[tilespmem:$0x12200] =	vst v63  }
0xd6: {  	s19 =	spop (v2sf)  }
0xd7: {  	s3 =	sand.u32 $0xFFFFF80, s19  }
0xd8: {  	s20 =	sor.u32 $0x6A00, s2;
	(v2sf) =	vpush v19, $0x1;
	s21 =	spop (v2sf);
	s3 =	sadd.s32 s0, s3  }
0xd9: {  	[tilespmem:s20], [sflag:$0x1] =	stream.strided.gather [hbm4b:s3+s7], $0x800, s9, s7, $0x38;
	[tilespmem:$0x12200] =	vst v63  }
0xda: {  	s3 =	sand.u32 $0xFFFFF80, s21  }
0xdb: {  	s22 =	sor.u32 $0x7200, s2;
	s25 =	spop (v2sf);
	s3 =	sadd.s32 s0, s3  }
0xdc: {  	[tilespmem:s22], [sflag:$0x1] =	stream.strided.gather [hbm4b:s3+s7], $0x800, s9, s7, $0x38;
	[tilespmem:$0x12200] =	vst v63  }
0xdd: {  	s3 =	sand.u32 $0xFFFFF80, s25  }
0xde: {  	s1 =	sand.u32 $0x7F, s1;
	s2 =	sor.u32 $0x7A00, s2;
	s3 =	sadd.s32 s0, s3  }
0xdf: {  	[tilespmem:s2], [sflag:$0x1] =	stream.strided.gather [hbm4b:s3+s7], $0x800, s9, s7, $0x38;
	[tilespmem:$0x12200] =	vst v63  }
0xe0: {  	v20 =	vor.u32 s1, v0;
	s29 =	simm.s32 $0x0;
	_ =	swait.ge [sflag:s26], $0x800  }
0xe1: {  	v21 =	vmov s29;
	(v2sf) =	vpush v19, $0x2  }
0xe2: {  	s30 =	simm.s32 $0x0;
	v22 =	vshll.u32 v21, $0x3  }
0xe3: {  	s1 =	sand.u32 $0x8000, s30;
	v21 =	vand.u32 $0x70, v21;
	v22 =	vand.u32 $0xC00, v22;
	[sflag:s26] =	ssyncset.done $0x0  }
0xe4: {  	s31 =	sor.u32 $0x200, s1;
	v21 =	vor.u32 v22, v21;
	[sflag:s26] =	ssyncadd.s32 $0xFFFFF800  }
0xe5: {  	v21 =	vor.u32 v1, v21;
	v20 =	vld.idx.msk [tilespmem:v20+s31+$0x0], $0xffff;
	_ =	sdelay $0x1  }
0xe6: {  	s3 =	spop (v2sf)  }
0xe7: {  	s2 =	sand.u32 $0x7F, s3  }
0xe8: {  	s4 =	simm.s32 $0x1;
	v22 =	vor.u32 s2, v0  }
0xe9: {  	[tilespmem:v21+s28+$0x0] =	vst.idx.msk $0xffff, v20;
	v20 =	vmov s4  }
0xea: {  	_ =	swait.ge [sflag:s26], $0x800;
	v21 =	vshll.u32 v20, $0x3  }
0xeb: {  	v20 =	vand.u32 $0x71, v20;
	(v2sf) =	vpush v19, $0x3;
	[sflag:s26] =	ssyncset.done $0x0;
	v21 =	vand.u32 $0xC00, v21  }
0xec: {  	s5 =	sor.u32 $0xA00, s1;
	[sflag:s26] =	ssyncadd.s32 $0xFFFFF800;
	v20 =	vor.u32 v21, v20  }
0xed: {  	v21 =	vld.idx.msk [tilespmem:v22+s5+$0x0], $0xffff;
	v20 =	vor.u32 v1, v20;
	_ =	sdelay $0x1  }
0xee: {  	s6 =	spop (v2sf)  }
0xef: {  	s2 =	sand.u32 $0x7F, s6  }
0xf0: {  	s8 =	simm.s32 $0x2;
	v22 =	vor.u32 s2, v0  }
0xf1: {  	[tilespmem:v20+s28+$0x0] =	vst.idx.msk $0xffff, v21;
	v20 =	vmov s8  }
0xf2: {  	_ =	swait.ge [sflag:s26], $0x800;
	v21 =	vshll.u32 v20, $0x3  }
0xf3: {  	v20 =	vand.u32 $0x72, v20;
	(v2sf) =	vpush v19, $0x4;
	[sflag:s26] =	ssyncset.done $0x0;
	v21 =	vand.u32 $0xC00, v21  }
0xf4: {  	s10 =	sor.u32 $0x1200, s1;
	[sflag:s26] =	ssyncadd.s32 $0xFFFFF800;
	v20 =	vor.u32 v21, v20  }
0xf5: {  	v20 =	vor.u32 v1, v20;
	v21 =	vld.idx.msk [tilespmem:v22+s10+$0x0], $0xffff;
	_ =	sdelay $0x3  }
0xf6: {  	s11 =	spop (v2sf)  }
0xf7: {  	s2 =	sand.u32 $0x7F, s11;
	[tilespmem:v20+s28+$0x0] =	vst.idx.msk $0xffff, v21  }
0xf8: {  	s12 =	simm.s32 $0x3;
	v20 =	vor.u32 s2, v0;
	_ =	swait.ge [sflag:s26], $0x800  }
0xf9: {  	v21 =	vmov s12;
	(v2sf) =	vpush v19, $0x5  }
0xfa: {  	v22 =	vshll.u32 v21, $0x3  }
0xfb: {  	v21 =	vand.u32 $0x73, v21;
	[sflag:s26] =	ssyncset.done $0x0;
	v22 =	vand.u32 $0xC00, v22  }
0xfc: {  	s13 =	sor.u32 $0x1A00, s1;
	[sflag:s26] =	ssyncadd.s32 $0xFFFFF800;
	v21 =	vor.u32 v22, v21  }
0xfd: {  	v21 =	vor.u32 v1, v21;
	v20 =	vld.idx.msk [tilespmem:v20+s13+$0x0], $0xffff;
	_ =	sdelay $0x1  }
0xfe: {  	s14 =	spop (v2sf)  }
0xff: {  	s2 =	sand.u32 $0x7F, s14  }
0x100: {  	s15 =	simm.s32 $0x4;
	v22 =	vor.u32 s2, v0  }
0x101: {  	(v2sf) =	vpush v19, $0x6;
	[tilespmem:v21+s28+$0x0] =	vst.idx.msk $0xffff, v20;
	v20 =	vmov s15  }
0x102: {  	_ =	swait.ge [sflag:s26], $0x800;
	v21 =	vshll.u32 v20, $0x3  }
0x103: {  	v20 =	vand.u32 $0x74, v20;
	[sflag:s26] =	ssyncset.done $0x0;
	v21 =	vand.u32 $0xC00, v21  }
0x104: {  	s16 =	sor.u32 $0x2200, s1;
	[sflag:s26] =	ssyncadd.s32 $0xFFFFF800;
	v20 =	vor.u32 v21, v20  }
0x105: {  	v21 =	vld.idx.msk [tilespmem:v22+s16+$0x0], $0xffff;
	v20 =	vor.u32 v1, v20;
	_ =	sdelay $0x1  }
0x106: {  	s17 =	spop (v2sf)  }
0x107: {  	s2 =	sand.u32 $0x7F, s17  }
0x108: {  	s18 =	simm.s32 $0x5;
	v22 =	vor.u32 s2, v0  }
0x109: {  	(v2sf) =	vpush v19, $0x7;
	[tilespmem:v20+s28+$0x0] =	vst.idx.msk $0xffff, v21;
	v20 =	vmov s18  }
0x10a: {  	_ =	swait.ge [sflag:s26], $0x800;
	v21 =	vshll.u32 v20, $0x3  }
0x10b: {  	v20 =	vand.u32 $0x75, v20;
	[sflag:s26] =	ssyncset.done $0x0;
	v21 =	vand.u32 $0xC00, v21  }
0x10c: {  	s19 =	sor.u32 $0x2A00, s1;
	[sflag:s26] =	ssyncadd.s32 $0xFFFFF800;
	v20 =	vor.u32 v21, v20  }
0x10d: {  	v20 =	vor.u32 v1, v20;
	v21 =	vld.idx.msk [tilespmem:v22+s19+$0x0], $0xffff;
	_ =	sdelay $0x1  }
0x10e: {  	s20 =	spop (v2sf)  }
0x10f: {  	s2 =	sand.u32 $0x7F, s20  }
0x110: {  	s21 =	simm.s32 $0x6;
	v22 =	vor.u32 s2, v0  }
0x111: {  	v23 =	vmov s21;
	(v2sf) =	vpush v19, $0x8;
	[tilespmem:v20+s28+$0x0] =	vst.idx.msk $0xffff, v21  }
0x112: {  	v20 =	vshll.u32 v23, $0x3;
	_ =	swait.ge [sflag:s26], $0x800  }
0x113: {  	v21 =	vand.u32 $0x76, v23;
	v20 =	vand.u32 $0xC00, v20;
	[sflag:s26] =	ssyncset.done $0x0  }
0x114: {  	s22 =	sor.u32 $0x3200, s1;
	v20 =	vor.u32 v20, v21;
	[sflag:s26] =	ssyncadd.s32 $0xFFFFF800  }
0x115: {  	v20 =	vor.u32 v1, v20;
	v21 =	vld.idx.msk [tilespmem:v22+s22+$0x0], $0xffff;
	_ =	sdelay $0x1  }
0x116: {  	s25 =	spop (v2sf)  }
0x117: {  	s2 =	sand.u32 $0x7F, s25  }
0x118: {  	s29 =	simm.s32 $0x7;
	v22 =	vor.u32 s2, v0  }
0x119: {  	v23 =	vmov s29;
	(v2sf) =	vpush v19, $0x9;
	[tilespmem:v20+s28+$0x0] =	vst.idx.msk $0xffff, v21  }
0x11a: {  	v20 =	vshll.u32 v23, $0x3;
	_ =	swait.ge [sflag:s26], $0x800  }
0x11b: {  	v21 =	vand.u32 $0x77, v23;
	v20 =	vand.u32 $0xC00, v20;
	[sflag:s26] =	ssyncset.done $0x0  }
0x11c: {  	s30 =	sor.u32 $0x3A00, s1;
	v20 =	vor.u32 v20, v21;
	[sflag:s26] =	ssyncadd.s32 $0xFFFFF800  }
0x11d: {  	v20 =	vor.u32 v1, v20;
	v21 =	vld.idx.msk [tilespmem:v22+s30+$0x0], $0xffff;
	_ =	sdelay $0x1  }
0x11e: {  	s31 =	spop (v2sf)  }
0x11f: {  	s2 =	sand.u32 $0x7F, s31  }
0x120: {  	s3 =	simm.s32 $0x8;
	v22 =	vor.u32 s2, v0  }
0x121: {  	v23 =	vmov s3;
	(v2sf) =	vpush v19, $0xA;
	[tilespmem:v20+s28+$0x0] =	vst.idx.msk $0xffff, v21  }
0x122: {  	v20 =	vshll.u32 v23, $0x3;
	_ =	swait.ge [sflag:s26], $0x800  }
0x123: {  	v21 =	vand.u32 $0x78, v23;
	v20 =	vand.u32 $0xC00, v20;
	[sflag:s26] =	ssyncset.done $0x0  }
0x124: {  	s4 =	sor.u32 $0x4200, s1;
	v20 =	vor.u32 v20, v21;
	[sflag:s26] =	ssyncadd.s32 $0xFFFFF800  }
0x125: {  	v20 =	vor.u32 v1, v20;
	v21 =	vld.idx.msk [tilespmem:v22+s4+$0x0], $0xffff;
	_ =	sdelay $0x1  }
0x126: {  	s5 =	spop (v2sf)  }
0x127: {  	s2 =	sand.u32 $0x7F, s5  }
0x128: {  	s6 =	simm.s32 $0x9;
	v22 =	vor.u32 s2, v0  }
0x129: {  	v23 =	vmov s6;
	(v2sf) =	vpush v19, $0xB;
	[tilespmem:v20+s28+$0x0] =	vst.idx.msk $0xffff, v21  }
0x12a: {  	v20 =	vshll.u32 v23, $0x3;
	_ =	swait.ge [sflag:s26], $0x800  }
0x12b: {  	v21 =	vand.u32 $0x79, v23;
	v20 =	vand.u32 $0xC00, v20;
	[sflag:s26] =	ssyncset.done $0x0  }
0x12c: {  	s8 =	sor.u32 $0x4A00, s1;
	v20 =	vor.u32 v20, v21;
	[sflag:s26] =	ssyncadd.s32 $0xFFFFF800  }
0x12d: {  	v20 =	vor.u32 v1, v20;
	v21 =	vld.idx.msk [tilespmem:v22+s8+$0x0], $0xffff;
	_ =	sdelay $0x1  }
0x12e: {  	s10 =	spop (v2sf)  }
0x12f: {  	s2 =	sand.u32 $0x7F, s10  }
0x130: {  	s11 =	simm.s32 $0xA;
	v22 =	vor.u32 s2, v0  }
0x131: {  	v23 =	vmov s11;
	(v2sf) =	vpush v19, $0xC;
	[tilespmem:v20+s28+$0x0] =	vst.idx.msk $0xffff, v21  }
0x132: {  	v20 =	vshll.u32 v23, $0x3;
	_ =	swait.ge [sflag:s26], $0x800  }
0x133: {  	v21 =	vand.u32 $0x7A, v23;
	v20 =	vand.u32 $0xC00, v20;
	[sflag:s26] =	ssyncset.done $0x0  }
0x134: {  	s12 =	sor.u32 $0x5200, s1;
	v20 =	vor.u32 v20, v21;
	[sflag:s26] =	ssyncadd.s32 $0xFFFFF800  }
0x135: {  	v20 =	vor.u32 v1, v20;
	v21 =	vld.idx.msk [tilespmem:v22+s12+$0x0], $0xffff;
	_ =	sdelay $0x1  }
0x136: {  	s13 =	spop (v2sf)  }
0x137: {  	s2 =	sand.u32 $0x7F, s13  }
0x138: {  	s14 =	simm.s32 $0xB;
	v22 =	vor.u32 s2, v0  }
0x139: {  	v23 =	vmov s14;
	(v2sf) =	vpush v19, $0xD;
	[tilespmem:v20+s28+$0x0] =	vst.idx.msk $0xffff, v21  }
0x13a: {  	v20 =	vshll.u32 v23, $0x3;
	_ =	swait.ge [sflag:s26], $0x800  }
0x13b: {  	v21 =	vand.u32 $0x7B, v23;
	v20 =	vand.u32 $0xC00, v20;
	[sflag:s26] =	ssyncset.done $0x0  }
0x13c: {  	s15 =	sor.u32 $0x5A00, s1;
	v20 =	vor.u32 v20, v21;
	[sflag:s26] =	ssyncadd.s32 $0xFFFFF800  }
0x13d: {  	v20 =	vor.u32 v1, v20;
	v21 =	vld.idx.msk [tilespmem:v22+s15+$0x0], $0xffff;
	_ =	sdelay $0x1  }
0x13e: {  	s16 =	spop (v2sf)  }
0x13f: {  	s2 =	sand.u32 $0x7F, s16  }
0x140: {  	s17 =	simm.s32 $0xC;
	v22 =	vor.u32 s2, v0  }
0x141: {  	v23 =	vmov s17;
	(v2sf) =	vpush v19, $0xE;
	[tilespmem:v20+s28+$0x0] =	vst.idx.msk $0xffff, v21  }
0x142: {  	v20 =	vshll.u32 v23, $0x3;
	_ =	swait.ge [sflag:s26], $0x800  }
0x143: {  	v21 =	vand.u32 $0x7C, v23;
	v20 =	vand.u32 $0xC00, v20;
	[sflag:s26] =	ssyncset.done $0x0  }
0x144: {  	s18 =	sor.u32 $0x6200, s1;
	v20 =	vor.u32 v20, v21;
	[sflag:s26] =	ssyncadd.s32 $0xFFFFF800  }
0x145: {  	v20 =	vor.u32 v1, v20;
	v21 =	vld.idx.msk [tilespmem:v22+s18+$0x0], $0xffff;
	_ =	sdelay $0x1  }
0x146: {  	s19 =	spop (v2sf)  }
0x147: {  	s2 =	sand.u32 $0x7F, s19  }
0x148: {  	s20 =	simm.s32 $0xD;
	v22 =	vor.u32 s2, v0  }
0x149: {  	v23 =	vmov s20;
	(v2sf) =	vpush v19, $0xF;
	[tilespmem:v20+s28+$0x0] =	vst.idx.msk $0xffff, v21  }
0x14a: {  	v19 =	vshll.u32 v23, $0x3;
	_ =	swait.ge [sflag:s26], $0x800  }
0x14b: {  	v19 =	vand.u32 $0xC00, v19;
	v20 =	vand.u32 $0x7D, v23;
	[sflag:s26] =	ssyncset.done $0x0  }
0x14c: {  	s21 =	sor.u32 $0x6A00, s1;
	v19 =	vor.u32 v19, v20;
	[sflag:s26] =	ssyncadd.s32 $0xFFFFF800  }
0x14d: {  	v19 =	vor.u32 v1, v19;
	v20 =	vld.idx.msk [tilespmem:v22+s21+$0x0], $0xffff;
	_ =	sdelay $0x1  }
0x14e: {  	s22 =	spop (v2sf)  }
0x14f: {  	s2 =	sand.u32 $0x7F, s22  }
0x150: {  	s25 =	simm.s32 $0xE;
	v21 =	vor.u32 s2, v0  }
0x151: {  	v22 =	vmov s25;
	[tilespmem:v19+s28+$0x0] =	vst.idx.msk $0xffff, v20  }
0x152: {  	v19 =	vshll.u32 v22, $0x3;
	_ =	swait.ge [sflag:s26], $0x800  }
0x153: {  	v20 =	vand.u32 $0x7E, v22;
	v19 =	vand.u32 $0xC00, v19;
	[sflag:s26] =	ssyncset.done $0x0  }
0x154: {  	s29 =	sor.u32 $0x7200, s1;
	v19 =	vor.u32 v19, v20;
	[sflag:s26] =	ssyncadd.s32 $0xFFFFF800  }
0x155: {  	v19 =	vor.u32 v1, v19;
	v20 =	vld.idx.msk [tilespmem:v21+s29+$0x0], $0xffff;
	_ =	sdelay $0x1  }
0x156: {  	s30 =	simm.s32 $0xF  }
0x157: {  	v21 =	vmov s30  }
0x158: {  	s31 =	spop (v2sf);
	v22 =	vshll.u32 v21, $0x3  }
0x159: {  	s2 =	sand.u32 $0x7F, s31;
	[tilespmem:v19+s28+$0x0] =	vst.idx.msk $0xffff, v20;
	v19 =	vand.u32 $0x7F, v21;
	v20 =	vand.u32 $0xC00, v22  }
0x15a: {  	v20 =	vor.u32 v20, v19;
	v19 =	vor.u32 s2, v0;
	_ =	sdelay $0x1  }
0x15b: {  	_ =	swait.ge [sflag:s26], $0x800  }
0x15c: {  	[sflag:s26] =	ssyncset.done $0x0  }
0x15d: {  	s4 =	sor.u32 $0x7A00, s1;
	s25 =	simm.s32 $0x1F;
	v20 =	vor.u32 v1, v20;
	[sflag:s26] =	ssyncadd.s32 $0xFFFFF800  }
.LBB2_2:
0x15e: {  	p0 =	sne.s32 s25, $0x1EF;
	v21 =	vld.idx.msk [tilespmem:v19+s4+$0x0], $0xffff;
	s24 =	sadd.s32 $0x8000, s24;
	s23 =	sadd.s32 $0x10, s23;
	v19 =	vmov v18  }
0x15f: {  	s29 =	smov.u32 s25;
	s25 =	sadd.s32 $0x10, s25;
	_ =	sdelay $0x4  }
0x160: {  	[tilespmem:v20+s28+$0x0] =	vst.idx.msk $0xffff, v21  }
0x161: {  	v18 =	vld [tilespmem:s23+$0x0];
	(v2sf) =	vpush v19, $0x0;
	_ =	sdelay $0x4  }
0x162: {  	(v2sf) =	vpush v18, $0x0  }
0x163: {  	(v2sf) =	vpush v18, $0x1  }
0x164: {  	(v2sf) =	vpush v18, $0x2;
	_ =	sdelay $0x1  }
0x165: {  	(v2sf) =	vpush v18, $0x3;
	_ =	sdelay $0x1  }
0x166: {  	(v2sf) =	vpush v18, $0x4;
	_ =	sdelay $0x1  }
0x167: {  	(v2sf) =	vpush v18, $0x5;
	_ =	sdelay $0x1  }
0x168: {  	s4 =	sand.u32 $0x8000, s24;
	s21 =	sadd.s32 $0xFFFF8000, s24;
	(v2sf) =	vpush v18, $0x6;
	s1 =	spop (v2sf)  }
0x169: {  	s3 =	sor.u32 $0x1A00, s4;
	s11 =	sor.u32 $0x2200, s4;
	s5 =	sand.u32 $0x7F, s1  }
0x16a: {  	s12 =	sor.u32 $0x200, s4;
	s15 =	sor.u32 $0xA00, s4;
	s16 =	sor.u32 $0x1200, s4;
	(v2sf) =	vpush v18, $0x7  }
0x16b: {  	s18 =	sor.u32 $0x2A00, s4;
	s30 =	sor.u32 $0x6200, s4;
	s6 =	sor.u32 $0x6A00, s4  }
0x16c: {  	s31 =	sor.u32 $0x5200, s4;
	s2 =	sor.u32 $0x5A00, s4;
	s1 =	sor.u32 $0x4A00, s4;
	(v2sf) =	vpush v18, $0x8  }
0x16d: {  	s8 =	sor.u32 $0x3200, s4;
	s10 =	sor.u32 $0x4200, s4;
	s20 =	spop (v2sf)  }
0x16e: {  	s22 =	sor.u32 $0x3A00, s4;
	s13 =	sand.u32 $0xFFFFF80, s20;
	s19 =	spop (v2sf);
	(v2sf) =	vpush v18, $0x9  }
0x16f: {  	s14 =	sadd.s32 s0, s13;
	s17 =	sand.u32 $0xFFFFF80, s19;
	s13 =	spop (v2sf)  }
0x170: {  	[tilespmem:s12], [sflag:$0x1] =	stream.strided.gather [hbm4b:s14+s7], $0x800, s9, s7, $0x38;
	(v2sf) =	vpush v18, $0xA;
	[tilespmem:$0x12200] =	vst v63  }
0x171: {  	s12 =	sadd.s32 s0, s17;
	s17 =	sand.u32 $0xFFFFF80, s13;
	s14 =	spop (v2sf)  }
0x172: {  	[tilespmem:s15], [sflag:$0x1] =	stream.strided.gather [hbm4b:s12+s7], $0x800, s9, s7, $0x38;
	(v2sf) =	vpush v18, $0xB;
	[tilespmem:$0x12200] =	vst v63  }
0x173: {  	s12 =	sadd.s32 s0, s17;
	s17 =	sand.u32 $0xFFFFF80, s14;
	s15 =	spop (v2sf)  }
0x174: {  	[tilespmem:s16], [sflag:$0x1] =	stream.strided.gather [hbm4b:s12+s7], $0x800, s9, s7, $0x38;
	(v2sf) =	vpush v18, $0xC;
	[tilespmem:$0x12200] =	vst v63  }
0x175: {  	s12 =	sadd.s32 s0, s17;
	s17 =	sand.u32 $0xFFFFF80, s15;
	s16 =	spop (v2sf)  }
0x176: {  	[tilespmem:s3], [sflag:$0x1] =	stream.strided.gather [hbm4b:s12+s7], $0x800, s9, s7, $0x38;
	(v2sf) =	vpush v18, $0xD;
	[tilespmem:$0x12200] =	vst v63  }
0x177: {  	s12 =	sadd.s32 s0, s17;
	s17 =	sand.u32 $0xFFFFF80, s16;
	s3 =	spop (v2sf)  }
0x178: {  	[tilespmem:s11], [sflag:$0x1] =	stream.strided.gather [hbm4b:s12+s7], $0x800, s9, s7, $0x38;
	(v2sf) =	vpush v18, $0xE;
	[tilespmem:$0x12200] =	vst v63  }
0x179: {  	s11 =	sadd.s32 s0, s17;
	s12 =	sand.u32 $0xFFFFF80, s3;
	s17 =	spop (v2sf)  }
0x17a: {  	[tilespmem:s18], [sflag:$0x1] =	stream.strided.gather [hbm4b:s11+s7], $0x800, s9, s7, $0x38;
	(v2sf) =	vpush v18, $0xF;
	[tilespmem:$0x12200] =	vst v63  }
0x17b: {  	s11 =	sadd.s32 s0, s12;
	s12 =	sand.u32 $0xFFFFF80, s17;
	s18 =	spop (v2sf)  }
0x17c: {  	[tilespmem:s8], [sflag:$0x1] =	stream.strided.gather [hbm4b:s11+s7], $0x800, s9, s7, $0x38;
	[tilespmem:$0x12200] =	vst v63  }
0x17d: {  	s8 =	sadd.s32 s0, s12;
	s11 =	sand.u32 $0xFFFFF80, s18;
	s12 =	spop (v2sf)  }
0x17e: {  	[tilespmem:s22], [sflag:$0x1] =	stream.strided.gather [hbm4b:s8+s7], $0x800, s9, s7, $0x38;
	[tilespmem:$0x12200] =	vst v63  }
0x17f: {  	s8 =	sadd.s32 s0, s11;
	s22 =	sand.u32 $0xFFFFF80, s12;
	s11 =	spop (v2sf)  }
0x180: {  	[tilespmem:s10], [sflag:$0x1] =	stream.strided.gather [hbm4b:s8+s7], $0x800, s9, s7, $0x38;
	[tilespmem:$0x12200] =	vst v63  }
0x181: {  	s8 =	sadd.s32 s0, s22;
	s22 =	sand.u32 $0xFFFFF80, s11;
	s10 =	spop (v2sf)  }
0x182: {  	[tilespmem:s1], [sflag:$0x1] =	stream.strided.gather [hbm4b:s8+s7], $0x800, s9, s7, $0x38;
	[tilespmem:$0x12200] =	vst v63  }
0x183: {  	s8 =	sadd.s32 s0, s22;
	s22 =	sand.u32 $0xFFFFF80, s10;
	s1 =	spop (v2sf)  }
0x184: {  	[tilespmem:s31], [sflag:$0x1] =	stream.strided.gather [hbm4b:s8+s7], $0x800, s9, s7, $0x38;
	[tilespmem:$0x12200] =	vst v63  }
0x185: {  	s8 =	sadd.s32 s0, s22;
	s22 =	sand.u32 $0xFFFFF80, s1;
	s31 =	spop (v2sf);
	(v2sf) =	vpush v19, $0x1  }
0x186: {  	[tilespmem:s2], [sflag:$0x1] =	stream.strided.gather [hbm4b:s8+s7], $0x800, s9, s7, $0x38;
	[tilespmem:$0x12200] =	vst v63  }
0x187: {  	s8 =	sadd.s32 s0, s22;
	s22 =	sand.u32 $0xFFFFF80, s31;
	s2 =	spop (v2sf)  }
0x188: {  	[tilespmem:s30], [sflag:$0x1] =	stream.strided.gather [hbm4b:s8+s7], $0x800, s9, s7, $0x38;
	[tilespmem:$0x12200] =	vst v63  }
0x189: {  	s8 =	sadd.s32 s0, s22;
	s22 =	sand.u32 $0xFFFFF80, s2;
	s30 =	spop (v2sf)  }
0x18a: {  	[tilespmem:s6], [sflag:$0x1] =	stream.strided.gather [hbm4b:s8+s7], $0x800, s9, s7, $0x38;
	[tilespmem:$0x12200] =	vst v63  }
0x18b: {  	s6 =	sor.u32 $0x7200, s4;
	s8 =	sadd.s32 s0, s22;
	s22 =	sand.u32 $0xFFFFF80, s30  }
0x18c: {  	v20 =	vor.u32 s5, v0;
	[tilespmem:s6], [sflag:$0x1] =	stream.strided.gather [hbm4b:s8+s7], $0x800, s9, s7, $0x38;
	[tilespmem:$0x12200] =	vst v63  }
0x18d: {  	s4 =	sor.u32 $0x7A00, s4;
	s5 =	sadd.s32 s0, s22;
	s6 =	sadd.s32 $0xFFFFFFF1, s29  }
0x18e: {  	v21 =	vmov s6;
	[tilespmem:s4], [sflag:$0x1] =	stream.strided.gather [hbm4b:s5+s7], $0x800, s9, s7, $0x38;
	[tilespmem:$0x12200] =	vst v63  }
0x18f: {  	_ =	swait.ge [sflag:s26], $0x800  }
0x190: {  	s21 =	sand.u32 $0x8000, s21;
	v22 =	vshll.u32 v21, $0x3;
	(v2sf) =	vpush v19, $0x2  }
0x191: {  	s4 =	sor.u32 $0x200, s21;
	v21 =	vand.u32 $0x70, v21;
	v22 =	vand.u32 $0xC00, v22;
	[sflag:s26] =	ssyncset.done $0x0  }
0x192: {  	v21 =	vor.u32 v22, v21;
	[sflag:s26] =	ssyncadd.s32 $0xFFFFF800  }
0x193: {  	v21 =	vor.u32 v1, v21;
	v20 =	vld.idx.msk [tilespmem:v20+s4+$0x0], $0xffff;
	_ =	sdelay $0x1  }
0x194: {  	s4 =	spop (v2sf)  }
0x195: {  	s4 =	sand.u32 $0x7F, s4  }
0x196: {  	v22 =	vor.u32 s4, v0  }
0x197: {  	s4 =	sadd.s32 $0xFFFFFFF2, s29  }
0x198: {  	[tilespmem:v21+s28+$0x0] =	vst.idx.msk $0xffff, v20;
	v20 =	vmov s4  }
0x199: {  	_ =	swait.ge [sflag:s26], $0x800  }
0x19a: {  	v21 =	vshll.u32 v20, $0x3;
	(v2sf) =	vpush v19, $0x3  }
0x19b: {  	s4 =	sor.u32 $0xA00, s21;
	v20 =	vand.u32 $0x71, v20;
	v21 =	vand.u32 $0xC00, v21;
	[sflag:s26] =	ssyncset.done $0x0  }
0x19c: {  	v20 =	vor.u32 v21, v20;
	[sflag:s26] =	ssyncadd.s32 $0xFFFFF800  }
0x19d: {  	v20 =	vor.u32 v1, v20;
	v21 =	vld.idx.msk [tilespmem:v22+s4+$0x0], $0xffff;
	_ =	sdelay $0x1  }
0x19e: {  	s4 =	spop (v2sf)  }
0x19f: {  	s4 =	sand.u32 $0x7F, s4  }
0x1a0: {  	v22 =	vor.u32 s4, v0  }
0x1a1: {  	s4 =	sadd.s32 $0xFFFFFFF3, s29  }
0x1a2: {  	[tilespmem:v20+s28+$0x0] =	vst.idx.msk $0xffff, v21;
	v20 =	vmov s4  }
0x1a3: {  	_ =	swait.ge [sflag:s26], $0x800  }
0x1a4: {  	v21 =	vshll.u32 v20, $0x3;
	(v2sf) =	vpush v19, $0x4  }
0x1a5: {  	s4 =	sor.u32 $0x1200, s21;
	v20 =	vand.u32 $0x72, v20;
	v21 =	vand.u32 $0xC00, v21;
	[sflag:s26] =	ssyncset.done $0x0  }
0x1a6: {  	v20 =	vor.u32 v21, v20;
	[sflag:s26] =	ssyncadd.s32 $0xFFFFF800  }
0x1a7: {  	v20 =	vor.u32 v1, v20;
	v21 =	vld.idx.msk [tilespmem:v22+s4+$0x0], $0xffff;
	_ =	sdelay $0x1  }
0x1a8: {  	s4 =	spop (v2sf)  }
0x1a9: {  	s4 =	sand.u32 $0x7F, s4  }
0x1aa: {  	v22 =	vor.u32 s4, v0  }
0x1ab: {  	s4 =	sadd.s32 $0xFFFFFFF4, s29  }
0x1ac: {  	[tilespmem:v20+s28+$0x0] =	vst.idx.msk $0xffff, v21;
	v20 =	vmov s4  }
0x1ad: {  	_ =	swait.ge [sflag:s26], $0x800  }
0x1ae: {  	v21 =	vshll.u32 v20, $0x3;
	(v2sf) =	vpush v19, $0x5  }
0x1af: {  	s4 =	sor.u32 $0x1A00, s21;
	v20 =	vand.u32 $0x73, v20;
	v21 =	vand.u32 $0xC00, v21;
	[sflag:s26] =	ssyncset.done $0x0  }
0x1b0: {  	v20 =	vor.u32 v21, v20;
	[sflag:s26] =	ssyncadd.s32 $0xFFFFF800  }
0x1b1: {  	v20 =	vor.u32 v1, v20;
	v21 =	vld.idx.msk [tilespmem:v22+s4+$0x0], $0xffff;
	_ =	sdelay $0x1  }
0x1b2: {  	s4 =	spop (v2sf)  }
0x1b3: {  	s4 =	sand.u32 $0x7F, s4  }
0x1b4: {  	v22 =	vor.u32 s4, v0  }
0x1b5: {  	s4 =	sadd.s32 $0xFFFFFFF5, s29;
	(v2sf) =	vpush v19, $0x6  }
0x1b6: {  	[tilespmem:v20+s28+$0x0] =	vst.idx.msk $0xffff, v21;
	v20 =	vmov s4  }
0x1b7: {  	_ =	swait.ge [sflag:s26], $0x800;
	v21 =	vshll.u32 v20, $0x3  }
0x1b8: {  	s4 =	sor.u32 $0x2200, s21;
	v20 =	vand.u32 $0x74, v20;
	[sflag:s26] =	ssyncset.done $0x0;
	v21 =	vand.u32 $0xC00, v21  }
0x1b9: {  	[sflag:s26] =	ssyncadd.s32 $0xFFFFF800;
	v20 =	vor.u32 v21, v20  }
0x1ba: {  	v21 =	vld.idx.msk [tilespmem:v22+s4+$0x0], $0xffff;
	v20 =	vor.u32 v1, v20;
	_ =	sdelay $0x1  }
0x1bb: {  	s4 =	spop (v2sf)  }
0x1bc: {  	s4 =	sand.u32 $0x7F, s4  }
0x1bd: {  	v22 =	vor.u32 s4, v0  }
0x1be: {  	s4 =	sadd.s32 $0xFFFFFFF6, s29;
	(v2sf) =	vpush v19, $0x7  }
0x1bf: {  	[tilespmem:v20+s28+$0x0] =	vst.idx.msk $0xffff, v21;
	v20 =	vmov s4  }
0x1c0: {  	_ =	swait.ge [sflag:s26], $0x800;
	v21 =	vand.u32 $0x75, v20;
	v20 =	vshll.u32 v20, $0x3  }
0x1c1: {  	s4 =	sor.u32 $0x2A00, s21;
	[sflag:s26] =	ssyncset.done $0x0;
	v20 =	vand.u32 $0xC00, v20  }
0x1c2: {  	[sflag:s26] =	ssyncadd.s32 $0xFFFFF800;
	v20 =	vor.u32 v20, v21  }
0x1c3: {  	v21 =	vld.idx.msk [tilespmem:v22+s4+$0x0], $0xffff;
	v20 =	vor.u32 v1, v20;
	s4 =	spop (v2sf)  }
0x1c4: {  	s4 =	sand.u32 $0x7F, s4  }
0x1c5: {  	v22 =	vor.u32 s4, v0  }
0x1c6: {  	s4 =	sadd.s32 $0xFFFFFFF7, s29  }
0x1c7: {  	v23 =	vmov s4  }
0x1c8: {  	v24 =	vshll.u32 v23, $0x3;
	(v2sf) =	vpush v19, $0x8  }
0x1c9: {  	s4 =	sor.u32 $0x3200, s21;
	[tilespmem:v20+s28+$0x0] =	vst.idx.msk $0xffff, v21;
	v20 =	vand.u32 $0x76, v23;
	v21 =	vand.u32 $0xC00, v24  }
0x1ca: {  	_ =	swait.ge [sflag:s26], $0x800;
	v20 =	vor.u32 v21, v20  }
0x1cb: {  	[sflag:s26] =	ssyncset.done $0x0;
	v20 =	vor.u32 v1, v20  }
0x1cc: {  	[sflag:s26] =	ssyncadd.s32 $0xFFFFF800  }
0x1cd: {  	v21 =	vld.idx.msk [tilespmem:v22+s4+$0x0], $0xffff;
	s4 =	spop (v2sf)  }
0x1ce: {  	s4 =	sand.u32 $0x7F, s4  }
0x1cf: {  	v22 =	vor.u32 s4, v0  }
0x1d0: {  	s4 =	sadd.s32 $0xFFFFFFF8, s29  }
0x1d1: {  	v23 =	vmov s4  }
0x1d2: {  	v24 =	vshll.u32 v23, $0x3;
	(v2sf) =	vpush v19, $0x9  }
0x1d3: {  	s4 =	sor.u32 $0x3A00, s21;
	[tilespmem:v20+s28+$0x0] =	vst.idx.msk $0xffff, v21;
	v20 =	vand.u32 $0x77, v23;
	v21 =	vand.u32 $0xC00, v24  }
0x1d4: {  	_ =	swait.ge [sflag:s26], $0x800;
	v20 =	vor.u32 v21, v20  }
0x1d5: {  	[sflag:s26] =	ssyncset.done $0x0;
	v20 =	vor.u32 v1, v20  }
0x1d6: {  	[sflag:s26] =	ssyncadd.s32 $0xFFFFF800  }
0x1d7: {  	v21 =	vld.idx.msk [tilespmem:v22+s4+$0x0], $0xffff;
	s4 =	spop (v2sf)  }
0x1d8: {  	s4 =	sand.u32 $0x7F, s4  }
0x1d9: {  	v22 =	vor.u32 s4, v0  }
0x1da: {  	s4 =	sadd.s32 $0xFFFFFFF9, s29  }
0x1db: {  	v23 =	vmov s4  }
0x1dc: {  	v24 =	vshll.u32 v23, $0x3;
	(v2sf) =	vpush v19, $0xA  }
0x1dd: {  	s4 =	sor.u32 $0x4200, s21;
	[tilespmem:v20+s28+$0x0] =	vst.idx.msk $0xffff, v21;
	v20 =	vand.u32 $0x78, v23;
	v21 =	vand.u32 $0xC00, v24  }
0x1de: {  	_ =	swait.ge [sflag:s26], $0x800;
	v20 =	vor.u32 v21, v20  }
0x1df: {  	[sflag:s26] =	ssyncset.done $0x0;
	v20 =	vor.u32 v1, v20  }
0x1e0: {  	[sflag:s26] =	ssyncadd.s32 $0xFFFFF800  }
0x1e1: {  	v21 =	vld.idx.msk [tilespmem:v22+s4+$0x0], $0xffff;
	s4 =	spop (v2sf)  }
0x1e2: {  	s4 =	sand.u32 $0x7F, s4  }
0x1e3: {  	v22 =	vor.u32 s4, v0  }
0x1e4: {  	s4 =	sadd.s32 $0xFFFFFFFA, s29  }
0x1e5: {  	v23 =	vmov s4  }
0x1e6: {  	v24 =	vshll.u32 v23, $0x3;
	(v2sf) =	vpush v19, $0xB  }
0x1e7: {  	s4 =	sor.u32 $0x4A00, s21;
	[tilespmem:v20+s28+$0x0] =	vst.idx.msk $0xffff, v21;
	v20 =	vand.u32 $0x79, v23;
	v21 =	vand.u32 $0xC00, v24  }
0x1e8: {  	_ =	swait.ge [sflag:s26], $0x800;
	v20 =	vor.u32 v21, v20  }
0x1e9: {  	[sflag:s26] =	ssyncset.done $0x0;
	v20 =	vor.u32 v1, v20  }
0x1ea: {  	[sflag:s26] =	ssyncadd.s32 $0xFFFFF800  }
0x1eb: {  	v21 =	vld.idx.msk [tilespmem:v22+s4+$0x0], $0xffff;
	s4 =	spop (v2sf)  }
0x1ec: {  	s4 =	sand.u32 $0x7F, s4  }
0x1ed: {  	v22 =	vor.u32 s4, v0  }
0x1ee: {  	s4 =	sadd.s32 $0xFFFFFFFB, s29  }
0x1ef: {  	v23 =	vmov s4  }
0x1f0: {  	v24 =	vshll.u32 v23, $0x3;
	(v2sf) =	vpush v19, $0xC  }
0x1f1: {  	s4 =	sor.u32 $0x5200, s21;
	[tilespmem:v20+s28+$0x0] =	vst.idx.msk $0xffff, v21;
	v20 =	vand.u32 $0x7A, v23;
	v21 =	vand.u32 $0xC00, v24  }
0x1f2: {  	_ =	swait.ge [sflag:s26], $0x800;
	v20 =	vor.u32 v21, v20  }
0x1f3: {  	[sflag:s26] =	ssyncset.done $0x0;
	v20 =	vor.u32 v1, v20  }
0x1f4: {  	[sflag:s26] =	ssyncadd.s32 $0xFFFFF800  }
0x1f5: {  	v21 =	vld.idx.msk [tilespmem:v22+s4+$0x0], $0xffff;
	s4 =	spop (v2sf)  }
0x1f6: {  	s4 =	sand.u32 $0x7F, s4  }
0x1f7: {  	v22 =	vor.u32 s4, v0  }
0x1f8: {  	s4 =	sadd.s32 $0xFFFFFFFC, s29  }
0x1f9: {  	v23 =	vmov s4  }
0x1fa: {  	v24 =	vshll.u32 v23, $0x3;
	(v2sf) =	vpush v19, $0xD  }
0x1fb: {  	s4 =	sor.u32 $0x5A00, s21;
	[tilespmem:v20+s28+$0x0] =	vst.idx.msk $0xffff, v21;
	v20 =	vand.u32 $0x7B, v23;
	v21 =	vand.u32 $0xC00, v24  }
0x1fc: {  	_ =	swait.ge [sflag:s26], $0x800;
	v20 =	vor.u32 v21, v20  }
0x1fd: {  	[sflag:s26] =	ssyncset.done $0x0;
	v20 =	vor.u32 v1, v20  }
0x1fe: {  	[sflag:s26] =	ssyncadd.s32 $0xFFFFF800  }
0x1ff: {  	v21 =	vld.idx.msk [tilespmem:v22+s4+$0x0], $0xffff;
	s4 =	spop (v2sf)  }
0x200: {  	s4 =	sand.u32 $0x7F, s4  }
0x201: {  	v22 =	vor.u32 s4, v0  }
0x202: {  	s4 =	sadd.s32 $0xFFFFFFFD, s29  }
0x203: {  	v23 =	vmov s4  }
0x204: {  	v24 =	vshll.u32 v23, $0x3;
	(v2sf) =	vpush v19, $0xE  }
0x205: {  	s4 =	sor.u32 $0x6200, s21;
	[tilespmem:v20+s28+$0x0] =	vst.idx.msk $0xffff, v21;
	v20 =	vand.u32 $0x7C, v23;
	v21 =	vand.u32 $0xC00, v24  }
0x206: {  	_ =	swait.ge [sflag:s26], $0x800;
	v20 =	vor.u32 v21, v20  }
0x207: {  	[sflag:s26] =	ssyncset.done $0x0;
	v20 =	vor.u32 v1, v20  }
0x208: {  	[sflag:s26] =	ssyncadd.s32 $0xFFFFF800  }
0x209: {  	v21 =	vld.idx.msk [tilespmem:v22+s4+$0x0], $0xffff;
	s4 =	spop (v2sf)  }
0x20a: {  	s4 =	sand.u32 $0x7F, s4  }
0x20b: {  	v22 =	vor.u32 s4, v0  }
0x20c: {  	s4 =	sadd.s32 $0xFFFFFFFE, s29  }
0x20d: {  	v23 =	vmov s4  }
0x20e: {  	v24 =	vshll.u32 v23, $0x3;
	(v2sf) =	vpush v19, $0xF  }
0x20f: {  	s4 =	sor.u32 $0x6A00, s21;
	v19 =	vand.u32 $0x7D, v23;
	[tilespmem:v20+s28+$0x0] =	vst.idx.msk $0xffff, v21;
	v20 =	vand.u32 $0xC00, v24  }
0x210: {  	_ =	swait.ge [sflag:s26], $0x800;
	v19 =	vor.u32 v20, v19  }
0x211: {  	[sflag:s26] =	ssyncset.done $0x0;
	v19 =	vor.u32 v1, v19  }
0x212: {  	[sflag:s26] =	ssyncadd.s32 $0xFFFFF800  }
0x213: {  	v20 =	vld.idx.msk [tilespmem:v22+s4+$0x0], $0xffff;
	s4 =	spop (v2sf)  }
0x214: {  	s4 =	sand.u32 $0x7F, s4  }
0x215: {  	v21 =	vor.u32 s4, v0  }
0x216: {  	s4 =	sadd.s32 $0xFFFFFFFF, s29  }
0x217: {  	v22 =	vmov s4  }
0x218: {  	v23 =	vshll.u32 v22, $0x3  }
0x219: {  	s4 =	sor.u32 $0x7200, s21;
	[tilespmem:v19+s28+$0x0] =	vst.idx.msk $0xffff, v20;
	v19 =	vand.u32 $0x7E, v22;
	v20 =	vand.u32 $0xC00, v23  }
0x21a: {  	_ =	swait.ge [sflag:s26], $0x800;
	v19 =	vor.u32 v20, v19  }
0x21b: {  	[sflag:s26] =	ssyncset.done $0x0;
	v20 =	vor.u32 v1, v19  }
0x21c: {  	[sflag:s26] =	ssyncadd.s32 $0xFFFFF800  }
0x21d: {  	v21 =	vld.idx.msk [tilespmem:v21+s4+$0x0], $0xffff;
	s4 =	spop (v2sf)  }
0x21e: {  	s4 =	sand.u32 $0x7F, s4  }
0x21f: {  	v19 =	vor.u32 s4, v0;
	_ =	sdelay $0x1  }
0x220: {  	v22 =	vmov s29  }
.Ltmp0:
0x221: {  	v23 =	vshll.u32 v22, $0x3;
	(pc) =	sbr.rel @p0 .LBB2_2-.Ltmp0, $4  }
0x222: {  	s4 =	sor.u32 $0x7A00, s21;
	[tilespmem:v20+s28+$0x0] =	vst.idx.msk $0xffff, v21;
	v20 =	vand.u32 $0x7F, v22;
	v21 =	vand.u32 $0xC00, v23  }
0x223: {  	_ =	swait.ge [sflag:s26], $0x800;
	v20 =	vor.u32 v21, v20  }
0x224: {  	[sflag:s26] =	ssyncset.done $0x0;
	v20 =	vor.u32 v1, v20  }
0x225: {  	[sflag:s26] =	ssyncadd.s32 $0xFFFFF800  }
0x226: {  	_ =	sdelay $0x3  }
0x227: {  	v18 =	vld.idx.msk [tilespmem:v19+s4+$0x0], $0xffff;
	_ =	sdelay $0x2  }
0x228: {  	s25 =	sand.u32 $0x7F, s20  }
0x229: {  	v19 =	vor.u32 s25, v0  }
0x22a: {  	[tilespmem:v20+s28+$0x0] =	vst.idx.msk $0xffff, v18  }
0x22b: {  	_ =	swait.ge [sflag:s26], $0x800  }
0x22c: {  	[sflag:s26] =	ssyncset.done $0x0  }
0x22d: {  	s29 =	simm.s32 $0x8200;
	[sflag:s26] =	ssyncadd.s32 $0xFFFFF800  }
0x22e: {  	v18 =	vld.idx.msk [tilespmem:v19+s29+$0x0], $0xffff;
	_ =	sdelay $0x2  }
0x22f: {  	s5 =	sand.u32 $0x7F, s19  }
0x230: {  	v19 =	vor.u32 s5, v0  }
0x231: {  	[tilespmem:v2+s28+$0x0] =	vst.idx.msk $0xffff, v18  }
0x232: {  	_ =	swait.ge [sflag:s26], $0x800  }
0x233: {  	[sflag:s26] =	ssyncset.done $0x0  }
0x234: {  	s6 =	simm.s32 $0x8A00;
	[sflag:s26] =	ssyncadd.s32 $0xFFFFF800  }
0x235: {  	v18 =	vld.idx.msk [tilespmem:v19+s6+$0x0], $0xffff;
	_ =	sdelay $0x2  }
0x236: {  	s8 =	sand.u32 $0x7F, s13  }
0x237: {  	v19 =	vor.u32 s8, v0  }
0x238: {  	[tilespmem:v3+s28+$0x0] =	vst.idx.msk $0xffff, v18  }
0x239: {  	_ =	swait.ge [sflag:s26], $0x800  }
0x23a: {  	[sflag:s26] =	ssyncset.done $0x0  }
0x23b: {  	s13 =	simm.s32 $0x9200;
	[sflag:s26] =	ssyncadd.s32 $0xFFFFF800  }
0x23c: {  	v18 =	vld.idx.msk [tilespmem:v19+s13+$0x0], $0xffff;
	_ =	sdelay $0x2  }
0x23d: {  	s19 =	sand.u32 $0x7F, s14  }
0x23e: {  	v19 =	vor.u32 s19, v0  }
0x23f: {  	[tilespmem:v4+s28+$0x0] =	vst.idx.msk $0xffff, v18  }
0x240: {  	_ =	swait.ge [sflag:s26], $0x800  }
0x241: {  	[sflag:s26] =	ssyncset.done $0x0  }
0x242: {  	s20 =	simm.s32 $0x9A00;
	[sflag:s26] =	ssyncadd.s32 $0xFFFFF800  }
0x243: {  	v18 =	vld.idx.msk [tilespmem:v19+s20+$0x0], $0xffff;
	_ =	sdelay $0x2  }
0x244: {  	s21 =	sand.u32 $0x7F, s15  }
0x245: {  	v19 =	vor.u32 s21, v0  }
0x246: {  	[tilespmem:v5+s28+$0x0] =	vst.idx.msk $0xffff, v18  }
0x247: {  	_ =	swait.ge [sflag:s26], $0x800  }
0x248: {  	[sflag:s26] =	ssyncset.done $0x0  }
0x249: {  	s22 =	simm.s32 $0xA200;
	[sflag:s26] =	ssyncadd.s32 $0xFFFFF800  }
0x24a: {  	v18 =	vld.idx.msk [tilespmem:v19+s22+$0x0], $0xffff;
	_ =	sdelay $0x2  }
0x24b: {  	s23 =	sand.u32 $0x7F, s16  }
0x24c: {  	v19 =	vor.u32 s23, v0  }
0x24d: {  	[tilespmem:v6+s28+$0x0] =	vst.idx.msk $0xffff, v18  }
0x24e: {  	_ =	swait.ge [sflag:s26], $0x800  }
0x24f: {  	[sflag:s26] =	ssyncset.done $0x0  }
0x250: {  	s24 =	simm.s32 $0xAA00;
	[sflag:s26] =	ssyncadd.s32 $0xFFFFF800  }
0x251: {  	v18 =	vld.idx.msk [tilespmem:v19+s24+$0x0], $0xffff;
	_ =	sdelay $0x2  }
0x252: {  	s3 =	sand.u32 $0x7F, s3  }
0x253: {  	v19 =	vor.u32 s3, v0  }
0x254: {  	[tilespmem:v7+s28+$0x0] =	vst.idx.msk $0xffff, v18  }
0x255: {  	_ =	swait.ge [sflag:s26], $0x800  }
0x256: {  	[sflag:s26] =	ssyncset.done $0x0  }
0x257: {  	s25 =	simm.s32 $0xB200;
	[sflag:s26] =	ssyncadd.s32 $0xFFFFF800  }
0x258: {  	v18 =	vld.idx.msk [tilespmem:v19+s25+$0x0], $0xffff;
	_ =	sdelay $0x2  }
0x259: {  	s29 =	sand.u32 $0x7F, s17  }
0x25a: {  	v19 =	vor.u32 s29, v0  }
0x25b: {  	[tilespmem:v8+s28+$0x0] =	vst.idx.msk $0xffff, v18  }
0x25c: {  	_ =	swait.ge [sflag:s26], $0x800  }
0x25d: {  	[sflag:s26] =	ssyncset.done $0x0  }
0x25e: {  	s4 =	simm.s32 $0xBA00;
	[sflag:s26] =	ssyncadd.s32 $0xFFFFF800  }
0x25f: {  	v18 =	vld.idx.msk [tilespmem:v19+s4+$0x0], $0xffff;
	_ =	sdelay $0x2  }
0x260: {  	s5 =	sand.u32 $0x7F, s18  }
0x261: {  	v19 =	vor.u32 s5, v0  }
0x262: {  	[tilespmem:v9+s28+$0x0] =	vst.idx.msk $0xffff, v18  }
0x263: {  	_ =	swait.ge [sflag:s26], $0x800  }
0x264: {  	[sflag:s26] =	ssyncset.done $0x0  }
0x265: {  	s6 =	simm.s32 $0xC200;
	[sflag:s26] =	ssyncadd.s32 $0xFFFFF800  }
0x266: {  	v18 =	vld.idx.msk [tilespmem:v19+s6+$0x0], $0xffff;
	_ =	sdelay $0x2  }
0x267: {  	s8 =	sand.u32 $0x7F, s12  }
0x268: {  	v19 =	vor.u32 s8, v0  }
0x269: {  	[tilespmem:v10+s28+$0x0] =	vst.idx.msk $0xffff, v18  }
0x26a: {  	_ =	swait.ge [sflag:s26], $0x800  }
0x26b: {  	[sflag:s26] =	ssyncset.done $0x0  }
0x26c: {  	s12 =	simm.s32 $0xCA00;
	[sflag:s26] =	ssyncadd.s32 $0xFFFFF800  }
0x26d: {  	v18 =	vld.idx.msk [tilespmem:v19+s12+$0x0], $0xffff;
	_ =	sdelay $0x2  }
0x26e: {  	s13 =	sand.u32 $0x7F, s11  }
0x26f: {  	v19 =	vor.u32 s13, v0  }
0x270: {  	[tilespmem:v11+s28+$0x0] =	vst.idx.msk $0xffff, v18  }
0x271: {  	_ =	swait.ge [sflag:s26], $0x800  }
0x272: {  	[sflag:s26] =	ssyncset.done $0x0  }
0x273: {  	s14 =	simm.s32 $0xD200;
	[sflag:s26] =	ssyncadd.s32 $0xFFFFF800  }
0x274: {  	v18 =	vld.idx.msk [tilespmem:v19+s14+$0x0], $0xffff;
	_ =	sdelay $0x2  }
0x275: {  	s15 =	sand.u32 $0x7F, s10  }
0x276: {  	v19 =	vor.u32 s15, v0  }
0x277: {  	[tilespmem:v12+s28+$0x0] =	vst.idx.msk $0xffff, v18  }
0x278: {  	_ =	swait.ge [sflag:s26], $0x800  }
0x279: {  	[sflag:s26] =	ssyncset.done $0x0  }
0x27a: {  	s16 =	simm.s32 $0xDA00;
	[sflag:s26] =	ssyncadd.s32 $0xFFFFF800  }
0x27b: {  	v18 =	vld.idx.msk [tilespmem:v19+s16+$0x0], $0xffff;
	_ =	sdelay $0x2  }
0x27c: {  	s1 =	sand.u32 $0x7F, s1  }
0x27d: {  	v19 =	vor.u32 s1, v0  }
0x27e: {  	[tilespmem:v13+s28+$0x0] =	vst.idx.msk $0xffff, v18  }
0x27f: {  	_ =	swait.ge [sflag:s26], $0x800  }
0x280: {  	[sflag:s26] =	ssyncset.done $0x0  }
0x281: {  	s17 =	simm.s32 $0xE200;
	[sflag:s26] =	ssyncadd.s32 $0xFFFFF800  }
0x282: {  	v18 =	vld.idx.msk [tilespmem:v19+s17+$0x0], $0xffff;
	_ =	sdelay $0x2  }
0x283: {  	s18 =	sand.u32 $0x7F, s31  }
0x284: {  	v19 =	vor.u32 s18, v0  }
0x285: {  	[tilespmem:v14+s28+$0x0] =	vst.idx.msk $0xffff, v18  }
0x286: {  	_ =	swait.ge [sflag:s26], $0x800  }
0x287: {  	[sflag:s26] =	ssyncset.done $0x0  }
0x288: {  	s19 =	simm.s32 $0xEA00;
	[sflag:s26] =	ssyncadd.s32 $0xFFFFF800  }
0x289: {  	v18 =	vld.idx.msk [tilespmem:v19+s19+$0x0], $0xffff;
	_ =	sdelay $0x2  }
0x28a: {  	s20 =	sand.u32 $0x7F, s2  }
0x28b: {  	v19 =	vor.u32 s20, v0  }
0x28c: {  	[tilespmem:v15+s28+$0x0] =	vst.idx.msk $0xffff, v18  }
0x28d: {  	_ =	swait.ge [sflag:s26], $0x800  }
0x28e: {  	[sflag:s26] =	ssyncset.done $0x0  }
0x28f: {  	s21 =	simm.s32 $0xF200;
	[sflag:s26] =	ssyncadd.s32 $0xFFFFF800  }
0x290: {  	v18 =	vld.idx.msk [tilespmem:v19+s21+$0x0], $0xffff;
	_ =	sdelay $0x2  }
0x291: {  	s22 =	sand.u32 $0x7F, s30  }
0x292: {  	v19 =	vor.u32 s22, v0  }
0x293: {  	[tilespmem:v16+s28+$0x0] =	vst.idx.msk $0xffff, v18  }
0x294: {  	_ =	swait.ge [sflag:s26], $0x800  }
0x295: {  	[sflag:s26] =	ssyncset.done $0x0  }
0x296: {  	s23 =	simm.s32 $0xFA00;
	[sflag:s26] =	ssyncadd.s32 $0xFFFFF800  }
0x297: {  	v18 =	vld.idx.msk [tilespmem:v19+s23+$0x0], $0xffff;
	_ =	sdelay $0x3  }
0x298: {  	s3 =	simm.s32 $0x2  }
0x299: {  	s25 =	simm.s32 $0x1000;
	s29 =	simm.s32 $0x20000;
	s24 =	rddreg [dreg:$0x5];
	[tilespmem:v17+s28+$0x0] =	vst.idx.msk $0xffff, v18  }
0x29a: {  	[hbm4b:s24+s25] =	stream.strided.scatter [tilespmem:s28], [sflag:$0x2], $0x2000, s29, s25, $0x38;
	[tilespmem:$0x12200] =	vst v63  }
0x29b: {  	_ =	swait.ge [sflag:s3], $0x2000  }
0x29c: {  	s30 =	rddreg [dreg:$0x7]  }
0x29d: {  	s31 =	rddreg [dreg:$0x6];
	s2 =	sadd.s32 $0x1, s30  }
0x29e: {  	p0 =	sne.s32 s2, s31  }
.Ltmp1:
0x29f: {  	_ = 	snop;
	(pc) =	sbr.rel @p0 .LBB2_1-.Ltmp1, $3  }
0x2a0: {  	_ =	sdelay $0x1  }
0x2a1: {  	[sflag:s3] =	ssyncset.done $0x0  }
0x2a2: {  	[sflag:s3] =	ssyncadd.s32 $0xFFFFE000  }
0x2a3: {  	_ =	sfence.sel $0x180000  }
0x2a4: {  	[bflag:$0x0] =	sbarrier.arrive $0xFFFF  }
0x2a5: {  	_ =	strace $0x90000047  }
0x2a6: {  	s0 =	stileid.u32;
	[bflag:$0x2] =	sbarrier.arrive $0xFFFF  }
0x2a7: {  	p0 =	sne.s32 s0, $0x0;
	s0 =	rddreg [dreg:$0x3]  }
0x2a8: {  	s0 =	sadd.s32 @!p0 $0x100000, s0  }
0x2a9: {  	[sflag:s0] =	ssyncadd.tile.s32 @!p0 $0x1;
	_ =	shalt  }
.Lfunc_end2:
_tile_overlayer_lowered:
.L_overlay_start_2:
0x2aa: {  	(tag) =	ssettag $0x2  }
0x2ab: {  	s0 =	rddreg [dreg:$0x0];
	s2 =	stileid.u32  }
0x2ac: {  	s1 =	rddreg [dreg:$0x1];
	p0 =	sne.s32 s2, $0x0  }
0x2ad: {  	s3 =	rddreg [dreg:$0x2];
	[bflag:$0x3] =	sbarrier.arrive $0xFFFF;
	s2 =	simm.s32 @!p0 $0x1C02  }
0x2ae: {  	[timem:s3], [sflag:s2] =	dma.local @!p0 [hbm:s0], s1  }
0x2af: {  	s0 =	simm.s32 @!p0 $0x2  }
0x2b0: {  	_ =	swait.ge @!p0 [sflag:s0], s1  }
0x2b1: {  	s1 =	ssub.s32 @!p0 $0x0, s1;
	[sflag:s0] =	ssyncset.done @!p0 $0x0  }
0x2b2: {  	[sflag:s0] =	ssyncadd.s32 @!p0 s1  }
0x2b3: {  	[bflag:$0x3] =	sbarrier.arrive $0xFFFF  }
0x2b4: {  	_ =	shalt  }

</sc_bundles>
